<compile_context>
chip_gen: v7x
topology: tpu7x:2x2x1
jax: 0.10.2.dev20260603
libtpu: 0.0.44.dev20260713+nightly
codegen_flags: <defaults>
</compile_context>

<pallas_src>
import jax
import jax.numpy as jnp
from jax import lax
from jax.experimental import pallas as pl
from jax.experimental.pallas import tpu as pltpu
from jax.experimental.pallas import tpu_sc as plsc

N_TIMESTEPS = 100000
D = 64
B_ROWS = 4096
B_COLS = 200

NC, NS = 2, 16
NW = NC * NS
BB = 128
N_UNITS = B_COLS
NB = 4
DP = 65


def _gather_body(idx_hbm, table_hbm, out_hbm, idx_v, rows_v, rowsp_v, tiles_v,
                 gsem, tsem):
    wid = lax.axis_index("s") * NC + lax.axis_index("c")
    pltpu.sync_copy(idx_hbm.at[wid], idx_v)

    def fire_gather(j, b):
        pltpu.async_copy(table_hbm.at[idx_v.at[j]], rows_v.at[b], gsem.at[b])

    def wait_gather(j, b):
        pltpu.make_async_copy(
            table_hbm.at[idx_v.at[j]], rows_v.at[b], gsem.at[b]).wait()

    def fire_tiles(j, b):
        pltpu.async_copy(tiles_v.at[b], out_hbm.at[j, :, wid], tsem.at[b])

    def wait_tiles(j, b):
        pltpu.make_async_copy(
            tiles_v.at[b], out_hbm.at[j, :, wid], tsem.at[b]).wait()

    lanes = lax.iota(jnp.int32, 16)
    row_vecs = [blk * 16 + lanes for blk in range(8)]

    def transpose(b):
        @plsc.parallel_loop(0, BB, unroll=8)
        def _r(r):
            for d0 in range(0, D, 16):
                rowsp_v[r, pl.ds(d0, 16)] = rows_v[b, r, pl.ds(d0, 16)]

        @plsc.parallel_loop(0, 64, unroll=4)
        def _d(d):
            col = jnp.full((16,), d, jnp.int32)
            d_hi = lax.shift_right_logical(d, 3)
            d_lo = lax.bitwise_and(d, 7)
            for blk in range(8):
                v = plsc.load_gather(rowsp_v, [row_vecs[blk], col])
                tiles_v[b, d_hi, d_lo, pl.ds(blk * 16, 16)] = v

    for b in range(NB):
        fire_gather(b, b)

    @pl.loop(0, N_UNITS // NB)
    def _group(g):
        base = g * NB
        for b in range(NB):
            j = base + b
            wait_gather(j, b)

            @pl.when(g > 0)
            def _():
                wait_tiles(j - NB, b)

            transpose(b)
            fire_tiles(j, b)

            @pl.when(g < N_UNITS // NB - 1)
            def _():
                fire_gather(j + NB, b)

    for b in range(NB):
        wait_tiles(N_UNITS - NB + b, b)


def kernel(pos_indicies, W):
    idx3 = (pos_indicies.astype(jnp.int32)
            .T.reshape(B_COLS, NW, BB).transpose(1, 0, 2))
    mesh = plsc.VectorSubcoreMesh(core_axis_name="c", subcore_axis_name="s")
    out = pl.kernel(
        _gather_body,
        out_type=jax.ShapeDtypeStruct((B_COLS, 8, NW, 8, BB), jnp.float32),
        mesh=mesh,
        scratch_types=[
            pltpu.VMEM((N_UNITS, BB), jnp.int32),
            pltpu.VMEM((NB, BB, D), jnp.float32),
            pltpu.VMEM((BB, DP), jnp.float32),
            pltpu.VMEM((NB, 8, 8, BB), jnp.float32),
            pltpu.SemaphoreType.DMA((NB,)),
            pltpu.SemaphoreType.DMA((NB,)),
        ],
        compiler_params=pltpu.CompilerParams(
            use_tc_tiling_on_sc=False, needs_layout_passes=False,
            disable_bounds_checks=True),
    )(idx3, W)
    return out.transpose(2, 4, 0, 1, 3).reshape(B_ROWS, B_COLS, D)

# --- scband reference (transcript-rebuilt; emitter-appended) ---
"""Pipeline reference for scband-learned-position-encoder-32152125177941 (READ-ONLY COPY).

The authoritative reference and input builder live on the scoring server;
editing this copy changes nothing except your own understanding.
"""

import jax, jax.numpy as jnp
import numpy as np

N_TIMESTEPS = 100000
D_MODEL = 64


def setup_inputs(seed: int = 0) -> dict:
    key = jax.random.key(seed)
    k_idx, k_w = jax.random.split(key)
    pos_indicies = jax.random.randint(k_idx, (4096, 200), 0, N_TIMESTEPS, dtype=jnp.int64 if jax.config.jax_enable_x64 else jnp.int32)
    # nn.init.uniform_ -> U[0, 1)
    W = jax.random.uniform(k_w, (N_TIMESTEPS, D_MODEL), dtype=jnp.float32)
    return {"pos_indicies": pos_indicies, "W": W}


def reference(pos_indicies, W):
    idx = pos_indicies.astype(jnp.int32)
    return jnp.take(W, idx, axis=0)

if __name__ == "__main__":
    import jax
    _d = setup_inputs()
    print(jax.jit(kernel)(*tuple(_d.values())))

</pallas_src>

<mosaic_0001>
#map = affine_map<(d0, d1) -> (0, 0, 0)>
#map1 = affine_map<(d0, d1) -> (0, 0)>
#map2 = affine_map<(d0, d1) -> (0, 0, 0, 0, 0)>
module attributes {stable_mosaic.version = 14 : i64} {
  func.func @_gather_body(%arg0: i32, %arg1: i32, %arg2: memref<32x200x128xi32, #tpu.memory_space<hbm>>, %arg3: memref<100000x64xf32, #tpu.memory_space<hbm>>, %arg4: memref<200x8x32x8x128xf32, #tpu.memory_space<hbm>>, %arg5: memref<200x128xi32, #tpu.memory_space<vmem>>, %arg6: memref<4x128x64xf32, #tpu.memory_space<vmem>>, %arg7: memref<128x65xf32, #tpu.memory_space<vmem>>, %arg8: memref<4x8x8x128xf32, #tpu.memory_space<vmem>>, %arg9: memref<4x!tpu.dma_semaphore, #tpu.memory_space<semaphore_mem>>, %arg10: memref<4x!tpu.dma_semaphore, #tpu.memory_space<semaphore_mem>>) attributes {dimension_semantics = [#tpu.dimension_semantics<core_parallel>, #tpu.dimension_semantics<subcore_parallel>], iteration_bounds = array<i64: 2, 16>, scalar_prefetch = 0 : i64, scratch_operands = 6 : i64, tpu.core_type = #tpu.core_type<sc_vector_subcore>, window_params = [{transform_indices = #map}, {transform_indices = #map1}, {transform_indices = #map2}]} {
    %mul3A = arith.constant 2 : i32
    %mul3A_0 = arith.muli %arg1, %mul3A : i32
    %add3A = arith.addi %mul3A_0, %arg0 : i32
    "tpu.region"() ({
      %run_scoped3A = tpu.sem_alloc : memref<!tpu.dma_semaphore, #tpu.memory_space<semaphore_mem>>
      %dma_start3A_187 = arith.constant 0 : i32
      %dma_start3A_188 = arith.constant 0 : i32
      %dma_start3A_189 = tpu.memref_slice %arg2[%add3A, %dma_start3A_187, %dma_start3A_188] : memref<32x200x128xi32, #tpu.memory_space<hbm>> -> memref<1x200x128xi32, #tpu.memory_space<hbm>>
      %dma_start3A_190 = tpu.memref_squeeze %dma_start3A_189 : memref<1x200x128xi32, #tpu.memory_space<hbm>> -> memref<200x128xi32, #tpu.memory_space<hbm>>
      %dma_start3A_191 = arith.constant 0 : i32
      %dma_start3A_192 = arith.constant 0 : i32
      %dma_start3A_193 = tpu.memref_slice %arg2[%add3A, %dma_start3A_191, %dma_start3A_192] : memref<32x200x128xi32, #tpu.memory_space<hbm>> -> memref<1x200x128xi32, #tpu.memory_space<hbm>>
      %dma_start3A_194 = tpu.memref_squeeze %dma_start3A_193 : memref<1x200x128xi32, #tpu.memory_space<hbm>> -> memref<200x128xi32, #tpu.memory_space<hbm>>
      tpu.enqueue_dma source(%dma_start3A_194 : memref<200x128xi32, #tpu.memory_space<hbm>>) target(%arg5 : memref<200x128xi32, #tpu.memory_space<vmem>>) target_semaphore(%run_scoped3A : memref<!tpu.dma_semaphore, #tpu.memory_space<semaphore_mem>>)
      %dma_wait3A_195 = arith.constant 0 : i32
      %dma_wait3A_196 = arith.constant 0 : i32
      %dma_wait3A_197 = tpu.memref_slice %arg2[%add3A, %dma_wait3A_195, %dma_wait3A_196] : memref<32x200x128xi32, #tpu.memory_space<hbm>> -> memref<1x200x128xi32, #tpu.memory_space<hbm>>
      %dma_wait3A_198 = tpu.memref_squeeze %dma_wait3A_197 : memref<1x200x128xi32, #tpu.memory_space<hbm>> -> memref<200x128xi32, #tpu.memory_space<hbm>>
      %dma_wait3A_199 = arith.constant 0 : i32
      %dma_wait3A_200 = arith.constant 0 : i32
      %dma_wait3A_201 = tpu.memref_slice %arg2[%add3A, %dma_wait3A_199, %dma_wait3A_200] : memref<32x200x128xi32, #tpu.memory_space<hbm>> -> memref<1x200x128xi32, #tpu.memory_space<hbm>>
      %dma_wait3A_202 = tpu.memref_squeeze %dma_wait3A_201 : memref<1x200x128xi32, #tpu.memory_space<hbm>> -> memref<200x128xi32, #tpu.memory_space<hbm>>
      tpu.wait_dma2 semaphore(%run_scoped3A : memref<!tpu.dma_semaphore, #tpu.memory_space<semaphore_mem>>) src(%dma_wait3A_202 : memref<200x128xi32, #tpu.memory_space<hbm>>) dst(%arg5 : memref<200x128xi32, #tpu.memory_space<vmem>>)
      tpu.yield
    }) : () -> ()
    %iota3A = tpu.iota {dimensions = array<i32: 0>} : vector<16xi32>
    %add3A_1 = arith.constant 0 : i32
    %add3A_2 = vector.broadcast %add3A_1 : i32 to vector<16xi32>
    %add3A_3 = arith.addi %add3A_2, %iota3A : vector<16xi32>
    %add3A_4 = arith.constant 16 : i32
    %add3A_5 = vector.broadcast %add3A_4 : i32 to vector<16xi32>
    %add3A_6 = arith.addi %add3A_5, %iota3A : vector<16xi32>
    %add3A_7 = arith.constant 32 : i32
    %add3A_8 = vector.broadcast %add3A_7 : i32 to vector<16xi32>
    %add3A_9 = arith.addi %add3A_8, %iota3A : vector<16xi32>
    %add3A_10 = arith.constant 48 : i32
    %add3A_11 = vector.broadcast %add3A_10 : i32 to vector<16xi32>
    %add3A_12 = arith.addi %add3A_11, %iota3A : vector<16xi32>
    %add3A_13 = arith.constant 64 : i32
    %add3A_14 = vector.broadcast %add3A_13 : i32 to vector<16xi32>
    %add3A_15 = arith.addi %add3A_14, %iota3A : vector<16xi32>
    %add3A_16 = arith.constant 80 : i32
    %add3A_17 = vector.broadcast %add3A_16 : i32 to vector<16xi32>
    %add3A_18 = arith.addi %add3A_17, %iota3A : vector<16xi32>
    %add3A_19 = arith.constant 96 : i32
    %add3A_20 = vector.broadcast %add3A_19 : i32 to vector<16xi32>
    %add3A_21 = arith.addi %add3A_20, %iota3A : vector<16xi32>
    %add3A_22 = arith.constant 112 : i32
    %add3A_23 = vector.broadcast %add3A_22 : i32 to vector<16xi32>
    %add3A_24 = arith.addi %add3A_23, %iota3A : vector<16xi32>
    %dma_start3A = arith.constant 0 : i32
    %dma_start3A_25 = arith.constant 0 : i32
    %dma_start3A_26 = arith.constant 0 : i32
    %dma_start3A_27 = arith.constant 0 : i32
    %dma_start3A_28 = arith.constant 0 : i32
    %dma_start3A_29 = tpu.memref_slice %arg6[%dma_start3A_25, %dma_start3A_27, %dma_start3A_28] : memref<4x128x64xf32, #tpu.memory_space<vmem>> -> memref<1x128x64xf32, #tpu.memory_space<vmem>>
    %dma_start3A_30 = tpu.memref_squeeze %dma_start3A_29 : memref<1x128x64xf32, #tpu.memory_space<vmem>> -> memref<128x64xf32, #tpu.memory_space<vmem>>
    %dma_start3A_31 = arith.constant 0 : i32
    %dma_start3A_32 = tpu.memref_slice %arg5[%dma_start3A, %dma_start3A_31] : memref<200x128xi32, #tpu.memory_space<vmem>> -> memref<1x128xi32, #tpu.memory_space<vmem>>
    %dma_start3A_33 = tpu.memref_squeeze %dma_start3A_32 : memref<1x128xi32, #tpu.memory_space<vmem>> -> memref<128xi32, #tpu.memory_space<vmem>>
    %dma_start3A_34 = arith.constant 0 : i32
    %dma_start3A_35 = arith.constant 0 : i32
    %dma_start3A_36 = tpu.memref_slice %arg3[%dma_start3A_34, %dma_start3A_35] : memref<100000x64xf32, #tpu.memory_space<hbm>> -> memref<100000x64xf32, #tpu.memory_space<hbm>>
    %dma_start3A_37 = tpu.memref_slice %arg9[%dma_start3A_26] : memref<4x!tpu.dma_semaphore, #tpu.memory_space<semaphore_mem>> -> memref<1x!tpu.dma_semaphore, #tpu.memory_space<semaphore_mem>>
    %dma_start3A_38 = tpu.memref_squeeze %dma_start3A_37 : memref<1x!tpu.dma_semaphore, #tpu.memory_space<semaphore_mem>> -> memref<!tpu.dma_semaphore, #tpu.memory_space<semaphore_mem>>
    tpu.enqueue_indirect_dma source(%dma_start3A_36 : memref<100000x64xf32, #tpu.memory_space<hbm>>) target(%dma_start3A_30 : memref<128x64xf32, #tpu.memory_space<vmem>>) offsets(%dma_start3A_33 : memref<128xi32, #tpu.memory_space<vmem>>) semaphore(%dma_start3A_38 : memref<!tpu.dma_semaphore, #tpu.memory_space<semaphore_mem>>)
    %dma_start3A_39 = arith.constant 1 : i32
    %dma_start3A_40 = arith.constant 1 : i32
    %dma_start3A_41 = arith.constant 1 : i32
    %dma_start3A_42 = arith.constant 0 : i32
    %dma_start3A_43 = arith.constant 0 : i32
    %dma_start3A_44 = tpu.memref_slice %arg6[%dma_start3A_40, %dma_start3A_42, %dma_start3A_43] : memref<4x128x64xf32, #tpu.memory_space<vmem>> -> memref<1x128x64xf32, #tpu.memory_space<vmem>>
    %dma_start3A_45 = tpu.memref_squeeze %dma_start3A_44 : memref<1x128x64xf32, #tpu.memory_space<vmem>> -> memref<128x64xf32, #tpu.memory_space<vmem>>
    %dma_start3A_46 = arith.constant 0 : i32
    %dma_start3A_47 = tpu.memref_slice %arg5[%dma_start3A_39, %dma_start3A_46] : memref<200x128xi32, #tpu.memory_space<vmem>> -> memref<1x128xi32, #tpu.memory_space<vmem>>
    %dma_start3A_48 = tpu.memref_squeeze %dma_start3A_47 : memref<1x128xi32, #tpu.memory_space<vmem>> -> memref<128xi32, #tpu.memory_space<vmem>>
    %dma_start3A_49 = arith.constant 0 : i32
    %dma_start3A_50 = arith.constant 0 : i32
    %dma_start3A_51 = tpu.memref_slice %arg3[%dma_start3A_49, %dma_start3A_50] : memref<100000x64xf32, #tpu.memory_space<hbm>> -> memref<100000x64xf32, #tpu.memory_space<hbm>>
    %dma_start3A_52 = tpu.memref_slice %arg9[%dma_start3A_41] : memref<4x!tpu.dma_semaphore, #tpu.memory_space<semaphore_mem>> -> memref<1x!tpu.dma_semaphore, #tpu.memory_space<semaphore_mem>>
    %dma_start3A_53 = tpu.memref_squeeze %dma_start3A_52 : memref<1x!tpu.dma_semaphore, #tpu.memory_space<semaphore_mem>> -> memref<!tpu.dma_semaphore, #tpu.memory_space<semaphore_mem>>
    tpu.enqueue_indirect_dma source(%dma_start3A_51 : memref<100000x64xf32, #tpu.memory_space<hbm>>) target(%dma_start3A_45 : memref<128x64xf32, #tpu.memory_space<vmem>>) offsets(%dma_start3A_48 : memref<128xi32, #tpu.memory_space<vmem>>) semaphore(%dma_start3A_53 : memref<!tpu.dma_semaphore, #tpu.memory_space<semaphore_mem>>)
    %dma_start3A_54 = arith.constant 2 : i32
    %dma_start3A_55 = arith.constant 2 : i32
    %dma_start3A_56 = arith.constant 2 : i32
    %dma_start3A_57 = arith.constant 0 : i32
    %dma_start3A_58 = arith.constant 0 : i32
    %dma_start3A_59 = tpu.memref_slice %arg6[%dma_start3A_55, %dma_start3A_57, %dma_start3A_58] : memref<4x128x64xf32, #tpu.memory_space<vmem>> -> memref<1x128x64xf32, #tpu.memory_space<vmem>>
    %dma_start3A_60 = tpu.memref_squeeze %dma_start3A_59 : memref<1x128x64xf32, #tpu.memory_space<vmem>> -> memref<128x64xf32, #tpu.memory_space<vmem>>
    %dma_start3A_61 = arith.constant 0 : i32
    %dma_start3A_62 = tpu.memref_slice %arg5[%dma_start3A_54, %dma_start3A_61] : memref<200x128xi32, #tpu.memory_space<vmem>> -> memref<1x128xi32, #tpu.memory_space<vmem>>
    %dma_start3A_63 = tpu.memref_squeeze %dma_start3A_62 : memref<1x128xi32, #tpu.memory_space<vmem>> -> memref<128xi32, #tpu.memory_space<vmem>>
    %dma_start3A_64 = arith.constant 0 : i32
    %dma_start3A_65 = arith.constant 0 : i32
    %dma_start3A_66 = tpu.memref_slice %arg3[%dma_start3A_64, %dma_start3A_65] : memref<100000x64xf32, #tpu.memory_space<hbm>> -> memref<100000x64xf32, #tpu.memory_space<hbm>>
    %dma_start3A_67 = tpu.memref_slice %arg9[%dma_start3A_56] : memref<4x!tpu.dma_semaphore, #tpu.memory_space<semaphore_mem>> -> memref<1x!tpu.dma_semaphore, #tpu.memory_space<semaphore_mem>>
    %dma_start3A_68 = tpu.memref_squeeze %dma_start3A_67 : memref<1x!tpu.dma_semaphore, #tpu.memory_space<semaphore_mem>> -> memref<!tpu.dma_semaphore, #tpu.memory_space<semaphore_mem>>
    tpu.enqueue_indirect_dma source(%dma_start3A_66 : memref<100000x64xf32, #tpu.memory_space<hbm>>) target(%dma_start3A_60 : memref<128x64xf32, #tpu.memory_space<vmem>>) offsets(%dma_start3A_63 : memref<128xi32, #tpu.memory_space<vmem>>) semaphore(%dma_start3A_68 : memref<!tpu.dma_semaphore, #tpu.memory_space<semaphore_mem>>)
    %dma_start3A_69 = arith.constant 3 : i32
    %dma_start3A_70 = arith.constant 3 : i32
    %dma_start3A_71 = arith.constant 3 : i32
    %dma_start3A_72 = arith.constant 0 : i32
    %dma_start3A_73 = arith.constant 0 : i32
    %dma_start3A_74 = tpu.memref_slice %arg6[%dma_start3A_70, %dma_start3A_72, %dma_start3A_73] : memref<4x128x64xf32, #tpu.memory_space<vmem>> -> memref<1x128x64xf32, #tpu.memory_space<vmem>>
    %dma_start3A_75 = tpu.memref_squeeze %dma_start3A_74 : memref<1x128x64xf32, #tpu.memory_space<vmem>> -> memref<128x64xf32, #tpu.memory_space<vmem>>
    %dma_start3A_76 = arith.constant 0 : i32
    %dma_start3A_77 = tpu.memref_slice %arg5[%dma_start3A_69, %dma_start3A_76] : memref<200x128xi32, #tpu.memory_space<vmem>> -> memref<1x128xi32, #tpu.memory_space<vmem>>
    %dma_start3A_78 = tpu.memref_squeeze %dma_start3A_77 : memref<1x128xi32, #tpu.memory_space<vmem>> -> memref<128xi32, #tpu.memory_space<vmem>>
    %dma_start3A_79 = arith.constant 0 : i32
    %dma_start3A_80 = arith.constant 0 : i32
    %dma_start3A_81 = tpu.memref_slice %arg3[%dma_start3A_79, %dma_start3A_80] : memref<100000x64xf32, #tpu.memory_space<hbm>> -> memref<100000x64xf32, #tpu.memory_space<hbm>>
    %dma_start3A_82 = tpu.memref_slice %arg9[%dma_start3A_71] : memref<4x!tpu.dma_semaphore, #tpu.memory_space<semaphore_mem>> -> memref<1x!tpu.dma_semaphore, #tpu.memory_space<semaphore_mem>>
    %dma_start3A_83 = tpu.memref_squeeze %dma_start3A_82 : memref<1x!tpu.dma_semaphore, #tpu.memory_space<semaphore_mem>> -> memref<!tpu.dma_semaphore, #tpu.memory_space<semaphore_mem>>
    tpu.enqueue_indirect_dma source(%dma_start3A_81 : memref<100000x64xf32, #tpu.memory_space<hbm>>) target(%dma_start3A_75 : memref<128x64xf32, #tpu.memory_space<vmem>>) offsets(%dma_start3A_78 : memref<128xi32, #tpu.memory_space<vmem>>) semaphore(%dma_start3A_83 : memref<!tpu.dma_semaphore, #tpu.memory_space<semaphore_mem>>)
    %scan3A = arith.constant 0 : i32
    %scan3A_84 = arith.constant 50 : i32
    %scan3A_85 = arith.addi %scan3A, %scan3A_84 : i32
    %scan3A_86 = arith.constant 1 : i32
    scf.for %scan3A_187 = %scan3A to %scan3A_85 step %scan3A_86  : i32 {
      %mul3A_188 = arith.constant 1 : i32
      %mul3A_189 = arith.muli %scan3A_187, %mul3A_188 : i32
      %add3A_190 = arith.constant 0 : i32
      %add3A_191 = arith.addi %add3A_190, %mul3A_189 : i32
      %mul3A_192 = arith.constant 4 : i32
      %mul3A_193 = arith.muli %add3A_191, %mul3A_192 : i32
      %add3A_194 = arith.constant 0 : i32
      %add3A_195 = arith.addi %mul3A_193, %add3A_194 : i32
      %dma_wait3A_196 = arith.constant 0 : i32
      %dma_wait3A_197 = arith.constant 0 : i32
      %dma_wait3A_198 = arith.constant 0 : i32
      %dma_wait3A_199 = arith.constant 0 : i32
      %dma_wait3A_200 = tpu.memref_slice %arg6[%dma_wait3A_196, %dma_wait3A_198, %dma_wait3A_199] : memref<4x128x64xf32, #tpu.memory_space<vmem>> -> memref<1x128x64xf32, #tpu.memory_space<vmem>>
      %dma_wait3A_201 = tpu.memref_squeeze %dma_wait3A_200 : memref<1x128x64xf32, #tpu.memory_space<vmem>> -> memref<128x64xf32, #tpu.memory_space<vmem>>
      %dma_wait3A_202 = arith.constant 0 : i32
      %dma_wait3A_203 = tpu.memref_slice %arg5[%add3A_195, %dma_wait3A_202] : memref<200x128xi32, #tpu.memory_space<vmem>> -> memref<1x128xi32, #tpu.memory_space<vmem>>
      %dma_wait3A_204 = tpu.memref_squeeze %dma_wait3A_203 : memref<1x128xi32, #tpu.memory_space<vmem>> -> memref<128xi32, #tpu.memory_space<vmem>>
      %dma_wait3A_205 = arith.constant 0 : i32
      %dma_wait3A_206 = arith.constant 0 : i32
      %dma_wait3A_207 = tpu.memref_slice %arg3[%dma_wait3A_205, %dma_wait3A_206] : memref<100000x64xf32, #tpu.memory_space<hbm>> -> memref<100000x64xf32, #tpu.memory_space<hbm>>
      %dma_wait3A_208 = tpu.memref_slice %arg9[%dma_wait3A_197] : memref<4x!tpu.dma_semaphore, #tpu.memory_space<semaphore_mem>> -> memref<1x!tpu.dma_semaphore, #tpu.memory_space<semaphore_mem>>
      %dma_wait3A_209 = tpu.memref_squeeze %dma_wait3A_208 : memref<1x!tpu.dma_semaphore, #tpu.memory_space<semaphore_mem>> -> memref<!tpu.dma_semaphore, #tpu.memory_space<semaphore_mem>>
      tpu.wait_indirect_dma semaphore(%dma_wait3A_209 : memref<!tpu.dma_semaphore, #tpu.memory_space<semaphore_mem>>) src(%dma_wait3A_207 : memref<100000x64xf32, #tpu.memory_space<hbm>>) dst(%dma_wait3A_201 : memref<128x64xf32, #tpu.memory_space<vmem>>)
      %gt3A = arith.constant 0 : i32
      %gt3A_210 = arith.cmpi sgt, %add3A_191, %gt3A : i32
      %convert_element_type3A = arith.extui %gt3A_210 : i1 to i32
      %cond3A = arith.constant 0 : i32
      %cond3A_211 = arith.cmpi ne, %convert_element_type3A, %cond3A : i32
      scf.if %cond3A_211 {
        %sub3A = arith.constant 4 : i32
        %sub3A_413 = arith.subi %add3A_195, %sub3A : i32
        %dma_wait3A_414 = arith.constant 0 : i32
        %dma_wait3A_415 = arith.constant 0 : i32
        %dma_wait3A_416 = arith.constant 0 : i32
        %dma_wait3A_417 = arith.constant 0 : i32
        %dma_wait3A_418 = arith.constant 0 : i32
        %dma_wait3A_419 = tpu.memref_slice %arg8[%dma_wait3A_414, %dma_wait3A_416, %dma_wait3A_417, %dma_wait3A_418] : memref<4x8x8x128xf32, #tpu.memory_space<vmem>> -> memref<1x8x8x128xf32, #tpu.memory_space<vmem>>
        %dma_wait3A_420 = tpu.memref_squeeze %dma_wait3A_419 : memref<1x8x8x128xf32, #tpu.memory_space<vmem>> -> memref<8x8x128xf32, #tpu.memory_space<vmem>>
        %dma_wait3A_421 = arith.constant 0 : i32
        %dma_wait3A_422 = arith.constant 0 : i32
        %dma_wait3A_423 = arith.constant 0 : i32
        %dma_wait3A_424 = tpu.memref_slice %arg4[%sub3A_413, %dma_wait3A_421, %add3A, %dma_wait3A_422, %dma_wait3A_423] : memref<200x8x32x8x128xf32, #tpu.memory_space<hbm>> -> memref<1x8x1x8x128xf32, #tpu.memory_space<hbm>>
        %dma_wait3A_425 = tpu.memref_squeeze %dma_wait3A_424 : memref<1x8x1x8x128xf32, #tpu.memory_space<hbm>> -> memref<8x8x128xf32, #tpu.memory_space<hbm>>
        %dma_wait3A_426 = tpu.memref_slice %arg10[%dma_wait3A_415] : memref<4x!tpu.dma_semaphore, #tpu.memory_space<semaphore_mem>> -> memref<1x!tpu.dma_semaphore, #tpu.memory_space<semaphore_mem>>
        %dma_wait3A_427 = tpu.memref_squeeze %dma_wait3A_426 : memref<1x!tpu.dma_semaphore, #tpu.memory_space<semaphore_mem>> -> memref<!tpu.dma_semaphore, #tpu.memory_space<semaphore_mem>>
        %dma_wait3A_428 = arith.constant 0 : i32
        %dma_wait3A_429 = arith.constant 0 : i32
        %dma_wait3A_430 = arith.constant 0 : i32
        %dma_wait3A_431 = tpu.memref_slice %arg4[%sub3A_413, %dma_wait3A_428, %add3A, %dma_wait3A_429, %dma_wait3A_430] : memref<200x8x32x8x128xf32, #tpu.memory_space<hbm>> -> memref<1x8x1x8x128xf32, #tpu.memory_space<hbm>>
        %dma_wait3A_432 = tpu.memref_squeeze %dma_wait3A_431 : memref<1x8x1x8x128xf32, #tpu.memory_space<hbm>> -> memref<8x8x128xf32, #tpu.memory_space<hbm>>
        %dma_wait3A_433 = arith.constant 0 : i32
        %dma_wait3A_434 = arith.constant 0 : i32
        %dma_wait3A_435 = arith.constant 0 : i32
        %dma_wait3A_436 = tpu.memref_slice %arg8[%dma_wait3A_414, %dma_wait3A_433, %dma_wait3A_434, %dma_wait3A_435] : memref<4x8x8x128xf32, #tpu.memory_space<vmem>> -> memref<1x8x8x128xf32, #tpu.memory_space<vmem>>
        %dma_wait3A_437 = tpu.memref_squeeze %dma_wait3A_436 : memref<1x8x8x128xf32, #tpu.memory_space<vmem>> -> memref<8x8x128xf32, #tpu.memory_space<vmem>>
        tpu.wait_dma2 semaphore(%dma_wait3A_427 : memref<!tpu.dma_semaphore, #tpu.memory_space<semaphore_mem>>) src(%dma_wait3A_437 : memref<8x8x128xf32, #tpu.memory_space<vmem>>) dst(%dma_wait3A_432 : memref<8x8x128xf32, #tpu.memory_space<hbm>>)
      } else {
      }
      %parallel_loop3A = arith.constant 0 : i32
      %parallel_loop3A_212 = arith.constant 128 : i32
      %parallel_loop3A_213 = arith.constant 1 : i32
      scf.for %parallel_loop3A_413 = %parallel_loop3A to %parallel_loop3A_212 step %parallel_loop3A_213  : i32 {
        %parallel_loop3A_414 = arith.constant 0 : i32
        %parallel_loop3A_415 = arith.index_cast %parallel_loop3A_414 : i32 to index
        %parallel_loop3A_416 = arith.index_cast %parallel_loop3A_413 : i32 to index
        %parallel_loop3A_417 = arith.constant 0 : index
        %parallel_loop3A_418 = tpu.vector_load %arg6[%parallel_loop3A_415, %parallel_loop3A_416, %parallel_loop3A_417] {strides = array<i32>} : memref<4x128x64xf32, #tpu.memory_space<vmem>>, vector<16xf32>,
        %parallel_loop3A_419 = arith.index_cast %parallel_loop3A_413 : i32 to index
        %parallel_loop3A_420 = arith.constant 0 : index
        %parallel_loop3A_421 = tpu.vector_load %arg7[%parallel_loop3A_419, %parallel_loop3A_420] {strides = array<i32>} : memref<128x65xf32, #tpu.memory_space<vmem>>, vector<16xf32>,
        tpu.vector_store %arg7[%parallel_loop3A_419, %parallel_loop3A_420], %parallel_loop3A_418 {strides = array<i32>} : memref<128x65xf32, #tpu.memory_space<vmem>>, vector<16xf32>,
        %parallel_loop3A_422 = arith.constant 0 : i32
        %parallel_loop3A_423 = arith.index_cast %parallel_loop3A_422 : i32 to index
        %parallel_loop3A_424 = arith.index_cast %parallel_loop3A_413 : i32 to index
        %parallel_loop3A_425 = arith.constant 16 : index
        %parallel_loop3A_426 = tpu.vector_load %arg6[%parallel_loop3A_423, %parallel_loop3A_424, %parallel_loop3A_425] {strides = array<i32>} : memref<4x128x64xf32, #tpu.memory_space<vmem>>, vector<16xf32>,
        %parallel_loop3A_427 = arith.index_cast %parallel_loop3A_413 : i32 to index
        %parallel_loop3A_428 = arith.constant 16 : index
        %parallel_loop3A_429 = tpu.vector_load %arg7[%parallel_loop3A_427, %parallel_loop3A_428] {strides = array<i32>} : memref<128x65xf32, #tpu.memory_space<vmem>>, vector<16xf32>,
        tpu.vector_store %arg7[%parallel_loop3A_427, %parallel_loop3A_428], %parallel_loop3A_426 {strides = array<i32>} : memref<128x65xf32, #tpu.memory_space<vmem>>, vector<16xf32>,
        %parallel_loop3A_430 = arith.constant 0 : i32
        %parallel_loop3A_431 = arith.index_cast %parallel_loop3A_430 : i32 to index
        %parallel_loop3A_432 = arith.index_cast %parallel_loop3A_413 : i32 to index
        %parallel_loop3A_433 = arith.constant 32 : index
        %parallel_loop3A_434 = tpu.vector_load %arg6[%parallel_loop3A_431, %parallel_loop3A_432, %parallel_loop3A_433] {strides = array<i32>} : memref<4x128x64xf32, #tpu.memory_space<vmem>>, vector<16xf32>,
        %parallel_loop3A_435 = arith.index_cast %parallel_loop3A_413 : i32 to index
        %parallel_loop3A_436 = arith.constant 32 : index
        %parallel_loop3A_437 = tpu.vector_load %arg7[%parallel_loop3A_435, %parallel_loop3A_436] {strides = array<i32>} : memref<128x65xf32, #tpu.memory_space<vmem>>, vector<16xf32>,
        tpu.vector_store %arg7[%parallel_loop3A_435, %parallel_loop3A_436], %parallel_loop3A_434 {strides = array<i32>} : memref<128x65xf32, #tpu.memory_space<vmem>>, vector<16xf32>,
        %parallel_loop3A_438 = arith.constant 0 : i32
        %parallel_loop3A_439 = arith.index_cast %parallel_loop3A_438 : i32 to index
        %parallel_loop3A_440 = arith.index_cast %parallel_loop3A_413 : i32 to index
        %parallel_loop3A_441 = arith.constant 48 : index
        %parallel_loop3A_442 = tpu.vector_load %arg6[%parallel_loop3A_439, %parallel_loop3A_440, %parallel_loop3A_441] {strides = array<i32>} : memref<4x128x64xf32, #tpu.memory_space<vmem>>, vector<16xf32>,
        %parallel_loop3A_443 = arith.index_cast %parallel_loop3A_413 : i32 to index
        %parallel_loop3A_444 = arith.constant 48 : index
        %parallel_loop3A_445 = tpu.vector_load %arg7[%parallel_loop3A_443, %parallel_loop3A_444] {strides = array<i32>} : memref<128x65xf32, #tpu.memory_space<vmem>>, vector<16xf32>,
        tpu.vector_store %arg7[%parallel_loop3A_443, %parallel_loop3A_444], %parallel_loop3A_442 {strides = array<i32>} : memref<128x65xf32, #tpu.memory_space<vmem>>, vector<16xf32>,
      } {sc.loop_unroll_factor = 8 : i64, sc.parallel_access}
      %parallel_loop3A_214 = arith.constant 0 : i32
      %parallel_loop3A_215 = arith.constant 64 : i32
      %parallel_loop3A_216 = arith.constant 1 : i32
      scf.for %parallel_loop3A_413 = %parallel_loop3A_214 to %parallel_loop3A_215 step %parallel_loop3A_216  : i32 {
        %parallel_loop3A_414 = vector.broadcast %parallel_loop3A_413 : i32 to vector<16xi32>
        %parallel_loop3A_415 = arith.constant 3 : i32
        %parallel_loop3A_416 = arith.shrui %parallel_loop3A_413, %parallel_loop3A_415 : i32
        %parallel_loop3A_417 = arith.constant 7 : i32
        %parallel_loop3A_418 = arith.andi %parallel_loop3A_413, %parallel_loop3A_417 : i32
        %parallel_loop3A_419 = tpu.vector_load_idx %arg7[%add3A_3, %parallel_loop3A_414] : memref<128x65xf32, #tpu.memory_space<vmem>>[vector<16xi32>, vector<16xi32>], vector<16xf32>,
        %parallel_loop3A_420 = arith.constant 0 : i32
        %parallel_loop3A_421 = arith.index_cast %parallel_loop3A_420 : i32 to index
        %parallel_loop3A_422 = arith.index_cast %parallel_loop3A_416 : i32 to index
        %parallel_loop3A_423 = arith.index_cast %parallel_loop3A_418 : i32 to index
        %parallel_loop3A_424 = arith.constant 0 : index
        %parallel_loop3A_425 = tpu.vector_load %arg8[%parallel_loop3A_421, %parallel_loop3A_422, %parallel_loop3A_423, %parallel_loop3A_424] {strides = array<i32>} : memref<4x8x8x128xf32, #tpu.memory_space<vmem>>, vector<16xf32>,
        tpu.vector_store %arg8[%parallel_loop3A_421, %parallel_loop3A_422, %parallel_loop3A_423, %parallel_loop3A_424], %parallel_loop3A_419 {strides = array<i32>} : memref<4x8x8x128xf32, #tpu.memory_space<vmem>>, vector<16xf32>,
        %parallel_loop3A_426 = tpu.vector_load_idx %arg7[%add3A_6, %parallel_loop3A_414] : memref<128x65xf32, #tpu.memory_space<vmem>>[vector<16xi32>, vector<16xi32>], vector<16xf32>,
        %parallel_loop3A_427 = arith.constant 0 : i32
        %parallel_loop3A_428 = arith.index_cast %parallel_loop3A_427 : i32 to index
        %parallel_loop3A_429 = arith.index_cast %parallel_loop3A_416 : i32 to index
        %parallel_loop3A_430 = arith.index_cast %parallel_loop3A_418 : i32 to index
        %parallel_loop3A_431 = arith.constant 16 : index
        %parallel_loop3A_432 = tpu.vector_load %arg8[%parallel_loop3A_428, %parallel_loop3A_429, %parallel_loop3A_430, %parallel_loop3A_431] {strides = array<i32>} : memref<4x8x8x128xf32, #tpu.memory_space<vmem>>, vector<16xf32>,
        tpu.vector_store %arg8[%parallel_loop3A_428, %parallel_loop3A_429, %parallel_loop3A_430, %parallel_loop3A_431], %parallel_loop3A_426 {strides = array<i32>} : memref<4x8x8x128xf32, #tpu.memory_space<vmem>>, vector<16xf32>,
        %parallel_loop3A_433 = tpu.vector_load_idx %arg7[%add3A_9, %parallel_loop3A_414] : memref<128x65xf32, #tpu.memory_space<vmem>>[vector<16xi32>, vector<16xi32>], vector<16xf32>,
        %parallel_loop3A_434 = arith.constant 0 : i32
        %parallel_loop3A_435 = arith.index_cast %parallel_loop3A_434 : i32 to index
        %parallel_loop3A_436 = arith.index_cast %parallel_loop3A_416 : i32 to index
        %parallel_loop3A_437 = arith.index_cast %parallel_loop3A_418 : i32 to index
        %parallel_loop3A_438 = arith.constant 32 : index
        %parallel_loop3A_439 = tpu.vector_load %arg8[%parallel_loop3A_435, %parallel_loop3A_436, %parallel_loop3A_437, %parallel_loop3A_438] {strides = array<i32>} : memref<4x8x8x128xf32, #tpu.memory_space<vmem>>, vector<16xf32>,
        tpu.vector_store %arg8[%parallel_loop3A_435, %parallel_loop3A_436, %parallel_loop3A_437, %parallel_loop3A_438], %parallel_loop3A_433 {strides = array<i32>} : memref<4x8x8x128xf32, #tpu.memory_space<vmem>>, vector<16xf32>,
        %parallel_loop3A_440 = tpu.vector_load_idx %arg7[%add3A_12, %parallel_loop3A_414] : memref<128x65xf32, #tpu.memory_space<vmem>>[vector<16xi32>, vector<16xi32>], vector<16xf32>,
        %parallel_loop3A_441 = arith.constant 0 : i32
        %parallel_loop3A_442 = arith.index_cast %parallel_loop3A_441 : i32 to index
        %parallel_loop3A_443 = arith.index_cast %parallel_loop3A_416 : i32 to index
        %parallel_loop3A_444 = arith.index_cast %parallel_loop3A_418 : i32 to index
        %parallel_loop3A_445 = arith.constant 48 : index
        %parallel_loop3A_446 = tpu.vector_load %arg8[%parallel_loop3A_442, %parallel_loop3A_443, %parallel_loop3A_444, %parallel_loop3A_445] {strides = array<i32>} : memref<4x8x8x128xf32, #tpu.memory_space<vmem>>, vector<16xf32>,
        tpu.vector_store %arg8[%parallel_loop3A_442, %parallel_loop3A_443, %parallel_loop3A_444, %parallel_loop3A_445], %parallel_loop3A_440 {strides = array<i32>} : memref<4x8x8x128xf32, #tpu.memory_space<vmem>>, vector<16xf32>,
        %parallel_loop3A_447 = tpu.vector_load_idx %arg7[%add3A_15, %parallel_loop3A_414] : memref<128x65xf32, #tpu.memory_space<vmem>>[vector<16xi32>, vector<16xi32>], vector<16xf32>,
        %parallel_loop3A_448 = arith.constant 0 : i32
        %parallel_loop3A_449 = arith.index_cast %parallel_loop3A_448 : i32 to index
        %parallel_loop3A_450 = arith.index_cast %parallel_loop3A_416 : i32 to index
        %parallel_loop3A_451 = arith.index_cast %parallel_loop3A_418 : i32 to index
        %parallel_loop3A_452 = arith.constant 64 : index
        %parallel_loop3A_453 = tpu.vector_load %arg8[%parallel_loop3A_449, %parallel_loop3A_450, %parallel_loop3A_451, %parallel_loop3A_452] {strides = array<i32>} : memref<4x8x8x128xf32, #tpu.memory_space<vmem>>, vector<16xf32>,
        tpu.vector_store %arg8[%parallel_loop3A_449, %parallel_loop3A_450, %parallel_loop3A_451, %parallel_loop3A_452], %parallel_loop3A_447 {strides = array<i32>} : memref<4x8x8x128xf32, #tpu.memory_space<vmem>>, vector<16xf32>,
        %parallel_loop3A_454 = tpu.vector_load_idx %arg7[%add3A_18, %parallel_loop3A_414] : memref<128x65xf32, #tpu.memory_space<vmem>>[vector<16xi32>, vector<16xi32>], vector<16xf32>,
        %parallel_loop3A_455 = arith.constant 0 : i32
        %parallel_loop3A_456 = arith.index_cast %parallel_loop3A_455 : i32 to index
        %parallel_loop3A_457 = arith.index_cast %parallel_loop3A_416 : i32 to index
        %parallel_loop3A_458 = arith.index_cast %parallel_loop3A_418 : i32 to index
        %parallel_loop3A_459 = arith.constant 80 : index
        %parallel_loop3A_460 = tpu.vector_load %arg8[%parallel_loop3A_456, %parallel_loop3A_457, %parallel_loop3A_458, %parallel_loop3A_459] {strides = array<i32>} : memref<4x8x8x128xf32, #tpu.memory_space<vmem>>, vector<16xf32>,
        tpu.vector_store %arg8[%parallel_loop3A_456, %parallel_loop3A_457, %parallel_loop3A_458, %parallel_loop3A_459], %parallel_loop3A_454 {strides = array<i32>} : memref<4x8x8x128xf32, #tpu.memory_space<vmem>>, vector<16xf32>,
        %parallel_loop3A_461 = tpu.vector_load_idx %arg7[%add3A_21, %parallel_loop3A_414] : memref<128x65xf32, #tpu.memory_space<vmem>>[vector<16xi32>, vector<16xi32>], vector<16xf32>,
        %parallel_loop3A_462 = arith.constant 0 : i32
        %parallel_loop3A_463 = arith.index_cast %parallel_loop3A_462 : i32 to index
        %parallel_loop3A_464 = arith.index_cast %parallel_loop3A_416 : i32 to index
        %parallel_loop3A_465 = arith.index_cast %parallel_loop3A_418 : i32 to index
        %parallel_loop3A_466 = arith.constant 96 : index
        %parallel_loop3A_467 = tpu.vector_load %arg8[%parallel_loop3A_463, %parallel_loop3A_464, %parallel_loop3A_465, %parallel_loop3A_466] {strides = array<i32>} : memref<4x8x8x128xf32, #tpu.memory_space<vmem>>, vector<16xf32>,
        tpu.vector_store %arg8[%parallel_loop3A_463, %parallel_loop3A_464, %parallel_loop3A_465, %parallel_loop3A_466], %parallel_loop3A_461 {strides = array<i32>} : memref<4x8x8x128xf32, #tpu.memory_space<vmem>>, vector<16xf32>,
        %parallel_loop3A_468 = tpu.vector_load_idx %arg7[%add3A_24, %parallel_loop3A_414] : memref<128x65xf32, #tpu.memory_space<vmem>>[vector<16xi32>, vector<16xi32>], vector<16xf32>,
        %parallel_loop3A_469 = arith.constant 0 : i32
        %parallel_loop3A_470 = arith.index_cast %parallel_loop3A_469 : i32 to index
        %parallel_loop3A_471 = arith.index_cast %parallel_loop3A_416 : i32 to index
        %parallel_loop3A_472 = arith.index_cast %parallel_loop3A_418 : i32 to index
        %parallel_loop3A_473 = arith.constant 112 : index
        %parallel_loop3A_474 = tpu.vector_load %arg8[%parallel_loop3A_470, %parallel_loop3A_471, %parallel_loop3A_472, %parallel_loop3A_473] {strides = array<i32>} : memref<4x8x8x128xf32, #tpu.memory_space<vmem>>, vector<16xf32>,
        tpu.vector_store %arg8[%parallel_loop3A_470, %parallel_loop3A_471, %parallel_loop3A_472, %parallel_loop3A_473], %parallel_loop3A_468 {strides = array<i32>} : memref<4x8x8x128xf32, #tpu.memory_space<vmem>>, vector<16xf32>,
      } {sc.loop_unroll_factor = 4 : i64, sc.parallel_access}
      %dma_start3A_217 = arith.constant 0 : i32
      %dma_start3A_218 = arith.constant 0 : i32
      %dma_start3A_219 = arith.constant 0 : i32
      %dma_start3A_220 = arith.constant 0 : i32
      %dma_start3A_221 = arith.constant 0 : i32
      %dma_start3A_222 = tpu.memref_slice %arg8[%dma_start3A_217, %dma_start3A_219, %dma_start3A_220, %dma_start3A_221] : memref<4x8x8x128xf32, #tpu.memory_space<vmem>> -> memref<1x8x8x128xf32, #tpu.memory_space<vmem>>
      %dma_start3A_223 = tpu.memref_squeeze %dma_start3A_222 : memref<1x8x8x128xf32, #tpu.memory_space<vmem>> -> memref<8x8x128xf32, #tpu.memory_space<vmem>>
      %dma_start3A_224 = arith.constant 0 : i32
      %dma_start3A_225 = arith.constant 0 : i32
      %dma_start3A_226 = arith.constant 0 : i32
      %dma_start3A_227 = tpu.memref_slice %arg4[%add3A_195, %dma_start3A_224, %add3A, %dma_start3A_225, %dma_start3A_226] : memref<200x8x32x8x128xf32, #tpu.memory_space<hbm>> -> memref<1x8x1x8x128xf32, #tpu.memory_space<hbm>>
      %dma_start3A_228 = tpu.memref_squeeze %dma_start3A_227 : memref<1x8x1x8x128xf32, #tpu.memory_space<hbm>> -> memref<8x8x128xf32, #tpu.memory_space<hbm>>
      %dma_start3A_229 = tpu.memref_slice %arg10[%dma_start3A_218] : memref<4x!tpu.dma_semaphore, #tpu.memory_space<semaphore_mem>> -> memref<1x!tpu.dma_semaphore, #tpu.memory_space<semaphore_mem>>
      %dma_start3A_230 = tpu.memref_squeeze %dma_start3A_229 : memref<1x!tpu.dma_semaphore, #tpu.memory_space<semaphore_mem>> -> memref<!tpu.dma_semaphore, #tpu.memory_space<semaphore_mem>>
      %dma_start3A_231 = arith.constant 0 : i32
      %dma_start3A_232 = arith.constant 0 : i32
      %dma_start3A_233 = arith.constant 0 : i32
      %dma_start3A_234 = tpu.memref_slice %arg4[%add3A_195, %dma_start3A_231, %add3A, %dma_start3A_232, %dma_start3A_233] : memref<200x8x32x8x128xf32, #tpu.memory_space<hbm>> -> memref<1x8x1x8x128xf32, #tpu.memory_space<hbm>>
      %dma_start3A_235 = tpu.memref_squeeze %dma_start3A_234 : memref<1x8x1x8x128xf32, #tpu.memory_space<hbm>> -> memref<8x8x128xf32, #tpu.memory_space<hbm>>
      %dma_start3A_236 = arith.constant 0 : i32
      %dma_start3A_237 = arith.constant 0 : i32
      %dma_start3A_238 = arith.constant 0 : i32
      %dma_start3A_239 = tpu.memref_slice %arg8[%dma_start3A_217, %dma_start3A_236, %dma_start3A_237, %dma_start3A_238] : memref<4x8x8x128xf32, #tpu.memory_space<vmem>> -> memref<1x8x8x128xf32, #tpu.memory_space<vmem>>
      %dma_start3A_240 = tpu.memref_squeeze %dma_start3A_239 : memref<1x8x8x128xf32, #tpu.memory_space<vmem>> -> memref<8x8x128xf32, #tpu.memory_space<vmem>>
      tpu.enqueue_dma source(%dma_start3A_240 : memref<8x8x128xf32, #tpu.memory_space<vmem>>) target(%dma_start3A_235 : memref<8x8x128xf32, #tpu.memory_space<hbm>>) target_semaphore(%dma_start3A_230 : memref<!tpu.dma_semaphore, #tpu.memory_space<semaphore_mem>>)
      %lt3A = arith.constant 49 : i32
      %lt3A_241 = arith.cmpi slt, %add3A_191, %lt3A : i32
      %convert_element_type3A_242 = arith.extui %lt3A_241 : i1 to i32
      %cond3A_243 = arith.constant 0 : i32
      %cond3A_244 = arith.cmpi ne, %convert_element_type3A_242, %cond3A_243 : i32
      scf.if %cond3A_244 {
        %add3A_413 = arith.constant 4 : i32
        %add3A_414 = arith.addi %add3A_195, %add3A_413 : i32
        %dma_start3A_415 = arith.constant 0 : i32
        %dma_start3A_416 = arith.constant 0 : i32
        %dma_start3A_417 = arith.constant 0 : i32
        %dma_start3A_418 = arith.constant 0 : i32
        %dma_start3A_419 = tpu.memref_slice %arg6[%dma_start3A_415, %dma_start3A_417, %dma_start3A_418] : memref<4x128x64xf32, #tpu.memory_space<vmem>> -> memref<1x128x64xf32, #tpu.memory_space<vmem>>
        %dma_start3A_420 = tpu.memref_squeeze %dma_start3A_419 : memref<1x128x64xf32, #tpu.memory_space<vmem>> -> memref<128x64xf32, #tpu.memory_space<vmem>>
        %dma_start3A_421 = arith.constant 0 : i32
        %dma_start3A_422 = tpu.memref_slice %arg5[%add3A_414, %dma_start3A_421] : memref<200x128xi32, #tpu.memory_space<vmem>> -> memref<1x128xi32, #tpu.memory_space<vmem>>
        %dma_start3A_423 = tpu.memref_squeeze %dma_start3A_422 : memref<1x128xi32, #tpu.memory_space<vmem>> -> memref<128xi32, #tpu.memory_space<vmem>>
        %dma_start3A_424 = arith.constant 0 : i32
        %dma_start3A_425 = arith.constant 0 : i32
        %dma_start3A_426 = tpu.memref_slice %arg3[%dma_start3A_424, %dma_start3A_425] : memref<100000x64xf32, #tpu.memory_space<hbm>> -> memref<100000x64xf32, #tpu.memory_space<hbm>>
        %dma_start3A_427 = tpu.memref_slice %arg9[%dma_start3A_416] : memref<4x!tpu.dma_semaphore, #tpu.memory_space<semaphore_mem>> -> memref<1x!tpu.dma_semaphore, #tpu.memory_space<semaphore_mem>>
        %dma_start3A_428 = tpu.memref_squeeze %dma_start3A_427 : memref<1x!tpu.dma_semaphore, #tpu.memory_space<semaphore_mem>> -> memref<!tpu.dma_semaphore, #tpu.memory_space<semaphore_mem>>
        tpu.enqueue_indirect_dma source(%dma_start3A_426 : memref<100000x64xf32, #tpu.memory_space<hbm>>) target(%dma_start3A_420 : memref<128x64xf32, #tpu.memory_space<vmem>>) offsets(%dma_start3A_423 : memref<128xi32, #tpu.memory_space<vmem>>) semaphore(%dma_start3A_428 : memref<!tpu.dma_semaphore, #tpu.memory_space<semaphore_mem>>)
      } else {
      }
      %add3A_245 = arith.constant 1 : i32
      %add3A_246 = arith.addi %mul3A_193, %add3A_245 : i32
      %dma_wait3A_247 = arith.constant 1 : i32
      %dma_wait3A_248 = arith.constant 1 : i32
      %dma_wait3A_249 = arith.constant 0 : i32
      %dma_wait3A_250 = arith.constant 0 : i32
      %dma_wait3A_251 = tpu.memref_slice %arg6[%dma_wait3A_247, %dma_wait3A_249, %dma_wait3A_250] : memref<4x128x64xf32, #tpu.memory_space<vmem>> -> memref<1x128x64xf32, #tpu.memory_space<vmem>>
      %dma_wait3A_252 = tpu.memref_squeeze %dma_wait3A_251 : memref<1x128x64xf32, #tpu.memory_space<vmem>> -> memref<128x64xf32, #tpu.memory_space<vmem>>
      %dma_wait3A_253 = arith.constant 0 : i32
      %dma_wait3A_254 = tpu.memref_slice %arg5[%add3A_246, %dma_wait3A_253] : memref<200x128xi32, #tpu.memory_space<vmem>> -> memref<1x128xi32, #tpu.memory_space<vmem>>
      %dma_wait3A_255 = tpu.memref_squeeze %dma_wait3A_254 : memref<1x128xi32, #tpu.memory_space<vmem>> -> memref<128xi32, #tpu.memory_space<vmem>>
      %dma_wait3A_256 = arith.constant 0 : i32
      %dma_wait3A_257 = arith.constant 0 : i32
      %dma_wait3A_258 = tpu.memref_slice %arg3[%dma_wait3A_256, %dma_wait3A_257] : memref<100000x64xf32, #tpu.memory_space<hbm>> -> memref<100000x64xf32, #tpu.memory_space<hbm>>
      %dma_wait3A_259 = tpu.memref_slice %arg9[%dma_wait3A_248] : memref<4x!tpu.dma_semaphore, #tpu.memory_space<semaphore_mem>> -> memref<1x!tpu.dma_semaphore, #tpu.memory_space<semaphore_mem>>
      %dma_wait3A_260 = tpu.memref_squeeze %dma_wait3A_259 : memref<1x!tpu.dma_semaphore, #tpu.memory_space<semaphore_mem>> -> memref<!tpu.dma_semaphore, #tpu.memory_space<semaphore_mem>>
      tpu.wait_indirect_dma semaphore(%dma_wait3A_260 : memref<!tpu.dma_semaphore, #tpu.memory_space<semaphore_mem>>) src(%dma_wait3A_258 : memref<100000x64xf32, #tpu.memory_space<hbm>>) dst(%dma_wait3A_252 : memref<128x64xf32, #tpu.memory_space<vmem>>)
      %gt3A_261 = arith.constant 0 : i32
      %gt3A_262 = arith.cmpi sgt, %add3A_191, %gt3A_261 : i32
      %convert_element_type3A_263 = arith.extui %gt3A_262 : i1 to i32
      %cond3A_264 = arith.constant 0 : i32
      %cond3A_265 = arith.cmpi ne, %convert_element_type3A_263, %cond3A_264 : i32
      scf.if %cond3A_265 {
        %sub3A = arith.constant 4 : i32
        %sub3A_413 = arith.subi %add3A_246, %sub3A : i32
        %dma_wait3A_414 = arith.constant 1 : i32
        %dma_wait3A_415 = arith.constant 1 : i32
        %dma_wait3A_416 = arith.constant 0 : i32
        %dma_wait3A_417 = arith.constant 0 : i32
        %dma_wait3A_418 = arith.constant 0 : i32
        %dma_wait3A_419 = tpu.memref_slice %arg8[%dma_wait3A_414, %dma_wait3A_416, %dma_wait3A_417, %dma_wait3A_418] : memref<4x8x8x128xf32, #tpu.memory_space<vmem>> -> memref<1x8x8x128xf32, #tpu.memory_space<vmem>>
        %dma_wait3A_420 = tpu.memref_squeeze %dma_wait3A_419 : memref<1x8x8x128xf32, #tpu.memory_space<vmem>> -> memref<8x8x128xf32, #tpu.memory_space<vmem>>
        %dma_wait3A_421 = arith.constant 0 : i32
        %dma_wait3A_422 = arith.constant 0 : i32
        %dma_wait3A_423 = arith.constant 0 : i32
        %dma_wait3A_424 = tpu.memref_slice %arg4[%sub3A_413, %dma_wait3A_421, %add3A, %dma_wait3A_422, %dma_wait3A_423] : memref<200x8x32x8x128xf32, #tpu.memory_space<hbm>> -> memref<1x8x1x8x128xf32, #tpu.memory_space<hbm>>
        %dma_wait3A_425 = tpu.memref_squeeze %dma_wait3A_424 : memref<1x8x1x8x128xf32, #tpu.memory_space<hbm>> -> memref<8x8x128xf32, #tpu.memory_space<hbm>>
        %dma_wait3A_426 = tpu.memref_slice %arg10[%dma_wait3A_415] : memref<4x!tpu.dma_semaphore, #tpu.memory_space<semaphore_mem>> -> memref<1x!tpu.dma_semaphore, #tpu.memory_space<semaphore_mem>>
        %dma_wait3A_427 = tpu.memref_squeeze %dma_wait3A_426 : memref<1x!tpu.dma_semaphore, #tpu.memory_space<semaphore_mem>> -> memref<!tpu.dma_semaphore, #tpu.memory_space<semaphore_mem>>
        %dma_wait3A_428 = arith.constant 0 : i32
        %dma_wait3A_429 = arith.constant 0 : i32
        %dma_wait3A_430 = arith.constant 0 : i32
        %dma_wait3A_431 = tpu.memref_slice %arg4[%sub3A_413, %dma_wait3A_428, %add3A, %dma_wait3A_429, %dma_wait3A_430] : memref<200x8x32x8x128xf32, #tpu.memory_space<hbm>> -> memref<1x8x1x8x128xf32, #tpu.memory_space<hbm>>
        %dma_wait3A_432 = tpu.memref_squeeze %dma_wait3A_431 : memref<1x8x1x8x128xf32, #tpu.memory_space<hbm>> -> memref<8x8x128xf32, #tpu.memory_space<hbm>>
        %dma_wait3A_433 = arith.constant 0 : i32
        %dma_wait3A_434 = arith.constant 0 : i32
        %dma_wait3A_435 = arith.constant 0 : i32
        %dma_wait3A_436 = tpu.memref_slice %arg8[%dma_wait3A_414, %dma_wait3A_433, %dma_wait3A_434, %dma_wait3A_435] : memref<4x8x8x128xf32, #tpu.memory_space<vmem>> -> memref<1x8x8x128xf32, #tpu.memory_space<vmem>>
        %dma_wait3A_437 = tpu.memref_squeeze %dma_wait3A_436 : memref<1x8x8x128xf32, #tpu.memory_space<vmem>> -> memref<8x8x128xf32, #tpu.memory_space<vmem>>
        tpu.wait_dma2 semaphore(%dma_wait3A_427 : memref<!tpu.dma_semaphore, #tpu.memory_space<semaphore_mem>>) src(%dma_wait3A_437 : memref<8x8x128xf32, #tpu.memory_space<vmem>>) dst(%dma_wait3A_432 : memref<8x8x128xf32, #tpu.memory_space<hbm>>)
      } else {
      }
      %parallel_loop3A_266 = arith.constant 0 : i32
      %parallel_loop3A_267 = arith.constant 128 : i32
      %parallel_loop3A_268 = arith.constant 1 : i32
      scf.for %parallel_loop3A_413 = %parallel_loop3A_266 to %parallel_loop3A_267 step %parallel_loop3A_268  : i32 {
        %parallel_loop3A_414 = arith.constant 1 : i32
        %parallel_loop3A_415 = arith.index_cast %parallel_loop3A_414 : i32 to index
        %parallel_loop3A_416 = arith.index_cast %parallel_loop3A_413 : i32 to index
        %parallel_loop3A_417 = arith.constant 0 : index
        %parallel_loop3A_418 = tpu.vector_load %arg6[%parallel_loop3A_415, %parallel_loop3A_416, %parallel_loop3A_417] {strides = array<i32>} : memref<4x128x64xf32, #tpu.memory_space<vmem>>, vector<16xf32>,
        %parallel_loop3A_419 = arith.index_cast %parallel_loop3A_413 : i32 to index
        %parallel_loop3A_420 = arith.constant 0 : index
        %parallel_loop3A_421 = tpu.vector_load %arg7[%parallel_loop3A_419, %parallel_loop3A_420] {strides = array<i32>} : memref<128x65xf32, #tpu.memory_space<vmem>>, vector<16xf32>,
        tpu.vector_store %arg7[%parallel_loop3A_419, %parallel_loop3A_420], %parallel_loop3A_418 {strides = array<i32>} : memref<128x65xf32, #tpu.memory_space<vmem>>, vector<16xf32>,
        %parallel_loop3A_422 = arith.constant 1 : i32
        %parallel_loop3A_423 = arith.index_cast %parallel_loop3A_422 : i32 to index
        %parallel_loop3A_424 = arith.index_cast %parallel_loop3A_413 : i32 to index
        %parallel_loop3A_425 = arith.constant 16 : index
        %parallel_loop3A_426 = tpu.vector_load %arg6[%parallel_loop3A_423, %parallel_loop3A_424, %parallel_loop3A_425] {strides = array<i32>} : memref<4x128x64xf32, #tpu.memory_space<vmem>>, vector<16xf32>,
        %parallel_loop3A_427 = arith.index_cast %parallel_loop3A_413 : i32 to index
        %parallel_loop3A_428 = arith.constant 16 : index
        %parallel_loop3A_429 = tpu.vector_load %arg7[%parallel_loop3A_427, %parallel_loop3A_428] {strides = array<i32>} : memref<128x65xf32, #tpu.memory_space<vmem>>, vector<16xf32>,
        tpu.vector_store %arg7[%parallel_loop3A_427, %parallel_loop3A_428], %parallel_loop3A_426 {strides = array<i32>} : memref<128x65xf32, #tpu.memory_space<vmem>>, vector<16xf32>,
        %parallel_loop3A_430 = arith.constant 1 : i32
        %parallel_loop3A_431 = arith.index_cast %parallel_loop3A_430 : i32 to index
        %parallel_loop3A_432 = arith.index_cast %parallel_loop3A_413 : i32 to index
        %parallel_loop3A_433 = arith.constant 32 : index
        %parallel_loop3A_434 = tpu.vector_load %arg6[%parallel_loop3A_431, %parallel_loop3A_432, %parallel_loop3A_433] {strides = array<i32>} : memref<4x128x64xf32, #tpu.memory_space<vmem>>, vector<16xf32>,
        %parallel_loop3A_435 = arith.index_cast %parallel_loop3A_413 : i32 to index
        %parallel_loop3A_436 = arith.constant 32 : index
        %parallel_loop3A_437 = tpu.vector_load %arg7[%parallel_loop3A_435, %parallel_loop3A_436] {strides = array<i32>} : memref<128x65xf32, #tpu.memory_space<vmem>>, vector<16xf32>,
        tpu.vector_store %arg7[%parallel_loop3A_435, %parallel_loop3A_436], %parallel_loop3A_434 {strides = array<i32>} : memref<128x65xf32, #tpu.memory_space<vmem>>, vector<16xf32>,
        %parallel_loop3A_438 = arith.constant 1 : i32
        %parallel_loop3A_439 = arith.index_cast %parallel_loop3A_438 : i32 to index
        %parallel_loop3A_440 = arith.index_cast %parallel_loop3A_413 : i32 to index
        %parallel_loop3A_441 = arith.constant 48 : index
        %parallel_loop3A_442 = tpu.vector_load %arg6[%parallel_loop3A_439, %parallel_loop3A_440, %parallel_loop3A_441] {strides = array<i32>} : memref<4x128x64xf32, #tpu.memory_space<vmem>>, vector<16xf32>,
        %parallel_loop3A_443 = arith.index_cast %parallel_loop3A_413 : i32 to index
        %parallel_loop3A_444 = arith.constant 48 : index
        %parallel_loop3A_445 = tpu.vector_load %arg7[%parallel_loop3A_443, %parallel_loop3A_444] {strides = array<i32>} : memref<128x65xf32, #tpu.memory_space<vmem>>, vector<16xf32>,
        tpu.vector_store %arg7[%parallel_loop3A_443, %parallel_loop3A_444], %parallel_loop3A_442 {strides = array<i32>} : memref<128x65xf32, #tpu.memory_space<vmem>>, vector<16xf32>,
      } {sc.loop_unroll_factor = 8 : i64, sc.parallel_access}
      %parallel_loop3A_269 = arith.constant 0 : i32
      %parallel_loop3A_270 = arith.constant 64 : i32
      %parallel_loop3A_271 = arith.constant 1 : i32
      scf.for %parallel_loop3A_413 = %parallel_loop3A_269 to %parallel_loop3A_270 step %parallel_loop3A_271  : i32 {
        %parallel_loop3A_414 = vector.broadcast %parallel_loop3A_413 : i32 to vector<16xi32>
        %parallel_loop3A_415 = arith.constant 3 : i32
        %parallel_loop3A_416 = arith.shrui %parallel_loop3A_413, %parallel_loop3A_415 : i32
        %parallel_loop3A_417 = arith.constant 7 : i32
        %parallel_loop3A_418 = arith.andi %parallel_loop3A_413, %parallel_loop3A_417 : i32
        %parallel_loop3A_419 = tpu.vector_load_idx %arg7[%add3A_3, %parallel_loop3A_414] : memref<128x65xf32, #tpu.memory_space<vmem>>[vector<16xi32>, vector<16xi32>], vector<16xf32>,
        %parallel_loop3A_420 = arith.constant 1 : i32
        %parallel_loop3A_421 = arith.index_cast %parallel_loop3A_420 : i32 to index
        %parallel_loop3A_422 = arith.index_cast %parallel_loop3A_416 : i32 to index
        %parallel_loop3A_423 = arith.index_cast %parallel_loop3A_418 : i32 to index
        %parallel_loop3A_424 = arith.constant 0 : index
        %parallel_loop3A_425 = tpu.vector_load %arg8[%parallel_loop3A_421, %parallel_loop3A_422, %parallel_loop3A_423, %parallel_loop3A_424] {strides = array<i32>} : memref<4x8x8x128xf32, #tpu.memory_space<vmem>>, vector<16xf32>,
        tpu.vector_store %arg8[%parallel_loop3A_421, %parallel_loop3A_422, %parallel_loop3A_423, %parallel_loop3A_424], %parallel_loop3A_419 {strides = array<i32>} : memref<4x8x8x128xf32, #tpu.memory_space<vmem>>, vector<16xf32>,
        %parallel_loop3A_426 = tpu.vector_load_idx %arg7[%add3A_6, %parallel_loop3A_414] : memref<128x65xf32, #tpu.memory_space<vmem>>[vector<16xi32>, vector<16xi32>], vector<16xf32>,
        %parallel_loop3A_427 = arith.constant 1 : i32
        %parallel_loop3A_428 = arith.index_cast %parallel_loop3A_427 : i32 to index
        %parallel_loop3A_429 = arith.index_cast %parallel_loop3A_416 : i32 to index
        %parallel_loop3A_430 = arith.index_cast %parallel_loop3A_418 : i32 to index
        %parallel_loop3A_431 = arith.constant 16 : index
        %parallel_loop3A_432 = tpu.vector_load %arg8[%parallel_loop3A_428, %parallel_loop3A_429, %parallel_loop3A_430, %parallel_loop3A_431] {strides = array<i32>} : memref<4x8x8x128xf32, #tpu.memory_space<vmem>>, vector<16xf32>,
        tpu.vector_store %arg8[%parallel_loop3A_428, %parallel_loop3A_429, %parallel_loop3A_430, %parallel_loop3A_431], %parallel_loop3A_426 {strides = array<i32>} : memref<4x8x8x128xf32, #tpu.memory_space<vmem>>, vector<16xf32>,
        %parallel_loop3A_433 = tpu.vector_load_idx %arg7[%add3A_9, %parallel_loop3A_414] : memref<128x65xf32, #tpu.memory_space<vmem>>[vector<16xi32>, vector<16xi32>], vector<16xf32>,
        %parallel_loop3A_434 = arith.constant 1 : i32
        %parallel_loop3A_435 = arith.index_cast %parallel_loop3A_434 : i32 to index
        %parallel_loop3A_436 = arith.index_cast %parallel_loop3A_416 : i32 to index
        %parallel_loop3A_437 = arith.index_cast %parallel_loop3A_418 : i32 to index
        %parallel_loop3A_438 = arith.constant 32 : index
        %parallel_loop3A_439 = tpu.vector_load %arg8[%parallel_loop3A_435, %parallel_loop3A_436, %parallel_loop3A_437, %parallel_loop3A_438] {strides = array<i32>} : memref<4x8x8x128xf32, #tpu.memory_space<vmem>>, vector<16xf32>,
        tpu.vector_store %arg8[%parallel_loop3A_435, %parallel_loop3A_436, %parallel_loop3A_437, %parallel_loop3A_438], %parallel_loop3A_433 {strides = array<i32>} : memref<4x8x8x128xf32, #tpu.memory_space<vmem>>, vector<16xf32>,
        %parallel_loop3A_440 = tpu.vector_load_idx %arg7[%add3A_12, %parallel_loop3A_414] : memref<128x65xf32, #tpu.memory_space<vmem>>[vector<16xi32>, vector<16xi32>], vector<16xf32>,
        %parallel_loop3A_441 = arith.constant 1 : i32
        %parallel_loop3A_442 = arith.index_cast %parallel_loop3A_441 : i32 to index
        %parallel_loop3A_443 = arith.index_cast %parallel_loop3A_416 : i32 to index
        %parallel_loop3A_444 = arith.index_cast %parallel_loop3A_418 : i32 to index
        %parallel_loop3A_445 = arith.constant 48 : index
        %parallel_loop3A_446 = tpu.vector_load %arg8[%parallel_loop3A_442, %parallel_loop3A_443, %parallel_loop3A_444, %parallel_loop3A_445] {strides = array<i32>} : memref<4x8x8x128xf32, #tpu.memory_space<vmem>>, vector<16xf32>,
        tpu.vector_store %arg8[%parallel_loop3A_442, %parallel_loop3A_443, %parallel_loop3A_444, %parallel_loop3A_445], %parallel_loop3A_440 {strides = array<i32>} : memref<4x8x8x128xf32, #tpu.memory_space<vmem>>, vector<16xf32>,
        %parallel_loop3A_447 = tpu.vector_load_idx %arg7[%add3A_15, %parallel_loop3A_414] : memref<128x65xf32, #tpu.memory_space<vmem>>[vector<16xi32>, vector<16xi32>], vector<16xf32>,
        %parallel_loop3A_448 = arith.constant 1 : i32
        %parallel_loop3A_449 = arith.index_cast %parallel_loop3A_448 : i32 to index
        %parallel_loop3A_450 = arith.index_cast %parallel_loop3A_416 : i32 to index
        %parallel_loop3A_451 = arith.index_cast %parallel_loop3A_418 : i32 to index
        %parallel_loop3A_452 = arith.constant 64 : index
        %parallel_loop3A_453 = tpu.vector_load %arg8[%parallel_loop3A_449, %parallel_loop3A_450, %parallel_loop3A_451, %parallel_loop3A_452] {strides = array<i32>} : memref<4x8x8x128xf32, #tpu.memory_space<vmem>>, vector<16xf32>,
        tpu.vector_store %arg8[%parallel_loop3A_449, %parallel_loop3A_450, %parallel_loop3A_451, %parallel_loop3A_452], %parallel_loop3A_447 {strides = array<i32>} : memref<4x8x8x128xf32, #tpu.memory_space<vmem>>, vector<16xf32>,
        %parallel_loop3A_454 = tpu.vector_load_idx %arg7[%add3A_18, %parallel_loop3A_414] : memref<128x65xf32, #tpu.memory_space<vmem>>[vector<16xi32>, vector<16xi32>], vector<16xf32>,
        %parallel_loop3A_455 = arith.constant 1 : i32
        %parallel_loop3A_456 = arith.index_cast %parallel_loop3A_455 : i32 to index
        %parallel_loop3A_457 = arith.index_cast %parallel_loop3A_416 : i32 to index
        %parallel_loop3A_458 = arith.index_cast %parallel_loop3A_418 : i32 to index
        %parallel_loop3A_459 = arith.constant 80 : index
        %parallel_loop3A_460 = tpu.vector_load %arg8[%parallel_loop3A_456, %parallel_loop3A_457, %parallel_loop3A_458, %parallel_loop3A_459] {strides = array<i32>} : memref<4x8x8x128xf32, #tpu.memory_space<vmem>>, vector<16xf32>,
        tpu.vector_store %arg8[%parallel_loop3A_456, %parallel_loop3A_457, %parallel_loop3A_458, %parallel_loop3A_459], %parallel_loop3A_454 {strides = array<i32>} : memref<4x8x8x128xf32, #tpu.memory_space<vmem>>, vector<16xf32>,
        %parallel_loop3A_461 = tpu.vector_load_idx %arg7[%add3A_21, %parallel_loop3A_414] : memref<128x65xf32, #tpu.memory_space<vmem>>[vector<16xi32>, vector<16xi32>], vector<16xf32>,
        %parallel_loop3A_462 = arith.constant 1 : i32
        %parallel_loop3A_463 = arith.index_cast %parallel_loop3A_462 : i32 to index
        %parallel_loop3A_464 = arith.index_cast %parallel_loop3A_416 : i32 to index
        %parallel_loop3A_465 = arith.index_cast %parallel_loop3A_418 : i32 to index
        %parallel_loop3A_466 = arith.constant 96 : index
        %parallel_loop3A_467 = tpu.vector_load %arg8[%parallel_loop3A_463, %parallel_loop3A_464, %parallel_loop3A_465, %parallel_loop3A_466] {strides = array<i32>} : memref<4x8x8x128xf32, #tpu.memory_space<vmem>>, vector<16xf32>,
        tpu.vector_store %arg8[%parallel_loop3A_463, %parallel_loop3A_464, %parallel_loop3A_465, %parallel_loop3A_466], %parallel_loop3A_461 {strides = array<i32>} : memref<4x8x8x128xf32, #tpu.memory_space<vmem>>, vector<16xf32>,
        %parallel_loop3A_468 = tpu.vector_load_idx %arg7[%add3A_24, %parallel_loop3A_414] : memref<128x65xf32, #tpu.memory_space<vmem>>[vector<16xi32>, vector<16xi32>], vector<16xf32>,
        %parallel_loop3A_469 = arith.constant 1 : i32
        %parallel_loop3A_470 = arith.index_cast %parallel_loop3A_469 : i32 to index
        %parallel_loop3A_471 = arith.index_cast %parallel_loop3A_416 : i32 to index
        %parallel_loop3A_472 = arith.index_cast %parallel_loop3A_418 : i32 to index
        %parallel_loop3A_473 = arith.constant 112 : index
        %parallel_loop3A_474 = tpu.vector_load %arg8[%parallel_loop3A_470, %parallel_loop3A_471, %parallel_loop3A_472, %parallel_loop3A_473] {strides = array<i32>} : memref<4x8x8x128xf32, #tpu.memory_space<vmem>>, vector<16xf32>,
        tpu.vector_store %arg8[%parallel_loop3A_470, %parallel_loop3A_471, %parallel_loop3A_472, %parallel_loop3A_473], %parallel_loop3A_468 {strides = array<i32>} : memref<4x8x8x128xf32, #tpu.memory_space<vmem>>, vector<16xf32>,
      } {sc.loop_unroll_factor = 4 : i64, sc.parallel_access}
      %dma_start3A_272 = arith.constant 1 : i32
      %dma_start3A_273 = arith.constant 1 : i32
      %dma_start3A_274 = arith.constant 0 : i32
      %dma_start3A_275 = arith.constant 0 : i32
      %dma_start3A_276 = arith.constant 0 : i32
      %dma_start3A_277 = tpu.memref_slice %arg8[%dma_start3A_272, %dma_start3A_274, %dma_start3A_275, %dma_start3A_276] : memref<4x8x8x128xf32, #tpu.memory_space<vmem>> -> memref<1x8x8x128xf32, #tpu.memory_space<vmem>>
      %dma_start3A_278 = tpu.memref_squeeze %dma_start3A_277 : memref<1x8x8x128xf32, #tpu.memory_space<vmem>> -> memref<8x8x128xf32, #tpu.memory_space<vmem>>
      %dma_start3A_279 = arith.constant 0 : i32
      %dma_start3A_280 = arith.constant 0 : i32
      %dma_start3A_281 = arith.constant 0 : i32
      %dma_start3A_282 = tpu.memref_slice %arg4[%add3A_246, %dma_start3A_279, %add3A, %dma_start3A_280, %dma_start3A_281] : memref<200x8x32x8x128xf32, #tpu.memory_space<hbm>> -> memref<1x8x1x8x128xf32, #tpu.memory_space<hbm>>
      %dma_start3A_283 = tpu.memref_squeeze %dma_start3A_282 : memref<1x8x1x8x128xf32, #tpu.memory_space<hbm>> -> memref<8x8x128xf32, #tpu.memory_space<hbm>>
      %dma_start3A_284 = tpu.memref_slice %arg10[%dma_start3A_273] : memref<4x!tpu.dma_semaphore, #tpu.memory_space<semaphore_mem>> -> memref<1x!tpu.dma_semaphore, #tpu.memory_space<semaphore_mem>>
      %dma_start3A_285 = tpu.memref_squeeze %dma_start3A_284 : memref<1x!tpu.dma_semaphore, #tpu.memory_space<semaphore_mem>> -> memref<!tpu.dma_semaphore, #tpu.memory_space<semaphore_mem>>
      %dma_start3A_286 = arith.constant 0 : i32
      %dma_start3A_287 = arith.constant 0 : i32
      %dma_start3A_288 = arith.constant 0 : i32
      %dma_start3A_289 = tpu.memref_slice %arg4[%add3A_246, %dma_start3A_286, %add3A, %dma_start3A_287, %dma_start3A_288] : memref<200x8x32x8x128xf32, #tpu.memory_space<hbm>> -> memref<1x8x1x8x128xf32, #tpu.memory_space<hbm>>
      %dma_start3A_290 = tpu.memref_squeeze %dma_start3A_289 : memref<1x8x1x8x128xf32, #tpu.memory_space<hbm>> -> memref<8x8x128xf32, #tpu.memory_space<hbm>>
      %dma_start3A_291 = arith.constant 0 : i32
      %dma_start3A_292 = arith.constant 0 : i32
      %dma_start3A_293 = arith.constant 0 : i32
      %dma_start3A_294 = tpu.memref_slice %arg8[%dma_start3A_272, %dma_start3A_291, %dma_start3A_292, %dma_start3A_293] : memref<4x8x8x128xf32, #tpu.memory_space<vmem>> -> memref<1x8x8x128xf32, #tpu.memory_space<vmem>>
      %dma_start3A_295 = tpu.memref_squeeze %dma_start3A_294 : memref<1x8x8x128xf32, #tpu.memory_space<vmem>> -> memref<8x8x128xf32, #tpu.memory_space<vmem>>
      tpu.enqueue_dma source(%dma_start3A_295 : memref<8x8x128xf32, #tpu.memory_space<vmem>>) target(%dma_start3A_290 : memref<8x8x128xf32, #tpu.memory_space<hbm>>) target_semaphore(%dma_start3A_285 : memref<!tpu.dma_semaphore, #tpu.memory_space<semaphore_mem>>)
      %lt3A_296 = arith.constant 49 : i32
      %lt3A_297 = arith.cmpi slt, %add3A_191, %lt3A_296 : i32
      %convert_element_type3A_298 = arith.extui %lt3A_297 : i1 to i32
      %cond3A_299 = arith.constant 0 : i32
      %cond3A_300 = arith.cmpi ne, %convert_element_type3A_298, %cond3A_299 : i32
      scf.if %cond3A_300 {
        %add3A_413 = arith.constant 4 : i32
        %add3A_414 = arith.addi %add3A_246, %add3A_413 : i32
        %dma_start3A_415 = arith.constant 1 : i32
        %dma_start3A_416 = arith.constant 1 : i32
        %dma_start3A_417 = arith.constant 0 : i32
        %dma_start3A_418 = arith.constant 0 : i32
        %dma_start3A_419 = tpu.memref_slice %arg6[%dma_start3A_415, %dma_start3A_417, %dma_start3A_418] : memref<4x128x64xf32, #tpu.memory_space<vmem>> -> memref<1x128x64xf32, #tpu.memory_space<vmem>>
        %dma_start3A_420 = tpu.memref_squeeze %dma_start3A_419 : memref<1x128x64xf32, #tpu.memory_space<vmem>> -> memref<128x64xf32, #tpu.memory_space<vmem>>
        %dma_start3A_421 = arith.constant 0 : i32
        %dma_start3A_422 = tpu.memref_slice %arg5[%add3A_414, %dma_start3A_421] : memref<200x128xi32, #tpu.memory_space<vmem>> -> memref<1x128xi32, #tpu.memory_space<vmem>>
        %dma_start3A_423 = tpu.memref_squeeze %dma_start3A_422 : memref<1x128xi32, #tpu.memory_space<vmem>> -> memref<128xi32, #tpu.memory_space<vmem>>
        %dma_start3A_424 = arith.constant 0 : i32
        %dma_start3A_425 = arith.constant 0 : i32
        %dma_start3A_426 = tpu.memref_slice %arg3[%dma_start3A_424, %dma_start3A_425] : memref<100000x64xf32, #tpu.memory_space<hbm>> -> memref<100000x64xf32, #tpu.memory_space<hbm>>
        %dma_start3A_427 = tpu.memref_slice %arg9[%dma_start3A_416] : memref<4x!tpu.dma_semaphore, #tpu.memory_space<semaphore_mem>> -> memref<1x!tpu.dma_semaphore, #tpu.memory_space<semaphore_mem>>
        %dma_start3A_428 = tpu.memref_squeeze %dma_start3A_427 : memref<1x!tpu.dma_semaphore, #tpu.memory_space<semaphore_mem>> -> memref<!tpu.dma_semaphore, #tpu.memory_space<semaphore_mem>>
        tpu.enqueue_indirect_dma source(%dma_start3A_426 : memref<100000x64xf32, #tpu.memory_space<hbm>>) target(%dma_start3A_420 : memref<128x64xf32, #tpu.memory_space<vmem>>) offsets(%dma_start3A_423 : memref<128xi32, #tpu.memory_space<vmem>>) semaphore(%dma_start3A_428 : memref<!tpu.dma_semaphore, #tpu.memory_space<semaphore_mem>>)
      } else {
      }
      %add3A_301 = arith.constant 2 : i32
      %add3A_302 = arith.addi %mul3A_193, %add3A_301 : i32
      %dma_wait3A_303 = arith.constant 2 : i32
      %dma_wait3A_304 = arith.constant 2 : i32
      %dma_wait3A_305 = arith.constant 0 : i32
      %dma_wait3A_306 = arith.constant 0 : i32
      %dma_wait3A_307 = tpu.memref_slice %arg6[%dma_wait3A_303, %dma_wait3A_305, %dma_wait3A_306] : memref<4x128x64xf32, #tpu.memory_space<vmem>> -> memref<1x128x64xf32, #tpu.memory_space<vmem>>
      %dma_wait3A_308 = tpu.memref_squeeze %dma_wait3A_307 : memref<1x128x64xf32, #tpu.memory_space<vmem>> -> memref<128x64xf32, #tpu.memory_space<vmem>>
      %dma_wait3A_309 = arith.constant 0 : i32
      %dma_wait3A_310 = tpu.memref_slice %arg5[%add3A_302, %dma_wait3A_309] : memref<200x128xi32, #tpu.memory_space<vmem>> -> memref<1x128xi32, #tpu.memory_space<vmem>>
      %dma_wait3A_311 = tpu.memref_squeeze %dma_wait3A_310 : memref<1x128xi32, #tpu.memory_space<vmem>> -> memref<128xi32, #tpu.memory_space<vmem>>
      %dma_wait3A_312 = arith.constant 0 : i32
      %dma_wait3A_313 = arith.constant 0 : i32
      %dma_wait3A_314 = tpu.memref_slice %arg3[%dma_wait3A_312, %dma_wait3A_313] : memref<100000x64xf32, #tpu.memory_space<hbm>> -> memref<100000x64xf32, #tpu.memory_space<hbm>>
      %dma_wait3A_315 = tpu.memref_slice %arg9[%dma_wait3A_304] : memref<4x!tpu.dma_semaphore, #tpu.memory_space<semaphore_mem>> -> memref<1x!tpu.dma_semaphore, #tpu.memory_space<semaphore_mem>>
      %dma_wait3A_316 = tpu.memref_squeeze %dma_wait3A_315 : memref<1x!tpu.dma_semaphore, #tpu.memory_space<semaphore_mem>> -> memref<!tpu.dma_semaphore, #tpu.memory_space<semaphore_mem>>
      tpu.wait_indirect_dma semaphore(%dma_wait3A_316 : memref<!tpu.dma_semaphore, #tpu.memory_space<semaphore_mem>>) src(%dma_wait3A_314 : memref<100000x64xf32, #tpu.memory_space<hbm>>) dst(%dma_wait3A_308 : memref<128x64xf32, #tpu.memory_space<vmem>>)
      %gt3A_317 = arith.constant 0 : i32
      %gt3A_318 = arith.cmpi sgt, %add3A_191, %gt3A_317 : i32
      %convert_element_type3A_319 = arith.extui %gt3A_318 : i1 to i32
      %cond3A_320 = arith.constant 0 : i32
      %cond3A_321 = arith.cmpi ne, %convert_element_type3A_319, %cond3A_320 : i32
      scf.if %cond3A_321 {
        %sub3A = arith.constant 4 : i32
        %sub3A_413 = arith.subi %add3A_302, %sub3A : i32
        %dma_wait3A_414 = arith.constant 2 : i32
        %dma_wait3A_415 = arith.constant 2 : i32
        %dma_wait3A_416 = arith.constant 0 : i32
        %dma_wait3A_417 = arith.constant 0 : i32
        %dma_wait3A_418 = arith.constant 0 : i32
        %dma_wait3A_419 = tpu.memref_slice %arg8[%dma_wait3A_414, %dma_wait3A_416, %dma_wait3A_417, %dma_wait3A_418] : memref<4x8x8x128xf32, #tpu.memory_space<vmem>> -> memref<1x8x8x128xf32, #tpu.memory_space<vmem>>
        %dma_wait3A_420 = tpu.memref_squeeze %dma_wait3A_419 : memref<1x8x8x128xf32, #tpu.memory_space<vmem>> -> memref<8x8x128xf32, #tpu.memory_space<vmem>>
        %dma_wait3A_421 = arith.constant 0 : i32
        %dma_wait3A_422 = arith.constant 0 : i32
        %dma_wait3A_423 = arith.constant 0 : i32
        %dma_wait3A_424 = tpu.memref_slice %arg4[%sub3A_413, %dma_wait3A_421, %add3A, %dma_wait3A_422, %dma_wait3A_423] : memref<200x8x32x8x128xf32, #tpu.memory_space<hbm>> -> memref<1x8x1x8x128xf32, #tpu.memory_space<hbm>>
        %dma_wait3A_425 = tpu.memref_squeeze %dma_wait3A_424 : memref<1x8x1x8x128xf32, #tpu.memory_space<hbm>> -> memref<8x8x128xf32, #tpu.memory_space<hbm>>
        %dma_wait3A_426 = tpu.memref_slice %arg10[%dma_wait3A_415] : memref<4x!tpu.dma_semaphore, #tpu.memory_space<semaphore_mem>> -> memref<1x!tpu.dma_semaphore, #tpu.memory_space<semaphore_mem>>
        %dma_wait3A_427 = tpu.memref_squeeze %dma_wait3A_426 : memref<1x!tpu.dma_semaphore, #tpu.memory_space<semaphore_mem>> -> memref<!tpu.dma_semaphore, #tpu.memory_space<semaphore_mem>>
        %dma_wait3A_428 = arith.constant 0 : i32
        %dma_wait3A_429 = arith.constant 0 : i32
        %dma_wait3A_430 = arith.constant 0 : i32
        %dma_wait3A_431 = tpu.memref_slice %arg4[%sub3A_413, %dma_wait3A_428, %add3A, %dma_wait3A_429, %dma_wait3A_430] : memref<200x8x32x8x128xf32, #tpu.memory_space<hbm>> -> memref<1x8x1x8x128xf32, #tpu.memory_space<hbm>>
        %dma_wait3A_432 = tpu.memref_squeeze %dma_wait3A_431 : memref<1x8x1x8x128xf32, #tpu.memory_space<hbm>> -> memref<8x8x128xf32, #tpu.memory_space<hbm>>
        %dma_wait3A_433 = arith.constant 0 : i32
        %dma_wait3A_434 = arith.constant 0 : i32
        %dma_wait3A_435 = arith.constant 0 : i32
        %dma_wait3A_436 = tpu.memref_slice %arg8[%dma_wait3A_414, %dma_wait3A_433, %dma_wait3A_434, %dma_wait3A_435] : memref<4x8x8x128xf32, #tpu.memory_space<vmem>> -> memref<1x8x8x128xf32, #tpu.memory_space<vmem>>
        %dma_wait3A_437 = tpu.memref_squeeze %dma_wait3A_436 : memref<1x8x8x128xf32, #tpu.memory_space<vmem>> -> memref<8x8x128xf32, #tpu.memory_space<vmem>>
        tpu.wait_dma2 semaphore(%dma_wait3A_427 : memref<!tpu.dma_semaphore, #tpu.memory_space<semaphore_mem>>) src(%dma_wait3A_437 : memref<8x8x128xf32, #tpu.memory_space<vmem>>) dst(%dma_wait3A_432 : memref<8x8x128xf32, #tpu.memory_space<hbm>>)
      } else {
      }
      %parallel_loop3A_322 = arith.constant 0 : i32
      %parallel_loop3A_323 = arith.constant 128 : i32
      %parallel_loop3A_324 = arith.constant 1 : i32
      scf.for %parallel_loop3A_413 = %parallel_loop3A_322 to %parallel_loop3A_323 step %parallel_loop3A_324  : i32 {
        %parallel_loop3A_414 = arith.constant 2 : i32
        %parallel_loop3A_415 = arith.index_cast %parallel_loop3A_414 : i32 to index
        %parallel_loop3A_416 = arith.index_cast %parallel_loop3A_413 : i32 to index
        %parallel_loop3A_417 = arith.constant 0 : index
        %parallel_loop3A_418 = tpu.vector_load %arg6[%parallel_loop3A_415, %parallel_loop3A_416, %parallel_loop3A_417] {strides = array<i32>} : memref<4x128x64xf32, #tpu.memory_space<vmem>>, vector<16xf32>,
        %parallel_loop3A_419 = arith.index_cast %parallel_loop3A_413 : i32 to index
        %parallel_loop3A_420 = arith.constant 0 : index
        %parallel_loop3A_421 = tpu.vector_load %arg7[%parallel_loop3A_419, %parallel_loop3A_420] {strides = array<i32>} : memref<128x65xf32, #tpu.memory_space<vmem>>, vector<16xf32>,
        tpu.vector_store %arg7[%parallel_loop3A_419, %parallel_loop3A_420], %parallel_loop3A_418 {strides = array<i32>} : memref<128x65xf32, #tpu.memory_space<vmem>>, vector<16xf32>,
        %parallel_loop3A_422 = arith.constant 2 : i32
        %parallel_loop3A_423 = arith.index_cast %parallel_loop3A_422 : i32 to index
        %parallel_loop3A_424 = arith.index_cast %parallel_loop3A_413 : i32 to index
        %parallel_loop3A_425 = arith.constant 16 : index
        %parallel_loop3A_426 = tpu.vector_load %arg6[%parallel_loop3A_423, %parallel_loop3A_424, %parallel_loop3A_425] {strides = array<i32>} : memref<4x128x64xf32, #tpu.memory_space<vmem>>, vector<16xf32>,
        %parallel_loop3A_427 = arith.index_cast %parallel_loop3A_413 : i32 to index
        %parallel_loop3A_428 = arith.constant 16 : index
        %parallel_loop3A_429 = tpu.vector_load %arg7[%parallel_loop3A_427, %parallel_loop3A_428] {strides = array<i32>} : memref<128x65xf32, #tpu.memory_space<vmem>>, vector<16xf32>,
        tpu.vector_store %arg7[%parallel_loop3A_427, %parallel_loop3A_428], %parallel_loop3A_426 {strides = array<i32>} : memref<128x65xf32, #tpu.memory_space<vmem>>, vector<16xf32>,
        %parallel_loop3A_430 = arith.constant 2 : i32
        %parallel_loop3A_431 = arith.index_cast %parallel_loop3A_430 : i32 to index
        %parallel_loop3A_432 = arith.index_cast %parallel_loop3A_413 : i32 to index
        %parallel_loop3A_433 = arith.constant 32 : index
        %parallel_loop3A_434 = tpu.vector_load %arg6[%parallel_loop3A_431, %parallel_loop3A_432, %parallel_loop3A_433] {strides = array<i32>} : memref<4x128x64xf32, #tpu.memory_space<vmem>>, vector<16xf32>,
        %parallel_loop3A_435 = arith.index_cast %parallel_loop3A_413 : i32 to index
        %parallel_loop3A_436 = arith.constant 32 : index
        %parallel_loop3A_437 = tpu.vector_load %arg7[%parallel_loop3A_435, %parallel_loop3A_436] {strides = array<i32>} : memref<128x65xf32, #tpu.memory_space<vmem>>, vector<16xf32>,
        tpu.vector_store %arg7[%parallel_loop3A_435, %parallel_loop3A_436], %parallel_loop3A_434 {strides = array<i32>} : memref<128x65xf32, #tpu.memory_space<vmem>>, vector<16xf32>,
        %parallel_loop3A_438 = arith.constant 2 : i32
        %parallel_loop3A_439 = arith.index_cast %parallel_loop3A_438 : i32 to index
        %parallel_loop3A_440 = arith.index_cast %parallel_loop3A_413 : i32 to index
        %parallel_loop3A_441 = arith.constant 48 : index
        %parallel_loop3A_442 = tpu.vector_load %arg6[%parallel_loop3A_439, %parallel_loop3A_440, %parallel_loop3A_441] {strides = array<i32>} : memref<4x128x64xf32, #tpu.memory_space<vmem>>, vector<16xf32>,
        %parallel_loop3A_443 = arith.index_cast %parallel_loop3A_413 : i32 to index
        %parallel_loop3A_444 = arith.constant 48 : index
        %parallel_loop3A_445 = tpu.vector_load %arg7[%parallel_loop3A_443, %parallel_loop3A_444] {strides = array<i32>} : memref<128x65xf32, #tpu.memory_space<vmem>>, vector<16xf32>,
        tpu.vector_store %arg7[%parallel_loop3A_443, %parallel_loop3A_444], %parallel_loop3A_442 {strides = array<i32>} : memref<128x65xf32, #tpu.memory_space<vmem>>, vector<16xf32>,
      } {sc.loop_unroll_factor = 8 : i64, sc.parallel_access}
      %parallel_loop3A_325 = arith.constant 0 : i32
      %parallel_loop3A_326 = arith.constant 64 : i32
      %parallel_loop3A_327 = arith.constant 1 : i32
      scf.for %parallel_loop3A_413 = %parallel_loop3A_325 to %parallel_loop3A_326 step %parallel_loop3A_327  : i32 {
        %parallel_loop3A_414 = vector.broadcast %parallel_loop3A_413 : i32 to vector<16xi32>
        %parallel_loop3A_415 = arith.constant 3 : i32
        %parallel_loop3A_416 = arith.shrui %parallel_loop3A_413, %parallel_loop3A_415 : i32
        %parallel_loop3A_417 = arith.constant 7 : i32
        %parallel_loop3A_418 = arith.andi %parallel_loop3A_413, %parallel_loop3A_417 : i32
        %parallel_loop3A_419 = tpu.vector_load_idx %arg7[%add3A_3, %parallel_loop3A_414] : memref<128x65xf32, #tpu.memory_space<vmem>>[vector<16xi32>, vector<16xi32>], vector<16xf32>,
        %parallel_loop3A_420 = arith.constant 2 : i32
        %parallel_loop3A_421 = arith.index_cast %parallel_loop3A_420 : i32 to index
        %parallel_loop3A_422 = arith.index_cast %parallel_loop3A_416 : i32 to index
        %parallel_loop3A_423 = arith.index_cast %parallel_loop3A_418 : i32 to index
        %parallel_loop3A_424 = arith.constant 0 : index
        %parallel_loop3A_425 = tpu.vector_load %arg8[%parallel_loop3A_421, %parallel_loop3A_422, %parallel_loop3A_423, %parallel_loop3A_424] {strides = array<i32>} : memref<4x8x8x128xf32, #tpu.memory_space<vmem>>, vector<16xf32>,
        tpu.vector_store %arg8[%parallel_loop3A_421, %parallel_loop3A_422, %parallel_loop3A_423, %parallel_loop3A_424], %parallel_loop3A_419 {strides = array<i32>} : memref<4x8x8x128xf32, #tpu.memory_space<vmem>>, vector<16xf32>,
        %parallel_loop3A_426 = tpu.vector_load_idx %arg7[%add3A_6, %parallel_loop3A_414] : memref<128x65xf32, #tpu.memory_space<vmem>>[vector<16xi32>, vector<16xi32>], vector<16xf32>,
        %parallel_loop3A_427 = arith.constant 2 : i32
        %parallel_loop3A_428 = arith.index_cast %parallel_loop3A_427 : i32 to index
        %parallel_loop3A_429 = arith.index_cast %parallel_loop3A_416 : i32 to index
        %parallel_loop3A_430 = arith.index_cast %parallel_loop3A_418 : i32 to index
        %parallel_loop3A_431 = arith.constant 16 : index
        %parallel_loop3A_432 = tpu.vector_load %arg8[%parallel_loop3A_428, %parallel_loop3A_429, %parallel_loop3A_430, %parallel_loop3A_431] {strides = array<i32>} : memref<4x8x8x128xf32, #tpu.memory_space<vmem>>, vector<16xf32>,
        tpu.vector_store %arg8[%parallel_loop3A_428, %parallel_loop3A_429, %parallel_loop3A_430, %parallel_loop3A_431], %parallel_loop3A_426 {strides = array<i32>} : memref<4x8x8x128xf32, #tpu.memory_space<vmem>>, vector<16xf32>,
        %parallel_loop3A_433 = tpu.vector_load_idx %arg7[%add3A_9, %parallel_loop3A_414] : memref<128x65xf32, #tpu.memory_space<vmem>>[vector<16xi32>, vector<16xi32>], vector<16xf32>,
        %parallel_loop3A_434 = arith.constant 2 : i32
        %parallel_loop3A_435 = arith.index_cast %parallel_loop3A_434 : i32 to index
        %parallel_loop3A_436 = arith.index_cast %parallel_loop3A_416 : i32 to index
        %parallel_loop3A_437 = arith.index_cast %parallel_loop3A_418 : i32 to index
        %parallel_loop3A_438 = arith.constant 32 : index
        %parallel_loop3A_439 = tpu.vector_load %arg8[%parallel_loop3A_435, %parallel_loop3A_436, %parallel_loop3A_437, %parallel_loop3A_438] {strides = array<i32>} : memref<4x8x8x128xf32, #tpu.memory_space<vmem>>, vector<16xf32>,
        tpu.vector_store %arg8[%parallel_loop3A_435, %parallel_loop3A_436, %parallel_loop3A_437, %parallel_loop3A_438], %parallel_loop3A_433 {strides = array<i32>} : memref<4x8x8x128xf32, #tpu.memory_space<vmem>>, vector<16xf32>,
        %parallel_loop3A_440 = tpu.vector_load_idx %arg7[%add3A_12, %parallel_loop3A_414] : memref<128x65xf32, #tpu.memory_space<vmem>>[vector<16xi32>, vector<16xi32>], vector<16xf32>,
        %parallel_loop3A_441 = arith.constant 2 : i32
        %parallel_loop3A_442 = arith.index_cast %parallel_loop3A_441 : i32 to index
        %parallel_loop3A_443 = arith.index_cast %parallel_loop3A_416 : i32 to index
        %parallel_loop3A_444 = arith.index_cast %parallel_loop3A_418 : i32 to index
        %parallel_loop3A_445 = arith.constant 48 : index
        %parallel_loop3A_446 = tpu.vector_load %arg8[%parallel_loop3A_442, %parallel_loop3A_443, %parallel_loop3A_444, %parallel_loop3A_445] {strides = array<i32>} : memref<4x8x8x128xf32, #tpu.memory_space<vmem>>, vector<16xf32>,
        tpu.vector_store %arg8[%parallel_loop3A_442, %parallel_loop3A_443, %parallel_loop3A_444, %parallel_loop3A_445], %parallel_loop3A_440 {strides = array<i32>} : memref<4x8x8x128xf32, #tpu.memory_space<vmem>>, vector<16xf32>,
        %parallel_loop3A_447 = tpu.vector_load_idx %arg7[%add3A_15, %parallel_loop3A_414] : memref<128x65xf32, #tpu.memory_space<vmem>>[vector<16xi32>, vector<16xi32>], vector<16xf32>,
        %parallel_loop3A_448 = arith.constant 2 : i32
        %parallel_loop3A_449 = arith.index_cast %parallel_loop3A_448 : i32 to index
        %parallel_loop3A_450 = arith.index_cast %parallel_loop3A_416 : i32 to index
        %parallel_loop3A_451 = arith.index_cast %parallel_loop3A_418 : i32 to index
        %parallel_loop3A_452 = arith.constant 64 : index
        %parallel_loop3A_453 = tpu.vector_load %arg8[%parallel_loop3A_449, %parallel_loop3A_450, %parallel_loop3A_451, %parallel_loop3A_452] {strides = array<i32>} : memref<4x8x8x128xf32, #tpu.memory_space<vmem>>, vector<16xf32>,
        tpu.vector_store %arg8[%parallel_loop3A_449, %parallel_loop3A_450, %parallel_loop3A_451, %parallel_loop3A_452], %parallel_loop3A_447 {strides = array<i32>} : memref<4x8x8x128xf32, #tpu.memory_space<vmem>>, vector<16xf32>,
        %parallel_loop3A_454 = tpu.vector_load_idx %arg7[%add3A_18, %parallel_loop3A_414] : memref<128x65xf32, #tpu.memory_space<vmem>>[vector<16xi32>, vector<16xi32>], vector<16xf32>,
        %parallel_loop3A_455 = arith.constant 2 : i32
        %parallel_loop3A_456 = arith.index_cast %parallel_loop3A_455 : i32 to index
        %parallel_loop3A_457 = arith.index_cast %parallel_loop3A_416 : i32 to index
        %parallel_loop3A_458 = arith.index_cast %parallel_loop3A_418 : i32 to index
        %parallel_loop3A_459 = arith.constant 80 : index
        %parallel_loop3A_460 = tpu.vector_load %arg8[%parallel_loop3A_456, %parallel_loop3A_457, %parallel_loop3A_458, %parallel_loop3A_459] {strides = array<i32>} : memref<4x8x8x128xf32, #tpu.memory_space<vmem>>, vector<16xf32>,
        tpu.vector_store %arg8[%parallel_loop3A_456, %parallel_loop3A_457, %parallel_loop3A_458, %parallel_loop3A_459], %parallel_loop3A_454 {strides = array<i32>} : memref<4x8x8x128xf32, #tpu.memory_space<vmem>>, vector<16xf32>,
        %parallel_loop3A_461 = tpu.vector_load_idx %arg7[%add3A_21, %parallel_loop3A_414] : memref<128x65xf32, #tpu.memory_space<vmem>>[vector<16xi32>, vector<16xi32>], vector<16xf32>,
        %parallel_loop3A_462 = arith.constant 2 : i32
        %parallel_loop3A_463 = arith.index_cast %parallel_loop3A_462 : i32 to index
        %parallel_loop3A_464 = arith.index_cast %parallel_loop3A_416 : i32 to index
        %parallel_loop3A_465 = arith.index_cast %parallel_loop3A_418 : i32 to index
        %parallel_loop3A_466 = arith.constant 96 : index
        %parallel_loop3A_467 = tpu.vector_load %arg8[%parallel_loop3A_463, %parallel_loop3A_464, %parallel_loop3A_465, %parallel_loop3A_466] {strides = array<i32>} : memref<4x8x8x128xf32, #tpu.memory_space<vmem>>, vector<16xf32>,
        tpu.vector_store %arg8[%parallel_loop3A_463, %parallel_loop3A_464, %parallel_loop3A_465, %parallel_loop3A_466], %parallel_loop3A_461 {strides = array<i32>} : memref<4x8x8x128xf32, #tpu.memory_space<vmem>>, vector<16xf32>,
        %parallel_loop3A_468 = tpu.vector_load_idx %arg7[%add3A_24, %parallel_loop3A_414] : memref<128x65xf32, #tpu.memory_space<vmem>>[vector<16xi32>, vector<16xi32>], vector<16xf32>,
        %parallel_loop3A_469 = arith.constant 2 : i32
        %parallel_loop3A_470 = arith.index_cast %parallel_loop3A_469 : i32 to index
        %parallel_loop3A_471 = arith.index_cast %parallel_loop3A_416 : i32 to index
        %parallel_loop3A_472 = arith.index_cast %parallel_loop3A_418 : i32 to index
        %parallel_loop3A_473 = arith.constant 112 : index
        %parallel_loop3A_474 = tpu.vector_load %arg8[%parallel_loop3A_470, %parallel_loop3A_471, %parallel_loop3A_472, %parallel_loop3A_473] {strides = array<i32>} : memref<4x8x8x128xf32, #tpu.memory_space<vmem>>, vector<16xf32>,
        tpu.vector_store %arg8[%parallel_loop3A_470, %parallel_loop3A_471, %parallel_loop3A_472, %parallel_loop3A_473], %parallel_loop3A_468 {strides = array<i32>} : memref<4x8x8x128xf32, #tpu.memory_space<vmem>>, vector<16xf32>,
      } {sc.loop_unroll_factor = 4 : i64, sc.parallel_access}
      %dma_start3A_328 = arith.constant 2 : i32
      %dma_start3A_329 = arith.constant 2 : i32
      %dma_start3A_330 = arith.constant 0 : i32
      %dma_start3A_331 = arith.constant 0 : i32
      %dma_start3A_332 = arith.constant 0 : i32
      %dma_start3A_333 = tpu.memref_slice %arg8[%dma_start3A_328, %dma_start3A_330, %dma_start3A_331, %dma_start3A_332] : memref<4x8x8x128xf32, #tpu.memory_space<vmem>> -> memref<1x8x8x128xf32, #tpu.memory_space<vmem>>
      %dma_start3A_334 = tpu.memref_squeeze %dma_start3A_333 : memref<1x8x8x128xf32, #tpu.memory_space<vmem>> -> memref<8x8x128xf32, #tpu.memory_space<vmem>>
      %dma_start3A_335 = arith.constant 0 : i32
      %dma_start3A_336 = arith.constant 0 : i32
      %dma_start3A_337 = arith.constant 0 : i32
      %dma_start3A_338 = tpu.memref_slice %arg4[%add3A_302, %dma_start3A_335, %add3A, %dma_start3A_336, %dma_start3A_337] : memref<200x8x32x8x128xf32, #tpu.memory_space<hbm>> -> memref<1x8x1x8x128xf32, #tpu.memory_space<hbm>>
      %dma_start3A_339 = tpu.memref_squeeze %dma_start3A_338 : memref<1x8x1x8x128xf32, #tpu.memory_space<hbm>> -> memref<8x8x128xf32, #tpu.memory_space<hbm>>
      %dma_start3A_340 = tpu.memref_slice %arg10[%dma_start3A_329] : memref<4x!tpu.dma_semaphore, #tpu.memory_space<semaphore_mem>> -> memref<1x!tpu.dma_semaphore, #tpu.memory_space<semaphore_mem>>
      %dma_start3A_341 = tpu.memref_squeeze %dma_start3A_340 : memref<1x!tpu.dma_semaphore, #tpu.memory_space<semaphore_mem>> -> memref<!tpu.dma_semaphore, #tpu.memory_space<semaphore_mem>>
      %dma_start3A_342 = arith.constant 0 : i32
      %dma_start3A_343 = arith.constant 0 : i32
      %dma_start3A_344 = arith.constant 0 : i32
      %dma_start3A_345 = tpu.memref_slice %arg4[%add3A_302, %dma_start3A_342, %add3A, %dma_start3A_343, %dma_start3A_344] : memref<200x8x32x8x128xf32, #tpu.memory_space<hbm>> -> memref<1x8x1x8x128xf32, #tpu.memory_space<hbm>>
      %dma_start3A_346 = tpu.memref_squeeze %dma_start3A_345 : memref<1x8x1x8x128xf32, #tpu.memory_space<hbm>> -> memref<8x8x128xf32, #tpu.memory_space<hbm>>
      %dma_start3A_347 = arith.constant 0 : i32
      %dma_start3A_348 = arith.constant 0 : i32
      %dma_start3A_349 = arith.constant 0 : i32
      %dma_start3A_350 = tpu.memref_slice %arg8[%dma_start3A_328, %dma_start3A_347, %dma_start3A_348, %dma_start3A_349] : memref<4x8x8x128xf32, #tpu.memory_space<vmem>> -> memref<1x8x8x128xf32, #tpu.memory_space<vmem>>
      %dma_start3A_351 = tpu.memref_squeeze %dma_start3A_350 : memref<1x8x8x128xf32, #tpu.memory_space<vmem>> -> memref<8x8x128xf32, #tpu.memory_space<vmem>>
      tpu.enqueue_dma source(%dma_start3A_351 : memref<8x8x128xf32, #tpu.memory_space<vmem>>) target(%dma_start3A_346 : memref<8x8x128xf32, #tpu.memory_space<hbm>>) target_semaphore(%dma_start3A_341 : memref<!tpu.dma_semaphore, #tpu.memory_space<semaphore_mem>>)
      %lt3A_352 = arith.constant 49 : i32
      %lt3A_353 = arith.cmpi slt, %add3A_191, %lt3A_352 : i32
      %convert_element_type3A_354 = arith.extui %lt3A_353 : i1 to i32
      %cond3A_355 = arith.constant 0 : i32
      %cond3A_356 = arith.cmpi ne, %convert_element_type3A_354, %cond3A_355 : i32
      scf.if %cond3A_356 {
        %add3A_413 = arith.constant 4 : i32
        %add3A_414 = arith.addi %add3A_302, %add3A_413 : i32
        %dma_start3A_415 = arith.constant 2 : i32
        %dma_start3A_416 = arith.constant 2 : i32
        %dma_start3A_417 = arith.constant 0 : i32
        %dma_start3A_418 = arith.constant 0 : i32
        %dma_start3A_419 = tpu.memref_slice %arg6[%dma_start3A_415, %dma_start3A_417, %dma_start3A_418] : memref<4x128x64xf32, #tpu.memory_space<vmem>> -> memref<1x128x64xf32, #tpu.memory_space<vmem>>
        %dma_start3A_420 = tpu.memref_squeeze %dma_start3A_419 : memref<1x128x64xf32, #tpu.memory_space<vmem>> -> memref<128x64xf32, #tpu.memory_space<vmem>>
        %dma_start3A_421 = arith.constant 0 : i32
        %dma_start3A_422 = tpu.memref_slice %arg5[%add3A_414, %dma_start3A_421] : memref<200x128xi32, #tpu.memory_space<vmem>> -> memref<1x128xi32, #tpu.memory_space<vmem>>
        %dma_start3A_423 = tpu.memref_squeeze %dma_start3A_422 : memref<1x128xi32, #tpu.memory_space<vmem>> -> memref<128xi32, #tpu.memory_space<vmem>>
        %dma_start3A_424 = arith.constant 0 : i32
        %dma_start3A_425 = arith.constant 0 : i32
        %dma_start3A_426 = tpu.memref_slice %arg3[%dma_start3A_424, %dma_start3A_425] : memref<100000x64xf32, #tpu.memory_space<hbm>> -> memref<100000x64xf32, #tpu.memory_space<hbm>>
        %dma_start3A_427 = tpu.memref_slice %arg9[%dma_start3A_416] : memref<4x!tpu.dma_semaphore, #tpu.memory_space<semaphore_mem>> -> memref<1x!tpu.dma_semaphore, #tpu.memory_space<semaphore_mem>>
        %dma_start3A_428 = tpu.memref_squeeze %dma_start3A_427 : memref<1x!tpu.dma_semaphore, #tpu.memory_space<semaphore_mem>> -> memref<!tpu.dma_semaphore, #tpu.memory_space<semaphore_mem>>
        tpu.enqueue_indirect_dma source(%dma_start3A_426 : memref<100000x64xf32, #tpu.memory_space<hbm>>) target(%dma_start3A_420 : memref<128x64xf32, #tpu.memory_space<vmem>>) offsets(%dma_start3A_423 : memref<128xi32, #tpu.memory_space<vmem>>) semaphore(%dma_start3A_428 : memref<!tpu.dma_semaphore, #tpu.memory_space<semaphore_mem>>)
      } else {
      }
      %add3A_357 = arith.constant 3 : i32
      %add3A_358 = arith.addi %mul3A_193, %add3A_357 : i32
      %dma_wait3A_359 = arith.constant 3 : i32
      %dma_wait3A_360 = arith.constant 3 : i32
      %dma_wait3A_361 = arith.constant 0 : i32
      %dma_wait3A_362 = arith.constant 0 : i32
      %dma_wait3A_363 = tpu.memref_slice %arg6[%dma_wait3A_359, %dma_wait3A_361, %dma_wait3A_362] : memref<4x128x64xf32, #tpu.memory_space<vmem>> -> memref<1x128x64xf32, #tpu.memory_space<vmem>>
      %dma_wait3A_364 = tpu.memref_squeeze %dma_wait3A_363 : memref<1x128x64xf32, #tpu.memory_space<vmem>> -> memref<128x64xf32, #tpu.memory_space<vmem>>
      %dma_wait3A_365 = arith.constant 0 : i32
      %dma_wait3A_366 = tpu.memref_slice %arg5[%add3A_358, %dma_wait3A_365] : memref<200x128xi32, #tpu.memory_space<vmem>> -> memref<1x128xi32, #tpu.memory_space<vmem>>
      %dma_wait3A_367 = tpu.memref_squeeze %dma_wait3A_366 : memref<1x128xi32, #tpu.memory_space<vmem>> -> memref<128xi32, #tpu.memory_space<vmem>>
      %dma_wait3A_368 = arith.constant 0 : i32
      %dma_wait3A_369 = arith.constant 0 : i32
      %dma_wait3A_370 = tpu.memref_slice %arg3[%dma_wait3A_368, %dma_wait3A_369] : memref<100000x64xf32, #tpu.memory_space<hbm>> -> memref<100000x64xf32, #tpu.memory_space<hbm>>
      %dma_wait3A_371 = tpu.memref_slice %arg9[%dma_wait3A_360] : memref<4x!tpu.dma_semaphore, #tpu.memory_space<semaphore_mem>> -> memref<1x!tpu.dma_semaphore, #tpu.memory_space<semaphore_mem>>
      %dma_wait3A_372 = tpu.memref_squeeze %dma_wait3A_371 : memref<1x!tpu.dma_semaphore, #tpu.memory_space<semaphore_mem>> -> memref<!tpu.dma_semaphore, #tpu.memory_space<semaphore_mem>>
      tpu.wait_indirect_dma semaphore(%dma_wait3A_372 : memref<!tpu.dma_semaphore, #tpu.memory_space<semaphore_mem>>) src(%dma_wait3A_370 : memref<100000x64xf32, #tpu.memory_space<hbm>>) dst(%dma_wait3A_364 : memref<128x64xf32, #tpu.memory_space<vmem>>)
      %gt3A_373 = arith.constant 0 : i32
      %gt3A_374 = arith.cmpi sgt, %add3A_191, %gt3A_373 : i32
      %convert_element_type3A_375 = arith.extui %gt3A_374 : i1 to i32
      %cond3A_376 = arith.constant 0 : i32
      %cond3A_377 = arith.cmpi ne, %convert_element_type3A_375, %cond3A_376 : i32
      scf.if %cond3A_377 {
        %sub3A = arith.constant 4 : i32
        %sub3A_413 = arith.subi %add3A_358, %sub3A : i32
        %dma_wait3A_414 = arith.constant 3 : i32
        %dma_wait3A_415 = arith.constant 3 : i32
        %dma_wait3A_416 = arith.constant 0 : i32
        %dma_wait3A_417 = arith.constant 0 : i32
        %dma_wait3A_418 = arith.constant 0 : i32
        %dma_wait3A_419 = tpu.memref_slice %arg8[%dma_wait3A_414, %dma_wait3A_416, %dma_wait3A_417, %dma_wait3A_418] : memref<4x8x8x128xf32, #tpu.memory_space<vmem>> -> memref<1x8x8x128xf32, #tpu.memory_space<vmem>>
        %dma_wait3A_420 = tpu.memref_squeeze %dma_wait3A_419 : memref<1x8x8x128xf32, #tpu.memory_space<vmem>> -> memref<8x8x128xf32, #tpu.memory_space<vmem>>
        %dma_wait3A_421 = arith.constant 0 : i32
        %dma_wait3A_422 = arith.constant 0 : i32
        %dma_wait3A_423 = arith.constant 0 : i32
        %dma_wait3A_424 = tpu.memref_slice %arg4[%sub3A_413, %dma_wait3A_421, %add3A, %dma_wait3A_422, %dma_wait3A_423] : memref<200x8x32x8x128xf32, #tpu.memory_space<hbm>> -> memref<1x8x1x8x128xf32, #tpu.memory_space<hbm>>
        %dma_wait3A_425 = tpu.memref_squeeze %dma_wait3A_424 : memref<1x8x1x8x128xf32, #tpu.memory_space<hbm>> -> memref<8x8x128xf32, #tpu.memory_space<hbm>>
        %dma_wait3A_426 = tpu.memref_slice %arg10[%dma_wait3A_415] : memref<4x!tpu.dma_semaphore, #tpu.memory_space<semaphore_mem>> -> memref<1x!tpu.dma_semaphore, #tpu.memory_space<semaphore_mem>>
        %dma_wait3A_427 = tpu.memref_squeeze %dma_wait3A_426 : memref<1x!tpu.dma_semaphore, #tpu.memory_space<semaphore_mem>> -> memref<!tpu.dma_semaphore, #tpu.memory_space<semaphore_mem>>
        %dma_wait3A_428 = arith.constant 0 : i32
        %dma_wait3A_429 = arith.constant 0 : i32
        %dma_wait3A_430 = arith.constant 0 : i32
        %dma_wait3A_431 = tpu.memref_slice %arg4[%sub3A_413, %dma_wait3A_428, %add3A, %dma_wait3A_429, %dma_wait3A_430] : memref<200x8x32x8x128xf32, #tpu.memory_space<hbm>> -> memref<1x8x1x8x128xf32, #tpu.memory_space<hbm>>
        %dma_wait3A_432 = tpu.memref_squeeze %dma_wait3A_431 : memref<1x8x1x8x128xf32, #tpu.memory_space<hbm>> -> memref<8x8x128xf32, #tpu.memory_space<hbm>>
        %dma_wait3A_433 = arith.constant 0 : i32
        %dma_wait3A_434 = arith.constant 0 : i32
        %dma_wait3A_435 = arith.constant 0 : i32
        %dma_wait3A_436 = tpu.memref_slice %arg8[%dma_wait3A_414, %dma_wait3A_433, %dma_wait3A_434, %dma_wait3A_435] : memref<4x8x8x128xf32, #tpu.memory_space<vmem>> -> memref<1x8x8x128xf32, #tpu.memory_space<vmem>>
        %dma_wait3A_437 = tpu.memref_squeeze %dma_wait3A_436 : memref<1x8x8x128xf32, #tpu.memory_space<vmem>> -> memref<8x8x128xf32, #tpu.memory_space<vmem>>
        tpu.wait_dma2 semaphore(%dma_wait3A_427 : memref<!tpu.dma_semaphore, #tpu.memory_space<semaphore_mem>>) src(%dma_wait3A_437 : memref<8x8x128xf32, #tpu.memory_space<vmem>>) dst(%dma_wait3A_432 : memref<8x8x128xf32, #tpu.memory_space<hbm>>)
      } else {
      }
      %parallel_loop3A_378 = arith.constant 0 : i32
      %parallel_loop3A_379 = arith.constant 128 : i32
      %parallel_loop3A_380 = arith.constant 1 : i32
      scf.for %parallel_loop3A_413 = %parallel_loop3A_378 to %parallel_loop3A_379 step %parallel_loop3A_380  : i32 {
        %parallel_loop3A_414 = arith.constant 3 : i32
        %parallel_loop3A_415 = arith.index_cast %parallel_loop3A_414 : i32 to index
        %parallel_loop3A_416 = arith.index_cast %parallel_loop3A_413 : i32 to index
        %parallel_loop3A_417 = arith.constant 0 : index
        %parallel_loop3A_418 = tpu.vector_load %arg6[%parallel_loop3A_415, %parallel_loop3A_416, %parallel_loop3A_417] {strides = array<i32>} : memref<4x128x64xf32, #tpu.memory_space<vmem>>, vector<16xf32>,
        %parallel_loop3A_419 = arith.index_cast %parallel_loop3A_413 : i32 to index
        %parallel_loop3A_420 = arith.constant 0 : index
        %parallel_loop3A_421 = tpu.vector_load %arg7[%parallel_loop3A_419, %parallel_loop3A_420] {strides = array<i32>} : memref<128x65xf32, #tpu.memory_space<vmem>>, vector<16xf32>,
        tpu.vector_store %arg7[%parallel_loop3A_419, %parallel_loop3A_420], %parallel_loop3A_418 {strides = array<i32>} : memref<128x65xf32, #tpu.memory_space<vmem>>, vector<16xf32>,
        %parallel_loop3A_422 = arith.constant 3 : i32
        %parallel_loop3A_423 = arith.index_cast %parallel_loop3A_422 : i32 to index
        %parallel_loop3A_424 = arith.index_cast %parallel_loop3A_413 : i32 to index
        %parallel_loop3A_425 = arith.constant 16 : index
        %parallel_loop3A_426 = tpu.vector_load %arg6[%parallel_loop3A_423, %parallel_loop3A_424, %parallel_loop3A_425] {strides = array<i32>} : memref<4x128x64xf32, #tpu.memory_space<vmem>>, vector<16xf32>,
        %parallel_loop3A_427 = arith.index_cast %parallel_loop3A_413 : i32 to index
        %parallel_loop3A_428 = arith.constant 16 : index
        %parallel_loop3A_429 = tpu.vector_load %arg7[%parallel_loop3A_427, %parallel_loop3A_428] {strides = array<i32>} : memref<128x65xf32, #tpu.memory_space<vmem>>, vector<16xf32>,
        tpu.vector_store %arg7[%parallel_loop3A_427, %parallel_loop3A_428], %parallel_loop3A_426 {strides = array<i32>} : memref<128x65xf32, #tpu.memory_space<vmem>>, vector<16xf32>,
        %parallel_loop3A_430 = arith.constant 3 : i32
        %parallel_loop3A_431 = arith.index_cast %parallel_loop3A_430 : i32 to index
        %parallel_loop3A_432 = arith.index_cast %parallel_loop3A_413 : i32 to index
        %parallel_loop3A_433 = arith.constant 32 : index
        %parallel_loop3A_434 = tpu.vector_load %arg6[%parallel_loop3A_431, %parallel_loop3A_432, %parallel_loop3A_433] {strides = array<i32>} : memref<4x128x64xf32, #tpu.memory_space<vmem>>, vector<16xf32>,
        %parallel_loop3A_435 = arith.index_cast %parallel_loop3A_413 : i32 to index
        %parallel_loop3A_436 = arith.constant 32 : index
        %parallel_loop3A_437 = tpu.vector_load %arg7[%parallel_loop3A_435, %parallel_loop3A_436] {strides = array<i32>} : memref<128x65xf32, #tpu.memory_space<vmem>>, vector<16xf32>,
        tpu.vector_store %arg7[%parallel_loop3A_435, %parallel_loop3A_436], %parallel_loop3A_434 {strides = array<i32>} : memref<128x65xf32, #tpu.memory_space<vmem>>, vector<16xf32>,
        %parallel_loop3A_438 = arith.constant 3 : i32
        %parallel_loop3A_439 = arith.index_cast %parallel_loop3A_438 : i32 to index
        %parallel_loop3A_440 = arith.index_cast %parallel_loop3A_413 : i32 to index
        %parallel_loop3A_441 = arith.constant 48 : index
        %parallel_loop3A_442 = tpu.vector_load %arg6[%parallel_loop3A_439, %parallel_loop3A_440, %parallel_loop3A_441] {strides = array<i32>} : memref<4x128x64xf32, #tpu.memory_space<vmem>>, vector<16xf32>,
        %parallel_loop3A_443 = arith.index_cast %parallel_loop3A_413 : i32 to index
        %parallel_loop3A_444 = arith.constant 48 : index
        %parallel_loop3A_445 = tpu.vector_load %arg7[%parallel_loop3A_443, %parallel_loop3A_444] {strides = array<i32>} : memref<128x65xf32, #tpu.memory_space<vmem>>, vector<16xf32>,
        tpu.vector_store %arg7[%parallel_loop3A_443, %parallel_loop3A_444], %parallel_loop3A_442 {strides = array<i32>} : memref<128x65xf32, #tpu.memory_space<vmem>>, vector<16xf32>,
      } {sc.loop_unroll_factor = 8 : i64, sc.parallel_access}
      %parallel_loop3A_381 = arith.constant 0 : i32
      %parallel_loop3A_382 = arith.constant 64 : i32
      %parallel_loop3A_383 = arith.constant 1 : i32
      scf.for %parallel_loop3A_413 = %parallel_loop3A_381 to %parallel_loop3A_382 step %parallel_loop3A_383  : i32 {
        %parallel_loop3A_414 = vector.broadcast %parallel_loop3A_413 : i32 to vector<16xi32>
        %parallel_loop3A_415 = arith.constant 3 : i32
        %parallel_loop3A_416 = arith.shrui %parallel_loop3A_413, %parallel_loop3A_415 : i32
        %parallel_loop3A_417 = arith.constant 7 : i32
        %parallel_loop3A_418 = arith.andi %parallel_loop3A_413, %parallel_loop3A_417 : i32
        %parallel_loop3A_419 = tpu.vector_load_idx %arg7[%add3A_3, %parallel_loop3A_414] : memref<128x65xf32, #tpu.memory_space<vmem>>[vector<16xi32>, vector<16xi32>], vector<16xf32>,
        %parallel_loop3A_420 = arith.constant 3 : i32
        %parallel_loop3A_421 = arith.index_cast %parallel_loop3A_420 : i32 to index
        %parallel_loop3A_422 = arith.index_cast %parallel_loop3A_416 : i32 to index
        %parallel_loop3A_423 = arith.index_cast %parallel_loop3A_418 : i32 to index
        %parallel_loop3A_424 = arith.constant 0 : index
        %parallel_loop3A_425 = tpu.vector_load %arg8[%parallel_loop3A_421, %parallel_loop3A_422, %parallel_loop3A_423, %parallel_loop3A_424] {strides = array<i32>} : memref<4x8x8x128xf32, #tpu.memory_space<vmem>>, vector<16xf32>,
        tpu.vector_store %arg8[%parallel_loop3A_421, %parallel_loop3A_422, %parallel_loop3A_423, %parallel_loop3A_424], %parallel_loop3A_419 {strides = array<i32>} : memref<4x8x8x128xf32, #tpu.memory_space<vmem>>, vector<16xf32>,
        %parallel_loop3A_426 = tpu.vector_load_idx %arg7[%add3A_6, %parallel_loop3A_414] : memref<128x65xf32, #tpu.memory_space<vmem>>[vector<16xi32>, vector<16xi32>], vector<16xf32>,
        %parallel_loop3A_427 = arith.constant 3 : i32
        %parallel_loop3A_428 = arith.index_cast %parallel_loop3A_427 : i32 to index
        %parallel_loop3A_429 = arith.index_cast %parallel_loop3A_416 : i32 to index
        %parallel_loop3A_430 = arith.index_cast %parallel_loop3A_418 : i32 to index
        %parallel_loop3A_431 = arith.constant 16 : index
        %parallel_loop3A_432 = tpu.vector_load %arg8[%parallel_loop3A_428, %parallel_loop3A_429, %parallel_loop3A_430, %parallel_loop3A_431] {strides = array<i32>} : memref<4x8x8x128xf32, #tpu.memory_space<vmem>>, vector<16xf32>,
        tpu.vector_store %arg8[%parallel_loop3A_428, %parallel_loop3A_429, %parallel_loop3A_430, %parallel_loop3A_431], %parallel_loop3A_426 {strides = array<i32>} : memref<4x8x8x128xf32, #tpu.memory_space<vmem>>, vector<16xf32>,
        %parallel_loop3A_433 = tpu.vector_load_idx %arg7[%add3A_9, %parallel_loop3A_414] : memref<128x65xf32, #tpu.memory_space<vmem>>[vector<16xi32>, vector<16xi32>], vector<16xf32>,
        %parallel_loop3A_434 = arith.constant 3 : i32
        %parallel_loop3A_435 = arith.index_cast %parallel_loop3A_434 : i32 to index
        %parallel_loop3A_436 = arith.index_cast %parallel_loop3A_416 : i32 to index
        %parallel_loop3A_437 = arith.index_cast %parallel_loop3A_418 : i32 to index
        %parallel_loop3A_438 = arith.constant 32 : index
        %parallel_loop3A_439 = tpu.vector_load %arg8[%parallel_loop3A_435, %parallel_loop3A_436, %parallel_loop3A_437, %parallel_loop3A_438] {strides = array<i32>} : memref<4x8x8x128xf32, #tpu.memory_space<vmem>>, vector<16xf32>,
        tpu.vector_store %arg8[%parallel_loop3A_435, %parallel_loop3A_436, %parallel_loop3A_437, %parallel_loop3A_438], %parallel_loop3A_433 {strides = array<i32>} : memref<4x8x8x128xf32, #tpu.memory_space<vmem>>, vector<16xf32>,
        %parallel_loop3A_440 = tpu.vector_load_idx %arg7[%add3A_12, %parallel_loop3A_414] : memref<128x65xf32, #tpu.memory_space<vmem>>[vector<16xi32>, vector<16xi32>], vector<16xf32>,
        %parallel_loop3A_441 = arith.constant 3 : i32
        %parallel_loop3A_442 = arith.index_cast %parallel_loop3A_441 : i32 to index
        %parallel_loop3A_443 = arith.index_cast %parallel_loop3A_416 : i32 to index
        %parallel_loop3A_444 = arith.index_cast %parallel_loop3A_418 : i32 to index
        %parallel_loop3A_445 = arith.constant 48 : index
        %parallel_loop3A_446 = tpu.vector_load %arg8[%parallel_loop3A_442, %parallel_loop3A_443, %parallel_loop3A_444, %parallel_loop3A_445] {strides = array<i32>} : memref<4x8x8x128xf32, #tpu.memory_space<vmem>>, vector<16xf32>,
        tpu.vector_store %arg8[%parallel_loop3A_442, %parallel_loop3A_443, %parallel_loop3A_444, %parallel_loop3A_445], %parallel_loop3A_440 {strides = array<i32>} : memref<4x8x8x128xf32, #tpu.memory_space<vmem>>, vector<16xf32>,
        %parallel_loop3A_447 = tpu.vector_load_idx %arg7[%add3A_15, %parallel_loop3A_414] : memref<128x65xf32, #tpu.memory_space<vmem>>[vector<16xi32>, vector<16xi32>], vector<16xf32>,
        %parallel_loop3A_448 = arith.constant 3 : i32
        %parallel_loop3A_449 = arith.index_cast %parallel_loop3A_448 : i32 to index
        %parallel_loop3A_450 = arith.index_cast %parallel_loop3A_416 : i32 to index
        %parallel_loop3A_451 = arith.index_cast %parallel_loop3A_418 : i32 to index
        %parallel_loop3A_452 = arith.constant 64 : index
        %parallel_loop3A_453 = tpu.vector_load %arg8[%parallel_loop3A_449, %parallel_loop3A_450, %parallel_loop3A_451, %parallel_loop3A_452] {strides = array<i32>} : memref<4x8x8x128xf32, #tpu.memory_space<vmem>>, vector<16xf32>,
        tpu.vector_store %arg8[%parallel_loop3A_449, %parallel_loop3A_450, %parallel_loop3A_451, %parallel_loop3A_452], %parallel_loop3A_447 {strides = array<i32>} : memref<4x8x8x128xf32, #tpu.memory_space<vmem>>, vector<16xf32>,
        %parallel_loop3A_454 = tpu.vector_load_idx %arg7[%add3A_18, %parallel_loop3A_414] : memref<128x65xf32, #tpu.memory_space<vmem>>[vector<16xi32>, vector<16xi32>], vector<16xf32>,
        %parallel_loop3A_455 = arith.constant 3 : i32
        %parallel_loop3A_456 = arith.index_cast %parallel_loop3A_455 : i32 to index
        %parallel_loop3A_457 = arith.index_cast %parallel_loop3A_416 : i32 to index
        %parallel_loop3A_458 = arith.index_cast %parallel_loop3A_418 : i32 to index
        %parallel_loop3A_459 = arith.constant 80 : index
        %parallel_loop3A_460 = tpu.vector_load %arg8[%parallel_loop3A_456, %parallel_loop3A_457, %parallel_loop3A_458, %parallel_loop3A_459] {strides = array<i32>} : memref<4x8x8x128xf32, #tpu.memory_space<vmem>>, vector<16xf32>,
        tpu.vector_store %arg8[%parallel_loop3A_456, %parallel_loop3A_457, %parallel_loop3A_458, %parallel_loop3A_459], %parallel_loop3A_454 {strides = array<i32>} : memref<4x8x8x128xf32, #tpu.memory_space<vmem>>, vector<16xf32>,
        %parallel_loop3A_461 = tpu.vector_load_idx %arg7[%add3A_21, %parallel_loop3A_414] : memref<128x65xf32, #tpu.memory_space<vmem>>[vector<16xi32>, vector<16xi32>], vector<16xf32>,
        %parallel_loop3A_462 = arith.constant 3 : i32
        %parallel_loop3A_463 = arith.index_cast %parallel_loop3A_462 : i32 to index
        %parallel_loop3A_464 = arith.index_cast %parallel_loop3A_416 : i32 to index
        %parallel_loop3A_465 = arith.index_cast %parallel_loop3A_418 : i32 to index
        %parallel_loop3A_466 = arith.constant 96 : index
        %parallel_loop3A_467 = tpu.vector_load %arg8[%parallel_loop3A_463, %parallel_loop3A_464, %parallel_loop3A_465, %parallel_loop3A_466] {strides = array<i32>} : memref<4x8x8x128xf32, #tpu.memory_space<vmem>>, vector<16xf32>,
        tpu.vector_store %arg8[%parallel_loop3A_463, %parallel_loop3A_464, %parallel_loop3A_465, %parallel_loop3A_466], %parallel_loop3A_461 {strides = array<i32>} : memref<4x8x8x128xf32, #tpu.memory_space<vmem>>, vector<16xf32>,
        %parallel_loop3A_468 = tpu.vector_load_idx %arg7[%add3A_24, %parallel_loop3A_414] : memref<128x65xf32, #tpu.memory_space<vmem>>[vector<16xi32>, vector<16xi32>], vector<16xf32>,
        %parallel_loop3A_469 = arith.constant 3 : i32
        %parallel_loop3A_470 = arith.index_cast %parallel_loop3A_469 : i32 to index
        %parallel_loop3A_471 = arith.index_cast %parallel_loop3A_416 : i32 to index
        %parallel_loop3A_472 = arith.index_cast %parallel_loop3A_418 : i32 to index
        %parallel_loop3A_473 = arith.constant 112 : index
        %parallel_loop3A_474 = tpu.vector_load %arg8[%parallel_loop3A_470, %parallel_loop3A_471, %parallel_loop3A_472, %parallel_loop3A_473] {strides = array<i32>} : memref<4x8x8x128xf32, #tpu.memory_space<vmem>>, vector<16xf32>,
        tpu.vector_store %arg8[%parallel_loop3A_470, %parallel_loop3A_471, %parallel_loop3A_472, %parallel_loop3A_473], %parallel_loop3A_468 {strides = array<i32>} : memref<4x8x8x128xf32, #tpu.memory_space<vmem>>, vector<16xf32>,
      } {sc.loop_unroll_factor = 4 : i64, sc.parallel_access}
      %dma_start3A_384 = arith.constant 3 : i32
      %dma_start3A_385 = arith.constant 3 : i32
      %dma_start3A_386 = arith.constant 0 : i32
      %dma_start3A_387 = arith.constant 0 : i32
      %dma_start3A_388 = arith.constant 0 : i32
      %dma_start3A_389 = tpu.memref_slice %arg8[%dma_start3A_384, %dma_start3A_386, %dma_start3A_387, %dma_start3A_388] : memref<4x8x8x128xf32, #tpu.memory_space<vmem>> -> memref<1x8x8x128xf32, #tpu.memory_space<vmem>>
      %dma_start3A_390 = tpu.memref_squeeze %dma_start3A_389 : memref<1x8x8x128xf32, #tpu.memory_space<vmem>> -> memref<8x8x128xf32, #tpu.memory_space<vmem>>
      %dma_start3A_391 = arith.constant 0 : i32
      %dma_start3A_392 = arith.constant 0 : i32
      %dma_start3A_393 = arith.constant 0 : i32
      %dma_start3A_394 = tpu.memref_slice %arg4[%add3A_358, %dma_start3A_391, %add3A, %dma_start3A_392, %dma_start3A_393] : memref<200x8x32x8x128xf32, #tpu.memory_space<hbm>> -> memref<1x8x1x8x128xf32, #tpu.memory_space<hbm>>
      %dma_start3A_395 = tpu.memref_squeeze %dma_start3A_394 : memref<1x8x1x8x128xf32, #tpu.memory_space<hbm>> -> memref<8x8x128xf32, #tpu.memory_space<hbm>>
      %dma_start3A_396 = tpu.memref_slice %arg10[%dma_start3A_385] : memref<4x!tpu.dma_semaphore, #tpu.memory_space<semaphore_mem>> -> memref<1x!tpu.dma_semaphore, #tpu.memory_space<semaphore_mem>>
      %dma_start3A_397 = tpu.memref_squeeze %dma_start3A_396 : memref<1x!tpu.dma_semaphore, #tpu.memory_space<semaphore_mem>> -> memref<!tpu.dma_semaphore, #tpu.memory_space<semaphore_mem>>
      %dma_start3A_398 = arith.constant 0 : i32
      %dma_start3A_399 = arith.constant 0 : i32
      %dma_start3A_400 = arith.constant 0 : i32
      %dma_start3A_401 = tpu.memref_slice %arg4[%add3A_358, %dma_start3A_398, %add3A, %dma_start3A_399, %dma_start3A_400] : memref<200x8x32x8x128xf32, #tpu.memory_space<hbm>> -> memref<1x8x1x8x128xf32, #tpu.memory_space<hbm>>
      %dma_start3A_402 = tpu.memref_squeeze %dma_start3A_401 : memref<1x8x1x8x128xf32, #tpu.memory_space<hbm>> -> memref<8x8x128xf32, #tpu.memory_space<hbm>>
      %dma_start3A_403 = arith.constant 0 : i32
      %dma_start3A_404 = arith.constant 0 : i32
      %dma_start3A_405 = arith.constant 0 : i32
      %dma_start3A_406 = tpu.memref_slice %arg8[%dma_start3A_384, %dma_start3A_403, %dma_start3A_404, %dma_start3A_405] : memref<4x8x8x128xf32, #tpu.memory_space<vmem>> -> memref<1x8x8x128xf32, #tpu.memory_space<vmem>>
      %dma_start3A_407 = tpu.memref_squeeze %dma_start3A_406 : memref<1x8x8x128xf32, #tpu.memory_space<vmem>> -> memref<8x8x128xf32, #tpu.memory_space<vmem>>
      tpu.enqueue_dma source(%dma_start3A_407 : memref<8x8x128xf32, #tpu.memory_space<vmem>>) target(%dma_start3A_402 : memref<8x8x128xf32, #tpu.memory_space<hbm>>) target_semaphore(%dma_start3A_397 : memref<!tpu.dma_semaphore, #tpu.memory_space<semaphore_mem>>)
      %lt3A_408 = arith.constant 49 : i32
      %lt3A_409 = arith.cmpi slt, %add3A_191, %lt3A_408 : i32
      %convert_element_type3A_410 = arith.extui %lt3A_409 : i1 to i32
      %cond3A_411 = arith.constant 0 : i32
      %cond3A_412 = arith.cmpi ne, %convert_element_type3A_410, %cond3A_411 : i32
      scf.if %cond3A_412 {
        %add3A_413 = arith.constant 4 : i32
        %add3A_414 = arith.addi %add3A_358, %add3A_413 : i32
        %dma_start3A_415 = arith.constant 3 : i32
        %dma_start3A_416 = arith.constant 3 : i32
        %dma_start3A_417 = arith.constant 0 : i32
        %dma_start3A_418 = arith.constant 0 : i32
        %dma_start3A_419 = tpu.memref_slice %arg6[%dma_start3A_415, %dma_start3A_417, %dma_start3A_418] : memref<4x128x64xf32, #tpu.memory_space<vmem>> -> memref<1x128x64xf32, #tpu.memory_space<vmem>>
        %dma_start3A_420 = tpu.memref_squeeze %dma_start3A_419 : memref<1x128x64xf32, #tpu.memory_space<vmem>> -> memref<128x64xf32, #tpu.memory_space<vmem>>
        %dma_start3A_421 = arith.constant 0 : i32
        %dma_start3A_422 = tpu.memref_slice %arg5[%add3A_414, %dma_start3A_421] : memref<200x128xi32, #tpu.memory_space<vmem>> -> memref<1x128xi32, #tpu.memory_space<vmem>>
        %dma_start3A_423 = tpu.memref_squeeze %dma_start3A_422 : memref<1x128xi32, #tpu.memory_space<vmem>> -> memref<128xi32, #tpu.memory_space<vmem>>
        %dma_start3A_424 = arith.constant 0 : i32
        %dma_start3A_425 = arith.constant 0 : i32
        %dma_start3A_426 = tpu.memref_slice %arg3[%dma_start3A_424, %dma_start3A_425] : memref<100000x64xf32, #tpu.memory_space<hbm>> -> memref<100000x64xf32, #tpu.memory_space<hbm>>
        %dma_start3A_427 = tpu.memref_slice %arg9[%dma_start3A_416] : memref<4x!tpu.dma_semaphore, #tpu.memory_space<semaphore_mem>> -> memref<1x!tpu.dma_semaphore, #tpu.memory_space<semaphore_mem>>
        %dma_start3A_428 = tpu.memref_squeeze %dma_start3A_427 : memref<1x!tpu.dma_semaphore, #tpu.memory_space<semaphore_mem>> -> memref<!tpu.dma_semaphore, #tpu.memory_space<semaphore_mem>>
        tpu.enqueue_indirect_dma source(%dma_start3A_426 : memref<100000x64xf32, #tpu.memory_space<hbm>>) target(%dma_start3A_420 : memref<128x64xf32, #tpu.memory_space<vmem>>) offsets(%dma_start3A_423 : memref<128xi32, #tpu.memory_space<vmem>>) semaphore(%dma_start3A_428 : memref<!tpu.dma_semaphore, #tpu.memory_space<semaphore_mem>>)
      } else {
      }
    }
    %scan3A_87 = arith.constant 50 : i32
    %dma_wait3A = arith.constant 0 : i32
    %dma_wait3A_88 = arith.constant 196 : i32
    %dma_wait3A_89 = arith.constant 0 : i32
    %dma_wait3A_90 = arith.constant 0 : i32
    %dma_wait3A_91 = arith.constant 0 : i32
    %dma_wait3A_92 = arith.constant 0 : i32
    %dma_wait3A_93 = tpu.memref_slice %arg8[%dma_wait3A, %dma_wait3A_90, %dma_wait3A_91, %dma_wait3A_92] : memref<4x8x8x128xf32, #tpu.memory_space<vmem>> -> memref<1x8x8x128xf32, #tpu.memory_space<vmem>>
    %dma_wait3A_94 = tpu.memref_squeeze %dma_wait3A_93 : memref<1x8x8x128xf32, #tpu.memory_space<vmem>> -> memref<8x8x128xf32, #tpu.memory_space<vmem>>
    %dma_wait3A_95 = arith.constant 0 : i32
    %dma_wait3A_96 = arith.constant 0 : i32
    %dma_wait3A_97 = arith.constant 0 : i32
    %dma_wait3A_98 = tpu.memref_slice %arg4[%dma_wait3A_88, %dma_wait3A_95, %add3A, %dma_wait3A_96, %dma_wait3A_97] : memref<200x8x32x8x128xf32, #tpu.memory_space<hbm>> -> memref<1x8x1x8x128xf32, #tpu.memory_space<hbm>>
    %dma_wait3A_99 = tpu.memref_squeeze %dma_wait3A_98 : memref<1x8x1x8x128xf32, #tpu.memory_space<hbm>> -> memref<8x8x128xf32, #tpu.memory_space<hbm>>
    %dma_wait3A_100 = tpu.memref_slice %arg10[%dma_wait3A_89] : memref<4x!tpu.dma_semaphore, #tpu.memory_space<semaphore_mem>> -> memref<1x!tpu.dma_semaphore, #tpu.memory_space<semaphore_mem>>
    %dma_wait3A_101 = tpu.memref_squeeze %dma_wait3A_100 : memref<1x!tpu.dma_semaphore, #tpu.memory_space<semaphore_mem>> -> memref<!tpu.dma_semaphore, #tpu.memory_space<semaphore_mem>>
    %dma_wait3A_102 = arith.constant 0 : i32
    %dma_wait3A_103 = arith.constant 0 : i32
    %dma_wait3A_104 = arith.constant 0 : i32
    %dma_wait3A_105 = tpu.memref_slice %arg4[%dma_wait3A_88, %dma_wait3A_102, %add3A, %dma_wait3A_103, %dma_wait3A_104] : memref<200x8x32x8x128xf32, #tpu.memory_space<hbm>> -> memref<1x8x1x8x128xf32, #tpu.memory_space<hbm>>
    %dma_wait3A_106 = tpu.memref_squeeze %dma_wait3A_105 : memref<1x8x1x8x128xf32, #tpu.memory_space<hbm>> -> memref<8x8x128xf32, #tpu.memory_space<hbm>>
    %dma_wait3A_107 = arith.constant 0 : i32
    %dma_wait3A_108 = arith.constant 0 : i32
    %dma_wait3A_109 = arith.constant 0 : i32
    %dma_wait3A_110 = tpu.memref_slice %arg8[%dma_wait3A, %dma_wait3A_107, %dma_wait3A_108, %dma_wait3A_109] : memref<4x8x8x128xf32, #tpu.memory_space<vmem>> -> memref<1x8x8x128xf32, #tpu.memory_space<vmem>>
    %dma_wait3A_111 = tpu.memref_squeeze %dma_wait3A_110 : memref<1x8x8x128xf32, #tpu.memory_space<vmem>> -> memref<8x8x128xf32, #tpu.memory_space<vmem>>
    tpu.wait_dma2 semaphore(%dma_wait3A_101 : memref<!tpu.dma_semaphore, #tpu.memory_space<semaphore_mem>>) src(%dma_wait3A_111 : memref<8x8x128xf32, #tpu.memory_space<vmem>>) dst(%dma_wait3A_106 : memref<8x8x128xf32, #tpu.memory_space<hbm>>)
    %dma_wait3A_112 = arith.constant 1 : i32
    %dma_wait3A_113 = arith.constant 197 : i32
    %dma_wait3A_114 = arith.constant 1 : i32
    %dma_wait3A_115 = arith.constant 0 : i32
    %dma_wait3A_116 = arith.constant 0 : i32
    %dma_wait3A_117 = arith.constant 0 : i32
    %dma_wait3A_118 = tpu.memref_slice %arg8[%dma_wait3A_112, %dma_wait3A_115, %dma_wait3A_116, %dma_wait3A_117] : memref<4x8x8x128xf32, #tpu.memory_space<vmem>> -> memref<1x8x8x128xf32, #tpu.memory_space<vmem>>
    %dma_wait3A_119 = tpu.memref_squeeze %dma_wait3A_118 : memref<1x8x8x128xf32, #tpu.memory_space<vmem>> -> memref<8x8x128xf32, #tpu.memory_space<vmem>>
    %dma_wait3A_120 = arith.constant 0 : i32
    %dma_wait3A_121 = arith.constant 0 : i32
    %dma_wait3A_122 = arith.constant 0 : i32
    %dma_wait3A_123 = tpu.memref_slice %arg4[%dma_wait3A_113, %dma_wait3A_120, %add3A, %dma_wait3A_121, %dma_wait3A_122] : memref<200x8x32x8x128xf32, #tpu.memory_space<hbm>> -> memref<1x8x1x8x128xf32, #tpu.memory_space<hbm>>
    %dma_wait3A_124 = tpu.memref_squeeze %dma_wait3A_123 : memref<1x8x1x8x128xf32, #tpu.memory_space<hbm>> -> memref<8x8x128xf32, #tpu.memory_space<hbm>>
    %dma_wait3A_125 = tpu.memref_slice %arg10[%dma_wait3A_114] : memref<4x!tpu.dma_semaphore, #tpu.memory_space<semaphore_mem>> -> memref<1x!tpu.dma_semaphore, #tpu.memory_space<semaphore_mem>>
    %dma_wait3A_126 = tpu.memref_squeeze %dma_wait3A_125 : memref<1x!tpu.dma_semaphore, #tpu.memory_space<semaphore_mem>> -> memref<!tpu.dma_semaphore, #tpu.memory_space<semaphore_mem>>
    %dma_wait3A_127 = arith.constant 0 : i32
    %dma_wait3A_128 = arith.constant 0 : i32
    %dma_wait3A_129 = arith.constant 0 : i32
    %dma_wait3A_130 = tpu.memref_slice %arg4[%dma_wait3A_113, %dma_wait3A_127, %add3A, %dma_wait3A_128, %dma_wait3A_129] : memref<200x8x32x8x128xf32, #tpu.memory_space<hbm>> -> memref<1x8x1x8x128xf32, #tpu.memory_space<hbm>>
    %dma_wait3A_131 = tpu.memref_squeeze %dma_wait3A_130 : memref<1x8x1x8x128xf32, #tpu.memory_space<hbm>> -> memref<8x8x128xf32, #tpu.memory_space<hbm>>
    %dma_wait3A_132 = arith.constant 0 : i32
    %dma_wait3A_133 = arith.constant 0 : i32
    %dma_wait3A_134 = arith.constant 0 : i32
    %dma_wait3A_135 = tpu.memref_slice %arg8[%dma_wait3A_112, %dma_wait3A_132, %dma_wait3A_133, %dma_wait3A_134] : memref<4x8x8x128xf32, #tpu.memory_space<vmem>> -> memref<1x8x8x128xf32, #tpu.memory_space<vmem>>
    %dma_wait3A_136 = tpu.memref_squeeze %dma_wait3A_135 : memref<1x8x8x128xf32, #tpu.memory_space<vmem>> -> memref<8x8x128xf32, #tpu.memory_space<vmem>>
    tpu.wait_dma2 semaphore(%dma_wait3A_126 : memref<!tpu.dma_semaphore, #tpu.memory_space<semaphore_mem>>) src(%dma_wait3A_136 : memref<8x8x128xf32, #tpu.memory_space<vmem>>) dst(%dma_wait3A_131 : memref<8x8x128xf32, #tpu.memory_space<hbm>>)
    %dma_wait3A_137 = arith.constant 2 : i32
    %dma_wait3A_138 = arith.constant 198 : i32
    %dma_wait3A_139 = arith.constant 2 : i32
    %dma_wait3A_140 = arith.constant 0 : i32
    %dma_wait3A_141 = arith.constant 0 : i32
    %dma_wait3A_142 = arith.constant 0 : i32
    %dma_wait3A_143 = tpu.memref_slice %arg8[%dma_wait3A_137, %dma_wait3A_140, %dma_wait3A_141, %dma_wait3A_142] : memref<4x8x8x128xf32, #tpu.memory_space<vmem>> -> memref<1x8x8x128xf32, #tpu.memory_space<vmem>>
    %dma_wait3A_144 = tpu.memref_squeeze %dma_wait3A_143 : memref<1x8x8x128xf32, #tpu.memory_space<vmem>> -> memref<8x8x128xf32, #tpu.memory_space<vmem>>
    %dma_wait3A_145 = arith.constant 0 : i32
    %dma_wait3A_146 = arith.constant 0 : i32
    %dma_wait3A_147 = arith.constant 0 : i32
    %dma_wait3A_148 = tpu.memref_slice %arg4[%dma_wait3A_138, %dma_wait3A_145, %add3A, %dma_wait3A_146, %dma_wait3A_147] : memref<200x8x32x8x128xf32, #tpu.memory_space<hbm>> -> memref<1x8x1x8x128xf32, #tpu.memory_space<hbm>>
    %dma_wait3A_149 = tpu.memref_squeeze %dma_wait3A_148 : memref<1x8x1x8x128xf32, #tpu.memory_space<hbm>> -> memref<8x8x128xf32, #tpu.memory_space<hbm>>
    %dma_wait3A_150 = tpu.memref_slice %arg10[%dma_wait3A_139] : memref<4x!tpu.dma_semaphore, #tpu.memory_space<semaphore_mem>> -> memref<1x!tpu.dma_semaphore, #tpu.memory_space<semaphore_mem>>
    %dma_wait3A_151 = tpu.memref_squeeze %dma_wait3A_150 : memref<1x!tpu.dma_semaphore, #tpu.memory_space<semaphore_mem>> -> memref<!tpu.dma_semaphore, #tpu.memory_space<semaphore_mem>>
    %dma_wait3A_152 = arith.constant 0 : i32
    %dma_wait3A_153 = arith.constant 0 : i32
    %dma_wait3A_154 = arith.constant 0 : i32
    %dma_wait3A_155 = tpu.memref_slice %arg4[%dma_wait3A_138, %dma_wait3A_152, %add3A, %dma_wait3A_153, %dma_wait3A_154] : memref<200x8x32x8x128xf32, #tpu.memory_space<hbm>> -> memref<1x8x1x8x128xf32, #tpu.memory_space<hbm>>
    %dma_wait3A_156 = tpu.memref_squeeze %dma_wait3A_155 : memref<1x8x1x8x128xf32, #tpu.memory_space<hbm>> -> memref<8x8x128xf32, #tpu.memory_space<hbm>>
    %dma_wait3A_157 = arith.constant 0 : i32
    %dma_wait3A_158 = arith.constant 0 : i32
    %dma_wait3A_159 = arith.constant 0 : i32
    %dma_wait3A_160 = tpu.memref_slice %arg8[%dma_wait3A_137, %dma_wait3A_157, %dma_wait3A_158, %dma_wait3A_159] : memref<4x8x8x128xf32, #tpu.memory_space<vmem>> -> memref<1x8x8x128xf32, #tpu.memory_space<vmem>>
    %dma_wait3A_161 = tpu.memref_squeeze %dma_wait3A_160 : memref<1x8x8x128xf32, #tpu.memory_space<vmem>> -> memref<8x8x128xf32, #tpu.memory_space<vmem>>
    tpu.wait_dma2 semaphore(%dma_wait3A_151 : memref<!tpu.dma_semaphore, #tpu.memory_space<semaphore_mem>>) src(%dma_wait3A_161 : memref<8x8x128xf32, #tpu.memory_space<vmem>>) dst(%dma_wait3A_156 : memref<8x8x128xf32, #tpu.memory_space<hbm>>)
    %dma_wait3A_162 = arith.constant 3 : i32
    %dma_wait3A_163 = arith.constant 199 : i32
    %dma_wait3A_164 = arith.constant 3 : i32
    %dma_wait3A_165 = arith.constant 0 : i32
    %dma_wait3A_166 = arith.constant 0 : i32
    %dma_wait3A_167 = arith.constant 0 : i32
    %dma_wait3A_168 = tpu.memref_slice %arg8[%dma_wait3A_162, %dma_wait3A_165, %dma_wait3A_166, %dma_wait3A_167] : memref<4x8x8x128xf32, #tpu.memory_space<vmem>> -> memref<1x8x8x128xf32, #tpu.memory_space<vmem>>
    %dma_wait3A_169 = tpu.memref_squeeze %dma_wait3A_168 : memref<1x8x8x128xf32, #tpu.memory_space<vmem>> -> memref<8x8x128xf32, #tpu.memory_space<vmem>>
    %dma_wait3A_170 = arith.constant 0 : i32
    %dma_wait3A_171 = arith.constant 0 : i32
    %dma_wait3A_172 = arith.constant 0 : i32
    %dma_wait3A_173 = tpu.memref_slice %arg4[%dma_wait3A_163, %dma_wait3A_170, %add3A, %dma_wait3A_171, %dma_wait3A_172] : memref<200x8x32x8x128xf32, #tpu.memory_space<hbm>> -> memref<1x8x1x8x128xf32, #tpu.memory_space<hbm>>
    %dma_wait3A_174 = tpu.memref_squeeze %dma_wait3A_173 : memref<1x8x1x8x128xf32, #tpu.memory_space<hbm>> -> memref<8x8x128xf32, #tpu.memory_space<hbm>>
    %dma_wait3A_175 = tpu.memref_slice %arg10[%dma_wait3A_164] : memref<4x!tpu.dma_semaphore, #tpu.memory_space<semaphore_mem>> -> memref<1x!tpu.dma_semaphore, #tpu.memory_space<semaphore_mem>>
    %dma_wait3A_176 = tpu.memref_squeeze %dma_wait3A_175 : memref<1x!tpu.dma_semaphore, #tpu.memory_space<semaphore_mem>> -> memref<!tpu.dma_semaphore, #tpu.memory_space<semaphore_mem>>
    %dma_wait3A_177 = arith.constant 0 : i32
    %dma_wait3A_178 = arith.constant 0 : i32
    %dma_wait3A_179 = arith.constant 0 : i32
    %dma_wait3A_180 = tpu.memref_slice %arg4[%dma_wait3A_163, %dma_wait3A_177, %add3A, %dma_wait3A_178, %dma_wait3A_179] : memref<200x8x32x8x128xf32, #tpu.memory_space<hbm>> -> memref<1x8x1x8x128xf32, #tpu.memory_space<hbm>>
    %dma_wait3A_181 = tpu.memref_squeeze %dma_wait3A_180 : memref<1x8x1x8x128xf32, #tpu.memory_space<hbm>> -> memref<8x8x128xf32, #tpu.memory_space<hbm>>
    %dma_wait3A_182 = arith.constant 0 : i32
    %dma_wait3A_183 = arith.constant 0 : i32
    %dma_wait3A_184 = arith.constant 0 : i32
    %dma_wait3A_185 = tpu.memref_slice %arg8[%dma_wait3A_162, %dma_wait3A_182, %dma_wait3A_183, %dma_wait3A_184] : memref<4x8x8x128xf32, #tpu.memory_space<vmem>> -> memref<1x8x8x128xf32, #tpu.memory_space<vmem>>
    %dma_wait3A_186 = tpu.memref_squeeze %dma_wait3A_185 : memref<1x8x8x128xf32, #tpu.memory_space<vmem>> -> memref<8x8x128xf32, #tpu.memory_space<vmem>>
    tpu.wait_dma2 semaphore(%dma_wait3A_176 : memref<!tpu.dma_semaphore, #tpu.memory_space<semaphore_mem>>) src(%dma_wait3A_186 : memref<8x8x128xf32, #tpu.memory_space<vmem>>) dst(%dma_wait3A_181 : memref<8x8x128xf32, #tpu.memory_space<hbm>>)
    return
  }
}

</mosaic_0001>

<sc_bundles>
// kernel: kernel.3.cloned.1.call-start
scs
__scs_entry_jumppad:
0x0: {  	(pc) =	sbr.rel $0x88, $3  }
0x1: {  	(tag) =	ssettag $0x0;
	lr =	simm.s32 $0x1  }
0x2: {  	[smem:$0x3F9F] =	sst lr;
	_ =	strace $0xD0000000  }
0x3: {  	_ = 	snop  }
0x4: {  	_ = 	snop  }
0x5: {  	_ = 	snop  }
0x6: {  	_ = 	snop  }
0x7: {  	_ = 	snop  }
__scs_overlays_trampoline_lowered:
0x8: {  	[smem:$0x3FAE] =	sst s0  }
0x9: {  	[smem:$0x3FAF] =	sst s1  }
0xa: {  	[smem:$0x3FB0] =	sst s2  }
0xb: {  	[smem:$0x3FB1] =	sst s3  }
0xc: {  	[smem:$0x3FB2] =	sst s4  }
0xd: {  	[smem:$0x3FB3] =	sst s5  }
0xe: {  	[smem:$0x3FB4] =	sst s6  }
0xf: {  	[smem:$0x3FB5] =	sst s7  }
0x10: {  	[smem:$0x3FB6] =	sst s8  }
0x11: {  	[smem:$0x3FB7] =	sst s9;
	s0 =	simm.s32 @!p0 $0x0  }
0x12: {  	s1 =	sld [smem:$0x3F9D];
	s0 =	simm.s32 @p0 $0x1  }
0x13: {  	[smem:$0x3FB8] =	sst s0;
	s0 =	simm.s32 @!p1 $0x0  }
0x14: {  	s2 =	sld [smem:$0x3F9C];
	s0 =	simm.s32 @p1 $0x1  }
0x15: {  	[smem:$0x3FB9] =	sst s0;
	s0 =	simm.s32 @!p2 $0x0  }
0x16: {  	s3 =	sld [smem:$0x3FDB];
	s0 =	simm.s32 @p2 $0x1  }
0x17: {  	s4 =	simm.s32 $0x1BF5;
	[smem:$0x3FBB] =	sst s0  }
0x18: {  	s0 =	sld [smem:$0x3F9E];
	_ =	swait.ge [sflag:s4], $0x0  }
0x19: {  	s7 =	sld [smem:$0x3F9F]  }
0x1a: {  	s8 =	sadd.s32 $0xFFFFE003, lr  }
0x1b: {  	s9 =	sadd.s32 $0xFFFFFEF7, lr;
	s5 =	simm.s32 $0xFFFFFFFF;
	p2 =	slt.u32 s8, $0xFFFFF086  }
0x1c: {  	p1 =	slt.u32 s9, $0xF7A;
	s5 =	simm.s32 @!p2 $0x0  }
0x1d: {  	s5 =	simm.s32 @p1 $0x1;
	p0 =	seq.s32 s7, s2  }
0x1e: {  	s7 =	smul.u32 @!p0 $0xF7A, s2;
	p2 =	seq.s32 @!p0 s5, $0x0  }
0x1f: {  	s9 =	smul.u32 $0xF7A, s1;
	s8 =	simm.s32 @!p0 $0x1BF5;
	p2 =	por !p2, p0  }
0x20: {  	[sflag:s8] =	ssyncset.s32 @!p0 $0xFFFFF086;
	s6 =	sadd.s32 @!p0 s3, s7;
	s7 =	simm.s32 @!p0 $0x108  }
0x21: {  	s3 =	sadd.s32 s3, s9;
	s6 =	sadd.s32 @!p0 $0x88, s6;
	s7 =	simm.s32 @p2 $0x1082  }
0x22: {  	[simem:s7], [sflag:s8] =	dma.local @!p0 [hbm:s6], $0xF7A  }
0x23: {  	s9 =	sor.u32 $0xD0000000, s2;
	s6 =	simm.s32 $0x108;
	_ =	swait.ge @!p0 [sflag:s8], $0x0  }
0x24: {  	s3 =	sadd.s32 $0x88, s3;
	s6 =	simm.s32 @!p1 $0x1082;
	[sflag:s4] =	ssyncset.s32 $0xFFFFF086  }
0x25: {  	[simem:s6], [sflag:s4] =	dma.local [hbm:s3], $0xF7A  }
0x26: {  	[smem:$0x3F9F] =	sst s1;
	(tag) =	ssettag s2;
	_ =	strace s9  }
0x27: {  	s1 =	sld [smem:$0x3FAF]  }
0x28: {  	s2 =	sld [smem:$0x3FB0]  }
0x29: {  	s4 =	sld [smem:$0x3FB2]  }
0x2a: {  	p0 =	seq.s32 s5, $0x0;
	s5 =	sld [smem:$0x3FB3]  }
0x2b: {  	s6 =	sld [smem:$0x3FB4]  }
0x2c: {  	s7 =	sld [smem:$0x3FB5]  }
0x2d: {  	s3 =	simm.s32 $0x108;
	s8 =	sld [smem:$0x3FB6]  }
0x2e: {  	s3 =	simm.s32 @!p0 $0x1082;
	s9 =	sld [smem:$0x3FB7]  }
0x2f: {  	lr =	sadd.s32 s0, s3;
	s0 =	sld [smem:$0x3FAE]  }
0x30: {  	s3 =	sld [smem:$0x3FB1]  }
0x31: {  	[smem:$0x3FBA] =	sst s10  }
0x32: {  	s10 =	sld [smem:$0x3FB8];
	_ =	sdelay $0x3  }
0x33: {  	p0 =	seq.s32 s10, $0x1;
	s10 =	sld [smem:$0x3FBA];
	_ =	sdelay $0x3  }
0x34: {  	[smem:$0x3FBA] =	sst s10  }
0x35: {  	s10 =	sld [smem:$0x3FB9];
	_ =	sdelay $0x3  }
0x36: {  	p1 =	seq.s32 s10, $0x1;
	s10 =	sld [smem:$0x3FBA];
	_ =	sdelay $0x3  }
0x37: {  	[smem:$0x3FBA] =	sst s10  }
0x38: {  	s10 =	sld [smem:$0x3FBB]  }
0x39: {  	_ = 	snop;
	(pc) =	sbr.ind lr, $3  }
0x3a: {  	_ = 	snop  }
0x3b: {  	_ = 	snop  }
0x3c: {  	p2 =	seq.s32 s10, $0x1;
	s10 =	sld [smem:$0x3FBA]  }
0x3d: {  	_ =	shalt  }
0x3e: {  	_ =	shalt  }
0x3f: {  	_ =	shalt  }
0x40: {  	_ =	shalt  }
0x41: {  	_ =	shalt  }
0x42: {  	_ =	shalt  }
0x43: {  	_ =	shalt  }
0x44: {  	_ =	shalt  }
0x45: {  	_ =	shalt  }
0x46: {  	_ =	shalt  }
0x47: {  	_ =	shalt  }
0x48: {  	_ =	shalt  }
0x49: {  	_ =	shalt  }
0x4a: {  	_ =	shalt  }
0x4b: {  	_ =	shalt  }
0x4c: {  	_ =	shalt  }
0x4d: {  	_ =	shalt  }
0x4e: {  	_ =	shalt  }
0x4f: {  	_ =	shalt  }
0x50: {  	_ =	shalt  }
0x51: {  	_ =	shalt  }
0x52: {  	_ =	shalt  }
0x53: {  	_ =	shalt  }
0x54: {  	_ =	shalt  }
0x55: {  	_ =	shalt  }
0x56: {  	_ =	shalt  }
0x57: {  	_ =	shalt  }
0x58: {  	_ =	shalt  }
0x59: {  	_ =	shalt  }
0x5a: {  	_ =	shalt  }
0x5b: {  	_ =	shalt  }
0x5c: {  	_ =	shalt  }
0x5d: {  	_ =	shalt  }
0x5e: {  	_ =	shalt  }
0x5f: {  	_ =	shalt  }
0x60: {  	_ =	shalt  }
0x61: {  	_ =	shalt  }
0x62: {  	_ =	shalt  }
0x63: {  	_ =	shalt  }
0x64: {  	_ =	shalt  }
0x65: {  	_ =	shalt  }
0x66: {  	_ =	shalt  }
0x67: {  	_ =	shalt  }
0x68: {  	_ =	shalt  }
0x69: {  	_ =	shalt  }
0x6a: {  	_ =	shalt  }
0x6b: {  	_ =	shalt  }
0x6c: {  	_ =	shalt  }
0x6d: {  	_ =	shalt  }
0x6e: {  	_ =	shalt  }
0x6f: {  	_ =	shalt  }
0x70: {  	_ =	shalt  }
0x71: {  	_ =	shalt  }
0x72: {  	_ =	shalt  }
0x73: {  	_ =	shalt  }
0x74: {  	_ =	shalt  }
0x75: {  	_ =	shalt  }
0x76: {  	_ =	shalt  }
0x77: {  	_ =	shalt  }
0x78: {  	_ =	shalt  }
0x79: {  	_ =	shalt  }
0x7a: {  	_ =	shalt  }
0x7b: {  	_ =	shalt  }
0x7c: {  	_ =	shalt  }
0x7d: {  	_ =	shalt  }
0x7e: {  	_ =	shalt  }
0x7f: {  	_ =	shalt  }
0x80: {  	_ =	shalt  }
0x81: {  	_ =	shalt  }
0x82: {  	_ =	shalt  }
0x83: {  	_ =	shalt  }
0x84: {  	_ =	shalt  }
0x85: {  	_ =	shalt  }
0x86: {  	_ =	shalt  }
0x87: {  	_ =	shalt  }
.Lfunc_end0:
.L_simem_size_0:
called_computation_lowered:
.L_overlay_start_0:
0x88: {  	s2 =	sld [smem:$0x3FD9]  }
0x89: {  	s3 =	sld [smem:$0x3FFE];
	_ =	sdelay $0x1  }
0x8a: {  	s1 =	srdreg.scid  }
0x8b: {  	s0 =	sand.u32 $0x1, s1  }
0x8c: {  	s17 =	sshll.u32 s0, $0xA;
	s2 =	sadd.s32 s3, s2  }
0x8d: {  	s2 =	sadd.s32 s2, s17  }
0x8e: {  	[smem:$0x3FC6] =	sst s2  }
0x8f: {  	_ = 	snop  }
0x90: {  	s2 =	sld [smem:$0x3FD0];
	(tm) =	ssettm $0x1  }
0x91: {  	s18 =	sld [smem:$0x3FFB];
	_ =	sdelay $0x3  }
0x92: {  	_ =	strace s18  }
0x93: {  	s3 =	sld [smem:$0x3FFC];
	_ =	sdelay $0x3  }
0x94: {  	_ =	strace s3  }
0x95: {  	s3 =	sld [smem:$0x3FFD];
	_ =	sdelay $0x3  }
0x96: {  	_ =	strace s3  }
0x97: {  	_ =	strace $0x8FFFFFFF  }
0x98: {  	s19 =	sld [smem:$0x3FDB];
	_ =	sdelay $0x1  }
0x99: {  	s4 =	simm.s32 $_scs_section_size  }
0x9a: {  	s5 =	simm.s32 $_size__tile_overlayer_lowered;
	s6 =	simm.s32 $_tile_overlayer_lowered  }
0x9b: {  	s22 =	simm.s32 $0x1BFF;
	s21 =	sshll.u32 s6, $0x1;
	s3 =	sadd.s32 s4, s19  }
0x9c: {  	s7 =	simm.s32 $0x0;
	s20 =	sshll.u32 s5, $0x1;
	s5 =	sadd.s32 s21, s3  }
0x9d: {  	[timem:s7], [sflag:s22] =	dma.local [hbm:s5], s20  }
0x9e: {  	_ =	swait.ge [sflag:s22], s20  }
0x9f: {  	s4 =	ssub.s32 $0x0, s20;
	[sflag:s22] =	ssyncset.done $0x0  }
0xa0: {  	[sflag:s22] =	ssyncadd.s32 s4;
	_ =	sdelay $0x1  }
0xa1: {  	s23 =	simm.s32 $0x1B8B  }
0xa2: {  	_ =	swait.ge [sflag:s23], $0x1  }
0xa3: {  	[sflag:s23] =	ssyncset.done $0x0  }
0xa4: {  	s25 =	simm.s32 $0x1B8E;
	s24 =	sld [smem:$0x3FFE];
	[sflag:s23] =	ssyncadd.s32 $0xFFFFFFFF  }
0xa5: {  	s26 =	simm.s32 $execute0_lowered;
	[smem:$0x3FD2] =	sst s25  }
0xa6: {  	s5 =	sshll.u32 s26, $0x1;
	_ =	strace $0x80000046;
	[dreg:$0x1] =	wrdreg $0xFFFFFFFF  }
0xa7: {  	s28 =	simm.s32 $_size_execute0_lowered;
	s3 =	sadd.s32 s3, s5;
	[dreg:$0x0] =	wrdreg $0x0  }
0xa8: {  	s5 =	sshll.u32 s28, $0x1;
	[dreg:$0x2] =	wrdreg s3  }
0xa9: {  	[dreg:$0x3] =	wrdreg s5  }
0xaa: {  	[dreg:$0x4] =	wrdreg $0xC0  }
0xab: {  	_ =	task [dreg:s7], $0x5FFFF  }
0xac: {  	[dreg:$0x1] =	wrdreg $0xFFFFFFFF  }
0xad: {  	[dreg:$0x0] =	wrdreg $0x60  }
0xae: {  	[dreg:$0x2] =	wrdreg s24  }
0xaf: {  	[dreg:$0x3] =	wrdreg s2  }
0xb0: {  	[dreg:$0x4] =	wrdreg $0x9  }
0xb1: {  	_ =	task.clear_ibuf [dreg:s7], $0x5FFFF;
	_ =	strace $0x90000046  }
0xb2: {  	s29 =	simm.s32 $0x9;
	_ =	strace $0x80000048  }
0xb3: {  	_ =	swait.ge [sflag:s29], $0x1  }
0xb4: {  	[sflag:s29] =	ssyncadd.s32 $0xFFFFFFFF  }
0xb5: {  	_ =	strace $0x90000048  }
0xb6: {  	_ =	sfence  }
0xb7: {  	s30 =	sld [smem:$0x0];
	_ =	sdelay $0x2  }
0xb8: {  	s31 =	sshll.u32 s1, $0xD;
	s1 =	sshrl.u32 s1, $0x2  }
0xb9: {  	s3 =	sand.u32 $0x4000, s31;
	s1 =	sadd.s32 s1, s30  }
0xba: {  	s0 =	sor.u32 s3, s0;
	s1 =	sshll.u32 s1, $0x11  }
0xbb: {  	s0 =	sor.u32 s1, s0  }
0xbc: {  	s0 =	sadd.s32 $0x8F2B, s0  }
0xbd: {  	[sflag:s0] =	ssyncadd.remote.s32 $0x1  }
0xbe: {  	_ =	sfence.sel $0xFFFF  }
0xbf: {  	[dreg:$0x0] =	wrdreg $0xFFFFFFFF;
	(pc) =	sbr.abs _section_cstart, $3  }
0xc0: {  	[dreg:$0x1] =	wrdreg $0xFFFFFFFF  }
0xc1: {  	_ =	task.clear_ibuf [dreg:s7], $0x2FFFF;
	_ =	strace $0x9FFFFFFF  }
0xc2: {  	(tm) =	ssettm $0x7FFFFFFF  }
0xc3: {  	_ =	shalt  }
tec
execute0_lowered:
.L_overlay_start_1:
0x0: {  	(tag) =	ssettag $0x1  }
0x1: {  	s0 =	rddreg [dreg:$0x0];
	s1 =	srdreg.scid  }
0x2: {  	s2 =	stileid.u32;
	s9 =	rddreg [dreg:$0x1];
	s3 =	simm.s32 $0x0  }
0x3: {  	s12 =	simm.s32 $0x80;
	s19 =	simm.s32 $0x1;
	s20 =	simm.s32 $0xE400  }
0x4: {  	s21 =	simm.s32 $0x400;
	s22 =	simm.s32 $0x8000;
	s24 =	simm.s32 $0x2  }
0x5: {  	s28 =	simm.s32 $0x3;
	s29 =	simm.s32 $0x7;
	s31 =	simm.s32 $0x4  }
0x6: {  	s1 =	sand.u32 $0x1, s1;
	s2 =	sshll.u32 s2, $0x1;
	[smem:$0x7FF] =	sst s3  }
0x7: {  	s4 =	sadd.s32 $0x19800, s0;
	s7 =	sadd.s32 $0x8000, s9;
	s2 =	sor.u32 s1, s2  }
0x8: {  	v0 =	vlaneseq.u32;
	s8 =	sadd.s32 $0x10000, s9;
	s1 =	ssub.s32 $0x2, s1;
	s25 =	smul.u32 $0xC80, s2  }
.Ltmp0:
0x9: {  	s9 =	sadd.s32 $0x18000, s9;
	v0 =	vmul.u32 $0x48, v0;
	s5 =	sshrl.u32 s1, $0x1;
	(pc) =	sbr.rel .LBB2_1-.Ltmp0, $4  }
0xa: {  	_ =	strace $0x80000047;
	s6 =	sshll.u32 s2, $0x7;
	s26 =	ssub.s32 s1, s5  }
0xb: {  	v1 =	vadd.s32 $0x480, v0;
	s1 =	simm.s32 $0x8;
	s3 =	sadd.s32 s25, s0;
	s0 =	smax.u32 s26, $0x1  }
0xc: {  	v2 =	vadd.s32 $0x900, v0;
	v3 =	vadd.s32 $0xD80, v0;
	v4 =	vadd.s32 $0x1200, v0;
	s25 =	simm.s32 $0x6;
	s30 =	sadd.s32 $0x800, s3;
	[dreg:$0x4] =	wrdreg s0  }
0xd: {  	v5 =	vadd.s32 $0x1680, v0;
	v6 =	vadd.s32 $0x1B00, v0;
	v7 =	vadd.s32 $0x1F80, v0;
	s0 =	simm.s32 $0x16800;
	s3 =	simm.s32 $0x0;
	[dreg:$0x3] =	wrdreg s30  }
.LBB2_32:
0xe: {  	s2 =	simm.s32 $0x5  }
0xf: {  	_ =	swait.ge [sflag:s2], $0x2000  }
0x10: {  	[sflag:s2] =	ssyncset.done $0x0  }
0x11: {  	[sflag:s2] =	ssyncadd.s32 $0xFFFFE000  }
0x12: {  	_ =	swait.ge [sflag:s25], $0x2000  }
0x13: {  	[sflag:s25] =	ssyncset.done $0x0  }
0x14: {  	[sflag:s25] =	ssyncadd.s32 $0xFFFFE000  }
0x15: {  	_ =	swait.ge [sflag:s29], $0x2000  }
0x16: {  	[sflag:s29] =	ssyncset.done $0x0  }
0x17: {  	[sflag:s29] =	ssyncadd.s32 $0xFFFFE000  }
0x18: {  	_ =	swait.ge [sflag:s1], $0x2000  }
0x19: {  	s3 =	rddreg [dreg:$0x5]  }
0x1a: {  	s30 =	rddreg [dreg:$0x4];
	s3 =	sadd.s32 $0x1, s3  }
0x1b: {  	p0 =	sne.s32 s3, s30  }
.Ltmp1:
0x1c: {  	_ = 	snop;
	(pc) =	sbr.rel @!p0 .LBB2_33-.Ltmp1, $3  }
0x1d: {  	_ =	sdelay $0x1  }
0x1e: {  	[sflag:s1] =	ssyncset.done $0x0  }
0x1f: {  	[sflag:s1] =	ssyncadd.s32 $0xFFFFE000  }
.LBB2_1:
0x20: {  	[dreg:$0x5] =	wrdreg s3  }
0x21: {  	s2 =	simm.s32 $0x0;
	s14 =	rddreg [dreg:$0x3];
	s15 =	simm.s32 $0x9  }
0x22: {  	[tilespmem:s2], [sflag:$0x9] =	stream.linear.gather [hbm4b:s14+s2], $0x6400, $0x38;
	[tilespmem:$0x18800] =	vst v63  }
0x23: {  	_ =	swait.ge [sflag:s15], $0x6400  }
0x24: {  	[sflag:s15] =	ssyncset.done $0x0  }
0x25: {  	s16 =	simm.s32 $0x6400;
	[sflag:s15] =	ssyncadd.s32 $0xFFFF9C00  }
0x26: {  	[tilespmem:s16], [sflag:$0x1] =	stream.indirect.gather [hbm4b:s4+s12], $0x40, s2, s12, $0xb8;
	[tilespmem:$0x18800] =	vst v63  }
0x27: {  	s17 =	simm.s32 $0x8400  }
0x28: {  	[tilespmem:s17], [sflag:$0x2] =	stream.indirect.gather [hbm4b:s4+s12], $0x40, s12, s12, $0xb8;
	[tilespmem:$0x18800] =	vst v63  }
0x29: {  	s18 =	simm.s32 $0x100;
	s23 =	simm.s32 $0xA400  }
0x2a: {  	[tilespmem:s23], [sflag:$0x3] =	stream.indirect.gather [hbm4b:s4+s12], $0x40, s18, s12, $0xb8;
	[tilespmem:$0x18800] =	vst v63  }
0x2b: {  	s26 =	simm.s32 $0x180;
	s30 =	simm.s32 $0xC400;
	s3 =	simm.s32 $0x0  }
0x2c: {  	[tilespmem:s30], [sflag:$0x4] =	stream.indirect.gather [hbm4b:s4+s12], $0x40, s26, s12, $0xb8;
	[tilespmem:$0x18800] =	vst v63  }
.LBB2_2:
0x2d: {  	_ =	swait.ge [sflag:s19], $0x2000  }
0x2e: {  	p0 =	seq.s32 s3, $0x0;
	[sflag:s19] =	ssyncset.done $0x0  }
0x2f: {  	s2 =	simm.s32 @!p0 $0x5;
	[sflag:s19] =	ssyncadd.s32 $0xFFFFE000  }
0x30: {  	_ =	swait.ge @!p0 [sflag:s2], $0x2000  }
0x31: {  	[sflag:s2] =	ssyncset.done @!p0 $0x0  }
0x32: {  	s11 =	simm.s32 $0x6500;
	[sflag:s2] =	ssyncadd.s32 @!p0 $0xFFFFE000  }
0x33: {  	v8 =	vld [tilespmem:s11+$0xC0]  }
0x34: {  	v9 =	vld [tilespmem:s11+$0xFFFFFF40]  }
0x35: {  	v10 =	vld [tilespmem:s11+$0xFFFFFF80]  }
0x36: {  	v11 =	vld [tilespmem:s11+$0xFFFFFFC0]  }
0x37: {  	s2 =	simm.s32 $0xE520;
	v12 =	vld [tilespmem:s11+$0x0]  }
0x38: {  	v13 =	vld [tilespmem:s11+$0x40];
	[tilespmem:s2+$0xD8] =	vst v8  }
0x39: {  	[tilespmem:s2+$0xFFFFFF28] =	vst v9;
	v9 =	vld [tilespmem:s11+$0x80]  }
0x3a: {  	[tilespmem:s2+$0xFFFFFF70] =	vst v10;
	v10 =	vld [tilespmem:s11+$0xFFFFFF00]  }
0x3b: {  	[tilespmem:s2+$0xFFFFFFB8] =	vst v11;
	v8 =	vld [tilespmem:s11+$0xD0]  }
0x3c: {  	[tilespmem:s2+$0x0] =	vst v12;
	v11 =	vld [tilespmem:s11+$0xFFFFFF50]  }
0x3d: {  	[tilespmem:s2+$0x48] =	vst v13;
	v12 =	vld [tilespmem:s11+$0xFFFFFF90]  }
0x3e: {  	v13 =	vld [tilespmem:s11+$0xFFFFFFD0];
	[tilespmem:s2+$0x90] =	vst v9  }
0x3f: {  	[tilespmem:s2+$0xFFFFFEE0] =	vst v10;
	v9 =	vld [tilespmem:s11+$0x10]  }
0x40: {  	[tilespmem:s2+$0xE8] =	vst v8;
	v10 =	vld [tilespmem:s11+$0xFFFFFF10]  }
0x41: {  	[tilespmem:s2+$0xFFFFFF38] =	vst v11;
	v11 =	vld [tilespmem:s11+$0x50]  }
0x42: {  	[tilespmem:s2+$0xFFFFFF80] =	vst v12;
	v12 =	vld [tilespmem:s11+$0x90]  }
0x43: {  	[tilespmem:s2+$0xFFFFFFC8] =	vst v13;
	v8 =	vld [tilespmem:s11+$0xE0]  }
0x44: {  	v13 =	vld [tilespmem:s11+$0xFFFFFF60];
	[tilespmem:s2+$0x10] =	vst v9  }
0x45: {  	v9 =	vld [tilespmem:s11+$0xFFFFFFA0];
	[tilespmem:s2+$0xFFFFFEF0] =	vst v10  }
0x46: {  	[tilespmem:s2+$0x58] =	vst v11;
	v11 =	vld [tilespmem:s11+$0xFFFFFFE0]  }
0x47: {  	[tilespmem:s2+$0xA0] =	vst v12;
	v10 =	vld [tilespmem:s11+$0xFFFFFF20]  }
0x48: {  	v12 =	vld [tilespmem:s11+$0x20];
	[tilespmem:s2+$0xF8] =	vst v8  }
0x49: {  	[tilespmem:s2+$0xFFFFFF48] =	vst v13;
	v13 =	vld [tilespmem:s11+$0x60]  }
0x4a: {  	v8 =	vld [tilespmem:s11+$0xF0];
	[tilespmem:s2+$0xFFFFFF90] =	vst v9  }
0x4b: {  	v14 =	vld [tilespmem:s11+$0xA0];
	[tilespmem:s2+$0xFFFFFFD8] =	vst v11  }
0x4c: {  	[tilespmem:s2+$0xFFFFFF00] =	vst v10;
	v10 =	vld [tilespmem:s11+$0xFFFFFF70]  }
0x4d: {  	[tilespmem:s2+$0x20] =	vst v12;
	v15 =	vld [tilespmem:s11+$0xFFFFFF30]  }
0x4e: {  	v11 =	vld [tilespmem:s11+$0xFFFFFFB0];
	[tilespmem:s2+$0x68] =	vst v13  }
0x4f: {  	[tilespmem:s2+$0x108] =	vst v8;
	v8 =	vld [tilespmem:s11+$0xFFFFFFF0]  }
0x50: {  	v9 =	vld [tilespmem:s11+$0x30];
	[tilespmem:s2+$0xB0] =	vst v14  }
0x51: {  	[tilespmem:s2+$0xFFFFFF58] =	vst v10;
	v10 =	vld [tilespmem:s11+$0x70]  }
0x52: {  	s10 =	simm.s32 $0x0;
	s5 =	simm.s32 $0x10840;
	v14 =	vld [tilespmem:s11+$0xB0];
	s11 =	simm.s32 $0x6700;
	[tilespmem:s2+$0xFFFFFF10] =	vst v15  }
.LBB2_3:
0x53: {  	v12 =	vld [tilespmem:s11+$0xC0];
	s10 =	sadd.s32 $0x8, s10;
	[tilespmem:s2+$0xFFFFFFA0] =	vst v11  }
0x54: {  	v11 =	vld [tilespmem:s11+$0xFFFFFF40];
	p1 =	slt.u32 s10, $0x78;
	[tilespmem:s2+$0xFFFFFFE8] =	vst v8  }
0x55: {  	v8 =	vld [tilespmem:s11+$0xFFFFFF80];
	[tilespmem:s2+$0x30] =	vst v9  }
0x56: {  	v9 =	vld [tilespmem:s11+$0xFFFFFFC0];
	[tilespmem:s2+$0x78] =	vst v10  }
0x57: {  	v10 =	vld [tilespmem:s11+$0x0];
	[tilespmem:s2+$0xC0] =	vst v14;
	s2 =	sadd.s32 $0x240, s2  }
0x58: {  	v13 =	vld [tilespmem:s11+$0x40];
	[tilespmem:s2+$0xD8] =	vst v12  }
0x59: {  	[tilespmem:s2+$0xFFFFFF28] =	vst v11;
	v11 =	vld [tilespmem:s11+$0xD0]  }
0x5a: {  	[tilespmem:s2+$0xFFFFFF70] =	vst v8;
	v8 =	vld [tilespmem:s11+$0x80]  }
0x5b: {  	v12 =	vld [tilespmem:s11+$0xFFFFFF00];
	[tilespmem:s2+$0xFFFFFFB8] =	vst v9  }
0x5c: {  	v9 =	vld [tilespmem:s11+$0xFFFFFF50];
	[tilespmem:s2+$0x0] =	vst v10  }
0x5d: {  	v10 =	vld [tilespmem:s11+$0xFFFFFF90];
	[tilespmem:s2+$0x48] =	vst v13  }
0x5e: {  	v13 =	vld [tilespmem:s11+$0xFFFFFFD0];
	[tilespmem:s2+$0xE8] =	vst v11  }
0x5f: {  	[tilespmem:s2+$0x90] =	vst v8;
	v8 =	vld [tilespmem:s11+$0xE0]  }
0x60: {  	[tilespmem:s2+$0xFFFFFEE0] =	vst v12;
	v11 =	vld [tilespmem:s11+$0x10]  }
0x61: {  	v12 =	vld [tilespmem:s11+$0xFFFFFF10];
	[tilespmem:s2+$0xFFFFFF38] =	vst v9  }
0x62: {  	[tilespmem:s2+$0xFFFFFF80] =	vst v10;
	v9 =	vld [tilespmem:s11+$0x50]  }
0x63: {  	[tilespmem:s2+$0xFFFFFFC8] =	vst v13;
	v10 =	vld [tilespmem:s11+$0x90]  }
0x64: {  	v13 =	vld [tilespmem:s11+$0xFFFFFF60];
	[tilespmem:s2+$0xF8] =	vst v8  }
0x65: {  	[tilespmem:s2+$0x10] =	vst v11;
	v8 =	vld [tilespmem:s11+$0xF0]  }
0x66: {  	[tilespmem:s2+$0xFFFFFEF0] =	vst v12;
	v11 =	vld [tilespmem:s11+$0xFFFFFFA0]  }
0x67: {  	v12 =	vld [tilespmem:s11+$0xFFFFFF20];
	[tilespmem:s2+$0x58] =	vst v9  }
0x68: {  	v9 =	vld [tilespmem:s11+$0xFFFFFFE0];
	[tilespmem:s2+$0xA0] =	vst v10  }
0x69: {  	[tilespmem:s2+$0xFFFFFF48] =	vst v13;
	v10 =	vld [tilespmem:s11+$0x20]  }
0x6a: {  	s14 =	simm.s32 $0x0;
	s13 =	simm.s32 $0x180;
	v13 =	vld [tilespmem:s11+$0x60];
	[tilespmem:s2+$0x108] =	vst v8  }
0x6b: {  	[tilespmem:s2+$0xFFFFFF90] =	vst v11;
	v14 =	vld [tilespmem:s11+$0xA0]  }
0x6c: {  	[tilespmem:s2+$0xFFFFFF00] =	vst v12;
	v12 =	vld [tilespmem:s11+$0xFFFFFF70]  }
0x6d: {  	v15 =	vld [tilespmem:s11+$0xFFFFFF30];
	[tilespmem:s2+$0xFFFFFFD8] =	vst v9  }
.Ltmp2:
0x6e: {  	v11 =	vld [tilespmem:s11+$0xFFFFFFB0];
	[tilespmem:s2+$0x20] =	vst v10;
	(pc) =	sbr.rel @p1 .LBB2_3-.Ltmp2, $4  }
0x6f: {  	v8 =	vld [tilespmem:s11+$0xFFFFFFF0];
	[tilespmem:s2+$0x68] =	vst v13  }
0x70: {  	v9 =	vld [tilespmem:s11+$0x30];
	[tilespmem:s2+$0xB0] =	vst v14  }
0x71: {  	[tilespmem:s2+$0xFFFFFF58] =	vst v12;
	v10 =	vld [tilespmem:s11+$0x70]  }
0x72: {  	[tilespmem:s2+$0xFFFFFF10] =	vst v15;
	v14 =	vld [tilespmem:s11+$0xB0];
	s11 =	sadd.s32 $0x200, s11  }
0x73: {  	s10 =	simm.s32 $0x1  }
0x74: {  	s26 =	simm.s32 $0x2;
	v12 =	vmov s10  }
0x75: {  	v13 =	vmov s26;
	v12 =	vand.u32 $0x3D, v12  }
0x76: {  	[tilespmem:s2+$0xFFFFFFA0] =	vst v11;
	v15 =	vand.u32 $0x3E, v13;
	v11 =	vadd.s32 v0, v12  }
0x77: {  	[tilespmem:s2+$0xFFFFFFE8] =	vst v8;
	v8 =	vadd.s32 v0, v15  }
0x78: {  	s30 =	simm.s32 $0x3;
	[tilespmem:s2+$0x30] =	vst v9;
	v9 =	vmov s14  }
0x79: {  	[tilespmem:s2+$0x78] =	vst v10;
	v13 =	vand.u32 $0x3C, v9;
	v9 =	vmov s30  }
0x7a: {  	[tilespmem:s2+$0xC0] =	vst v14;
	v10 =	vadd.s32 v0, v13;
	v14 =	vand.u32 $0x3F, v9  }
0x7b: {  	v9 =	vadd.s32 v0, v14;
	v11 =	vld.idx.msk [tilespmem:v11+s20+$0x0], $0xffff  }
0x7c: {  	s10 =	simm.s32 $0x0;
	v16 =	vadd.s32 v1, v12;
	v8 =	vld.idx.msk [tilespmem:v8+s20+$0x0], $0xffff  }
0x7d: {  	s11 =	simm.s32 $0x80;
	v17 =	vadd.s32 v1, v15;
	s2 =	sand.u32 $0x1C00, s10  }
0x7e: {  	s10 =	sand.u32 $0x280, s11;
	s11 =	simm.s32 $0x100;
	s2 =	sadd.s32 $0x10800, s2  }
0x7f: {  	s11 =	sand.u32 $0x300, s11;
	s10 =	sor.u32 s10, s2;
	v10 =	vld.idx.msk [tilespmem:v10+s20+$0x0], $0xffff  }
0x80: {  	v18 =	vadd.s32 v1, v13;
	s15 =	sor.u32 s11, s2;
	v9 =	vld.idx.msk [tilespmem:v9+s20+$0x0], $0xffff;
	[tilespmem:s10+$0x0] =	vst v11  }
0x81: {  	[tilespmem:s15+$0x0] =	vst v8;
	v11 =	vadd.s32 v1, v14;
	v8 =	vld.idx.msk [tilespmem:v16+s20+$0x0], $0xffff  }
0x82: {  	v16 =	vld.idx.msk [tilespmem:v17+s20+$0x0], $0xffff;
	v17 =	vadd.s32 v2, v12  }
0x83: {  	s13 =	sand.u32 $0x380, s13;
	v19 =	vadd.s32 v2, v15  }
0x84: {  	s11 =	sor.u32 s13, s2;
	[tilespmem:s5+$0xFFFFFFC0] =	vst v10  }
0x85: {  	v10 =	vld.idx.msk [tilespmem:v18+s20+$0x0], $0xffff;
	[tilespmem:s11+$0x0] =	vst v9  }
0x86: {  	v9 =	vadd.s32 v2, v13;
	v11 =	vld.idx.msk [tilespmem:v11+s20+$0x0], $0xffff;
	[tilespmem:s10+$0x10] =	vst v8  }
0x87: {  	[tilespmem:s15+$0x10] =	vst v16;
	v16 =	vadd.s32 v2, v14;
	v8 =	vld.idx.msk [tilespmem:v17+s20+$0x0], $0xffff  }
0x88: {  	v18 =	vadd.s32 v3, v12;
	v17 =	vld.idx.msk [tilespmem:v19+s20+$0x0], $0xffff  }
0x89: {  	v19 =	vadd.s32 v3, v15  }
0x8a: {  	[tilespmem:s5+$0xFFFFFFD0] =	vst v10  }
0x8b: {  	v9 =	vld.idx.msk [tilespmem:v9+s20+$0x0], $0xffff;
	[tilespmem:s11+$0x10] =	vst v11  }
0x8c: {  	v10 =	vadd.s32 v3, v13;
	v11 =	vld.idx.msk [tilespmem:v16+s20+$0x0], $0xffff;
	[tilespmem:s10+$0x20] =	vst v8  }
0x8d: {  	s14 =	simm.s32 $0x4;
	[tilespmem:s15+$0x20] =	vst v17;
	v17 =	vadd.s32 v3, v14;
	v16 =	vld.idx.msk [tilespmem:v18+s20+$0x0], $0xffff  }
0x8e: {  	s16 =	simm.s32 $0x5;
	v8 =	vmov s14;
	v18 =	vadd.s32 v4, v12;
	v19 =	vld.idx.msk [tilespmem:v19+s20+$0x0], $0xffff  }
0x8f: {  	v20 =	vmov s16;
	v21 =	vadd.s32 v4, v15;
	v8 =	vand.u32 $0x3C, v8  }
0x90: {  	s17 =	simm.s32 $0x6;
	[tilespmem:s5+$0xFFFFFFE0] =	vst v9;
	v9 =	vand.u32 $0x3D, v20;
	v22 =	vadd.s32 v0, v8  }
0x91: {  	v20 =	vmov s17;
	v23 =	vld.idx.msk [tilespmem:v10+s20+$0x0], $0xffff;
	v24 =	vadd.s32 v0, v9;
	[tilespmem:s11+$0x20] =	vst v11  }
0x92: {  	s18 =	simm.s32 $0x7;
	v25 =	vadd.s32 v4, v13;
	v10 =	vand.u32 $0x3E, v20;
	[tilespmem:s10+$0x30] =	vst v16;
	v16 =	vld.idx.msk [tilespmem:v17+s20+$0x0], $0xffff  }
0x93: {  	v11 =	vmov s18;
	v17 =	vadd.s32 v0, v10;
	[tilespmem:s15+$0x30] =	vst v19;
	v18 =	vld.idx.msk [tilespmem:v18+s20+$0x0], $0xffff  }
0x94: {  	v20 =	vadd.s32 v4, v14;
	v11 =	vand.u32 $0x3F, v11;
	v19 =	vld.idx.msk [tilespmem:v21+s20+$0x0], $0xffff  }
0x95: {  	v26 =	vadd.s32 v0, v11;
	v21 =	vld.idx.msk [tilespmem:v22+s20+$0x0], $0xffff  }
0x96: {  	v22 =	vadd.s32 v5, v12;
	v24 =	vld.idx.msk [tilespmem:v24+s20+$0x0], $0xffff;
	[tilespmem:s5+$0xFFFFFFF0] =	vst v23  }
0x97: {  	v55 =	vadd.s32 v5, v15;
	v23 =	vld.idx.msk [tilespmem:v25+s20+$0x0], $0xffff  }
0x98: {  	s23 =	simm.s32 $0x200;
	v27 =	vadd.s32 v1, v8;
	v17 =	vld.idx.msk [tilespmem:v17+s20+$0x0], $0xffff;
	[tilespmem:s11+$0x30] =	vst v16  }
0x99: {  	s26 =	simm.s32 $0x280;
	s2 =	sand.u32 $0x1C00, s23;
	s17 =	simm.s32 $0x10A40;
	v16 =	vadd.s32 v5, v13;
	[tilespmem:s10+$0x40] =	vst v18;
	v18 =	vld.idx.msk [tilespmem:v20+s20+$0x0], $0xffff  }
0x9a: {  	s13 =	sand.u32 $0x280, s26;
	s16 =	sadd.s32 $0x10800, s2;
	v20 =	vadd.s32 v1, v9;
	[tilespmem:s17+$0xFFFFFFC0] =	vst v21;
	v21 =	vld.idx.msk [tilespmem:v26+s20+$0x0], $0xffff  }
0x9b: {  	s30 =	simm.s32 $0x300;
	s13 =	sor.u32 s13, s16;
	[tilespmem:s15+$0x40] =	vst v19;
	v19 =	vadd.s32 v1, v10;
	v22 =	vld.idx.msk [tilespmem:v22+s20+$0x0], $0xffff  }
0x9c: {  	v57 =	vadd.s32 v5, v14;
	s2 =	sand.u32 $0x300, s30;
	[tilespmem:s13+$0x0] =	vst v24;
	v56 =	vld.idx.msk [tilespmem:v55+s20+$0x0], $0xffff  }
0x9d: {  	s2 =	sor.u32 s2, s16;
	s14 =	simm.s32 $0x380;
	v59 =	vadd.s32 v1, v11;
	v58 =	vld.idx.msk [tilespmem:v27+s20+$0x0], $0xffff;
	[tilespmem:s5+$0x0] =	vst v23  }
0x9e: {  	s18 =	sand.u32 $0x380, s14;
	v23 =	vadd.s32 v6, v12;
	[tilespmem:s2+$0x0] =	vst v17;
	v16 =	vld.idx.msk [tilespmem:v16+s20+$0x0], $0xffff  }
0x9f: {  	s16 =	sor.u32 s18, s16;
	v17 =	vadd.s32 v6, v15;
	v20 =	vld.idx.msk [tilespmem:v20+s20+$0x0], $0xffff;
	[tilespmem:s11+$0x40] =	vst v18  }
0xa0: {  	v18 =	vadd.s32 v2, v8;
	v19 =	vld.idx.msk [tilespmem:v19+s20+$0x0], $0xffff;
	[tilespmem:s16+$0x0] =	vst v21  }
0xa1: {  	v62 =	vadd.s32 v6, v13;
	[tilespmem:s10+$0x50] =	vst v22;
	v21 =	vld.idx.msk [tilespmem:v57+s20+$0x0], $0xffff  }
0xa2: {  	v22 =	vadd.s32 v2, v9;
	[tilespmem:s15+$0x50] =	vst v56;
	v27 =	vld.idx.msk [tilespmem:v59+s20+$0x0], $0xffff  }
0xa3: {  	v60 =	vadd.s32 v2, v10;
	[tilespmem:s17+$0xFFFFFFD0] =	vst v58;
	v23 =	vld.idx.msk [tilespmem:v23+s20+$0x0], $0xffff  }
0xa4: {  	v61 =	vadd.s32 v6, v14;
	v17 =	vld.idx.msk [tilespmem:v17+s20+$0x0], $0xffff;
	[tilespmem:s5+$0x10] =	vst v16  }
0xa5: {  	v15 =	vadd.s32 v7, v15;
	v16 =	vld.idx.msk [tilespmem:v18+s20+$0x0], $0xffff;
	[tilespmem:s13+$0x10] =	vst v20  }
0xa6: {  	v12 =	vadd.s32 v7, v12;
	[tilespmem:s2+$0x10] =	vst v19;
	v18 =	vld.idx.msk [tilespmem:v62+s20+$0x0], $0xffff  }
0xa7: {  	v19 =	vadd.s32 v2, v11;
	v20 =	vld.idx.msk [tilespmem:v22+s20+$0x0], $0xffff;
	[tilespmem:s11+$0x50] =	vst v21  }
0xa8: {  	v63 =	vadd.s32 v3, v9;
	v22 =	vld.idx.msk [tilespmem:v60+s20+$0x0], $0xffff;
	[tilespmem:s16+$0x10] =	vst v27  }
0xa9: {  	v28 =	vadd.s32 v3, v10;
	v24 =	vld.idx.msk [tilespmem:v61+s20+$0x0], $0xffff;
	[tilespmem:s15+$0x60] =	vst v17  }
0xaa: {  	[tilespmem:s10+$0x60] =	vst v23;
	v17 =	vld.idx.msk [tilespmem:v15+s20+$0x0], $0xffff  }
0xab: {  	v14 =	vadd.s32 v7, v14;
	[tilespmem:s17+$0xFFFFFFE0] =	vst v16;
	v15 =	vld.idx.msk [tilespmem:v12+s20+$0x0], $0xffff  }
0xac: {  	v21 =	vld.idx.msk [tilespmem:v19+s20+$0x0], $0xffff;
	v16 =	vadd.s32 v7, v13;
	[tilespmem:s13+$0x20] =	vst v20  }
0xad: {  	v23 =	vadd.s32 v3, v8;
	[tilespmem:s2+$0x20] =	vst v22;
	v19 =	vld.idx.msk [tilespmem:v63+s20+$0x0], $0xffff  }
0xae: {  	s18 =	simm.s32 $0x8;
	v12 =	vadd.s32 v4, v9;
	v22 =	vadd.s32 v3, v11;
	v20 =	vld.idx.msk [tilespmem:v28+s20+$0x0], $0xffff;
	[tilespmem:s11+$0x60] =	vst v24  }
.LBB2_5:
0xaf: {  	s23 =	sadd.s32 $0x1, s18  }
0xb0: {  	v13 =	vmov s18;
	p1 =	slt.u32 s18, $0x3C;
	v24 =	vadd.s32 v4, v8;
	[tilespmem:s5+$0x20] =	vst v18;
	v14 =	vld.idx.msk [tilespmem:v14+s20+$0x0], $0xffff;
	s26 =	smov.u32 s18;
	s18 =	sadd.s32 $0x4, s18  }
0xb1: {  	v25 =	vadd.s32 v4, v10;
	v13 =	vand.u32 $0x3C, v13;
	v18 =	vmov s23;
	s23 =	sadd.s32 $0x2, s26;
	v16 =	vld.idx.msk [tilespmem:v16+s20+$0x0], $0xffff;
	[tilespmem:s15+$0x70] =	vst v17;
	s15 =	smov.u32 s2  }
0xb2: {  	s2 =	sadd.s32 $0x3, s26;
	v17 =	vadd.s32 v0, v13;
	v18 =	vand.u32 $0x3D, v18;
	v26 =	vmov s23;
	v23 =	vld.idx.msk [tilespmem:v23+s20+$0x0], $0xffff;
	[tilespmem:s10+$0x70] =	vst v15;
	s10 =	smov.u32 s13  }
0xb3: {  	v27 =	vmov s2;
	v15 =	vadd.s32 v0, v18;
	v26 =	vand.u32 $0x3E, v26;
	[tilespmem:s16+$0x20] =	vst v21  }
0xb4: {  	v21 =	vadd.s32 v4, v18;
	v27 =	vand.u32 $0x3F, v27;
	v28 =	vadd.s32 v0, v26;
	[tilespmem:s10+$0x30] =	vst v19;
	v19 =	vld.idx.msk [tilespmem:v22+s20+$0x0], $0xffff  }
0xb5: {  	v22 =	vadd.s32 v0, v27;
	v29 =	vld.idx.msk [tilespmem:v12+s20+$0x0], $0xffff;
	[tilespmem:s15+$0x30] =	vst v20;
	v12 =	vmov v21  }
0xb6: {  	v21 =	vadd.s32 v4, v11;
	v20 =	vld.idx.msk [tilespmem:v25+s20+$0x0], $0xffff;
	[tilespmem:s11+$0x70] =	vst v14;
	s11 =	smov.u32 s16  }
0xb7: {  	v14 =	vld.idx.msk [tilespmem:v17+s20+$0x0], $0xffff;
	v17 =	vadd.s32 v5, v9;
	[tilespmem:s5+$0x30] =	vst v16;
	s5 =	smov.u32 s17  }
0xb8: {  	v15 =	vld.idx.msk [tilespmem:v15+s20+$0x0], $0xffff;
	[tilespmem:s17+$0xFFFFFFF0] =	vst v23  }
0xb9: {  	s14 =	sadd.s32 $0x200, s14;
	v23 =	vadd.s32 v5, v10;
	v16 =	vld.idx.msk [tilespmem:v24+s20+$0x0], $0xffff  }
0xba: {  	s2 =	sadd.s32 $0xFFFFFE80, s14;
	v24 =	vadd.s32 v1, v13;
	v25 =	vld.idx.msk [tilespmem:v28+s20+$0x0], $0xffff;
	[tilespmem:s11+$0x30] =	vst v19  }
0xbb: {  	s13 =	sadd.s32 $0xFFFFFF00, s14;
	s2 =	sand.u32 $0x1C00, s2;
	v19 =	vadd.s32 v5, v8;
	[tilespmem:s10+$0x40] =	vst v29;
	v21 =	vld.idx.msk [tilespmem:v21+s20+$0x0], $0xffff  }
0xbc: {  	s13 =	sand.u32 $0x280, s13;
	s16 =	sadd.s32 $0x10800, s2;
	s17 =	sadd.s32 $0x200, s17;
	v28 =	vadd.s32 v1, v18;
	v17 =	vld.idx.msk [tilespmem:v17+s20+$0x0], $0xffff;
	[tilespmem:s15+$0x40] =	vst v20  }
0xbd: {  	s2 =	sadd.s32 $0xFFFFFF80, s14;
	s13 =	sor.u32 s13, s16;
	[tilespmem:s17+$0xFFFFFFC0] =	vst v14;
	v14 =	vadd.s32 v1, v26;
	v20 =	vld.idx.msk [tilespmem:v22+s20+$0x0], $0xffff  }
0xbe: {  	s2 =	sand.u32 $0x300, s2;
	v22 =	vadd.s32 v5, v11;
	[tilespmem:s13+$0x0] =	vst v15;
	v15 =	vld.idx.msk [tilespmem:v23+s20+$0x0], $0xffff  }
0xbf: {  	s2 =	sor.u32 s2, s16;
	v23 =	vld.idx.msk [tilespmem:v24+s20+$0x0], $0xffff;
	[tilespmem:s5+$0x0] =	vst v16;
	v16 =	vadd.s32 v6, v9  }
0xc0: {  	v24 =	vadd.s32 v6, v10;
	[tilespmem:s2+$0x0] =	vst v25;
	v19 =	vld.idx.msk [tilespmem:v19+s20+$0x0], $0xffff  }
0xc1: {  	s23 =	sand.u32 $0x380, s14;
	v25 =	vld.idx.msk [tilespmem:v28+s20+$0x0], $0xffff;
	v28 =	vadd.s32 v1, v27;
	[tilespmem:s11+$0x40] =	vst v21  }
0xc2: {  	s16 =	sor.u32 s23, s16;
	v21 =	vadd.s32 v2, v13;
	v14 =	vld.idx.msk [tilespmem:v14+s20+$0x0], $0xffff;
	[tilespmem:s10+$0x50] =	vst v17  }
0xc3: {  	v17 =	vadd.s32 v2, v18;
	[tilespmem:s16+$0x0] =	vst v20;
	v20 =	vld.idx.msk [tilespmem:v22+s20+$0x0], $0xffff  }
0xc4: {  	v22 =	vadd.s32 v2, v26;
	v16 =	vld.idx.msk [tilespmem:v16+s20+$0x0], $0xffff;
	[tilespmem:s15+$0x50] =	vst v15  }
0xc5: {  	v15 =	vadd.s32 v6, v8;
	[tilespmem:s17+$0xFFFFFFD0] =	vst v23;
	v23 =	vld.idx.msk [tilespmem:v24+s20+$0x0], $0xffff;
	v24 =	vadd.s32 v6, v11  }
0xc6: {  	v28 =	vld.idx.msk [tilespmem:v28+s20+$0x0], $0xffff;
	[tilespmem:s5+$0x10] =	vst v19  }
0xc7: {  	v19 =	vld.idx.msk [tilespmem:v21+s20+$0x0], $0xffff;
	[tilespmem:s13+$0x10] =	vst v25;
	v21 =	vadd.s32 v7, v10;
	v10 =	vmov v26  }
0xc8: {  	v26 =	vadd.s32 v7, v9;
	v9 =	vmov v18;
	v25 =	vld.idx.msk [tilespmem:v17+s20+$0x0], $0xffff;
	[tilespmem:s2+$0x10] =	vst v14  }
0xc9: {  	v29 =	vadd.s32 v2, v27;
	v22 =	vld.idx.msk [tilespmem:v22+s20+$0x0], $0xffff;
	[tilespmem:s11+$0x50] =	vst v20  }
0xca: {  	v20 =	vadd.s32 v3, v9;
	[tilespmem:s10+$0x60] =	vst v16;
	v24 =	vld.idx.msk [tilespmem:v24+s20+$0x0], $0xffff  }
0xcb: {  	v30 =	vadd.s32 v3, v10;
	v18 =	vld.idx.msk [tilespmem:v15+s20+$0x0], $0xffff;
	[tilespmem:s15+$0x60] =	vst v23  }
.Ltmp3:
0xcc: {  	v14 =	vadd.s32 v7, v11;
	v16 =	vadd.s32 v7, v8;
	v8 =	vmov v13;
	[tilespmem:s16+$0x10] =	vst v28;
	v17 =	vld.idx.msk [tilespmem:v21+s20+$0x0], $0xffff;
	(pc) =	sbr.rel @p1 .LBB2_5-.Ltmp3, $4  }
0xcd: {  	v11 =	vmov v27;
	[tilespmem:s17+$0xFFFFFFE0] =	vst v19;
	v15 =	vld.idx.msk [tilespmem:v26+s20+$0x0], $0xffff  }
0xce: {  	v23 =	vadd.s32 v3, v8;
	[tilespmem:s13+$0x20] =	vst v25;
	v21 =	vld.idx.msk [tilespmem:v29+s20+$0x0], $0xffff  }
0xcf: {  	v19 =	vld.idx.msk [tilespmem:v20+s20+$0x0], $0xffff;
	[tilespmem:s2+$0x20] =	vst v22  }
0xd0: {  	v22 =	vadd.s32 v3, v11;
	v20 =	vld.idx.msk [tilespmem:v30+s20+$0x0], $0xffff;
	[tilespmem:s11+$0x60] =	vst v24  }
0xd1: {  	_ =	sdelay $0x3  }
0xd2: {  	v13 =	vadd.s32 v4, v10;
	v46 =	vld.idx.msk [tilespmem:v23+s20+$0x0], $0xffff;
	[tilespmem:s16+$0x20] =	vst v21  }
0xd3: {  	v24 =	vadd.s32 v4, v8;
	v21 =	vld.idx.msk [tilespmem:v22+s20+$0x0], $0xffff  }
0xd4: {  	v47 =	vadd.s32 v4, v11  }
0xd5: {  	[tilespmem:s13+$0x30] =	vst v19  }
0xd6: {  	[tilespmem:s2+$0x30] =	vst v20;
	v12 =	vld.idx.msk [tilespmem:v12+s20+$0x0], $0xffff  }
0xd7: {  	v49 =	vadd.s32 v5, v9;
	v13 =	vld.idx.msk [tilespmem:v13+s20+$0x0], $0xffff;
	[tilespmem:s17+$0xFFFFFFF0] =	vst v46  }
0xd8: {  	v48 =	vadd.s32 v5, v10;
	v22 =	vld.idx.msk [tilespmem:v24+s20+$0x0], $0xffff;
	[tilespmem:s16+$0x30] =	vst v21  }
0xd9: {  	v51 =	vadd.s32 v5, v8;
	v21 =	vld.idx.msk [tilespmem:v47+s20+$0x0], $0xffff  }
0xda: {  	v50 =	vadd.s32 v5, v11  }
0xdb: {  	[tilespmem:s13+$0x40] =	vst v12  }
0xdc: {  	[tilespmem:s2+$0x40] =	vst v13;
	v53 =	vld.idx.msk [tilespmem:v49+s20+$0x0], $0xffff  }
0xdd: {  	v55 =	vadd.s32 v6, v9;
	v52 =	vld.idx.msk [tilespmem:v48+s20+$0x0], $0xffff;
	[tilespmem:s17+$0x0] =	vst v22  }
0xde: {  	v54 =	vadd.s32 v6, v10;
	v22 =	vld.idx.msk [tilespmem:v51+s20+$0x0], $0xffff;
	[tilespmem:s16+$0x40] =	vst v21  }
0xdf: {  	v57 =	vadd.s32 v6, v8;
	v21 =	vld.idx.msk [tilespmem:v50+s20+$0x0], $0xffff  }
0xe0: {  	v56 =	vadd.s32 v6, v11;
	[tilespmem:s5+$0x20] =	vst v18  }
0xe1: {  	[tilespmem:s13+$0x50] =	vst v53  }
0xe2: {  	[tilespmem:s2+$0x50] =	vst v52;
	v13 =	vld.idx.msk [tilespmem:v55+s20+$0x0], $0xffff  }
0xe3: {  	v59 =	vadd.s32 v7, v9;
	v12 =	vld.idx.msk [tilespmem:v54+s20+$0x0], $0xffff;
	[tilespmem:s17+$0x10] =	vst v22  }
0xe4: {  	v58 =	vadd.s32 v7, v10;
	v61 =	vld.idx.msk [tilespmem:v57+s20+$0x0], $0xffff;
	[tilespmem:s16+$0x50] =	vst v21  }
0xe5: {  	[tilespmem:s15+$0x70] =	vst v17;
	v8 =	vadd.s32 v7, v8;
	v60 =	vld.idx.msk [tilespmem:v56+s20+$0x0], $0xffff  }
0xe6: {  	v62 =	vadd.s32 v7, v11;
	v14 =	vld.idx.msk [tilespmem:v14+s20+$0x0], $0xffff;
	[tilespmem:s10+$0x70] =	vst v15  }
0xe7: {  	v63 =	vld.idx.msk [tilespmem:v16+s20+$0x0], $0xffff;
	[tilespmem:s13+$0x60] =	vst v13  }
0xe8: {  	[tilespmem:s2+$0x60] =	vst v12;
	v9 =	vld.idx.msk [tilespmem:v59+s20+$0x0], $0xffff  }
0xe9: {  	v10 =	vld.idx.msk [tilespmem:v58+s20+$0x0], $0xffff;
	[tilespmem:s17+$0x20] =	vst v61  }
0xea: {  	v8 =	vld.idx.msk [tilespmem:v8+s20+$0x0], $0xffff;
	[tilespmem:s16+$0x60] =	vst v60  }
0xeb: {  	[tilespmem:s11+$0x70] =	vst v14;
	v11 =	vld.idx.msk [tilespmem:v62+s20+$0x0], $0xffff  }
0xec: {  	p1 =	sne.s32 s3, $0x31;
	[tilespmem:s5+$0x30] =	vst v63  }
.Ltmp4:
0xed: {  	[tilespmem:s13+$0x70] =	vst v9;
	(pc) =	sbr.rel @p1 .LBB2_8-.Ltmp4, $4  }
0xee: {  	s23 =	sshll.u32 s3, $0x11;
	[tilespmem:s2+$0x70] =	vst v10  }
0xef: {  	s26 =	rddreg [dreg:$0x1];
	s5 =	sor.u32 s6, s23;
	[tilespmem:s17+$0x30] =	vst v8  }
0xf0: {  	s30 =	simm.s32 $0x10800;
	s2 =	sadd.s32 s26, s5;
	[tilespmem:s16+$0x70] =	vst v11  }
0xf1: {  	[hbm4b:s2+s21] =	stream.strided.scatter [tilespmem:s30], [sflag:$0x5], $0x2000, s22, s21, $0x38;
	[tilespmem:$0x18800] =	vst v63  }
.Ltmp5:
0xf2: {  	(pc) =	sbr.rel .LBB2_9-.Ltmp5, $4  }
0xf3: {  	_ = 	snop  }
0xf4: {  	_ =	swait.ge [sflag:s24], $0x2000  }
0xf5: {  	[sflag:s24] =	ssyncset.done $0x0  }
0xf6: {  	[sflag:s24] =	ssyncadd.s32 $0xFFFFE000  }
.LBB2_8:
0xf7: {  	s2 =	sshll.u32 s3, $0x9  }
0xf8: {  	s2 =	sand.u32 $0x3FFFFE00, s2  }
.Ltmp6:
0xf9: {  	s10 =	simm.s32 $0x6400;
	s2 =	sadd.s32 $0x200, s2;
	(pc) =	sbr.rel @p0 .LBB2_10-.Ltmp6, $4  }
0xfa: {  	[tilespmem:s10], [sflag:$0x1] =	stream.indirect.gather [hbm4b:s4+s12], $0x40, s2, s12, $0xb8;
	[tilespmem:$0x18800] =	vst v63  }
0xfb: {  	_ =	swait.ge [sflag:s24], $0x2000  }
0xfc: {  	[sflag:s24] =	ssyncset.done $0x0  }
0xfd: {  	[sflag:s24] =	ssyncadd.s32 $0xFFFFE000  }
.LBB2_9:
0xfe: {  	_ =	swait.ge [sflag:s25], $0x2000  }
0xff: {  	[sflag:s25] =	ssyncset.done $0x0  }
0x100: {  	[sflag:s25] =	ssyncadd.s32 $0xFFFFE000  }
.LBB2_10:
0x101: {  	s13 =	simm.s32 $0x85F0  }
0x102: {  	v8 =	vld [tilespmem:s13+$0xFFFFFFD0]  }
0x103: {  	v9 =	vld [tilespmem:s13+$0xFFFFFE50]  }
0x104: {  	v10 =	vld [tilespmem:s13+$0xFFFFFE90]  }
0x105: {  	v11 =	vld [tilespmem:s13+$0xFFFFFED0]  }
0x106: {  	s2 =	simm.s32 $0xE520;
	v12 =	vld [tilespmem:s13+$0xFFFFFF10]  }
0x107: {  	v13 =	vld [tilespmem:s13+$0xFFFFFF50];
	[tilespmem:s2+$0xD8] =	vst v8  }
0x108: {  	[tilespmem:s2+$0xFFFFFF28] =	vst v9;
	v9 =	vld [tilespmem:s13+$0xFFFFFF90]  }
0x109: {  	[tilespmem:s2+$0xFFFFFF70] =	vst v10;
	v10 =	vld [tilespmem:s13+$0xFFFFFE10]  }
0x10a: {  	[tilespmem:s2+$0xFFFFFFB8] =	vst v11;
	v8 =	vld [tilespmem:s13+$0xFFFFFFE0]  }
0x10b: {  	[tilespmem:s2+$0x0] =	vst v12;
	v11 =	vld [tilespmem:s13+$0xFFFFFE60]  }
0x10c: {  	[tilespmem:s2+$0x48] =	vst v13;
	v12 =	vld [tilespmem:s13+$0xFFFFFEA0]  }
0x10d: {  	v13 =	vld [tilespmem:s13+$0xFFFFFEE0];
	[tilespmem:s2+$0x90] =	vst v9  }
0x10e: {  	[tilespmem:s2+$0xFFFFFEE0] =	vst v10;
	v9 =	vld [tilespmem:s13+$0xFFFFFF20]  }
0x10f: {  	[tilespmem:s2+$0xE8] =	vst v8;
	v10 =	vld [tilespmem:s13+$0xFFFFFE20]  }
0x110: {  	[tilespmem:s2+$0xFFFFFF38] =	vst v11;
	v11 =	vld [tilespmem:s13+$0xFFFFFF60]  }
0x111: {  	[tilespmem:s2+$0xFFFFFF80] =	vst v12;
	v12 =	vld [tilespmem:s13+$0xFFFFFFA0]  }
0x112: {  	[tilespmem:s2+$0xFFFFFFC8] =	vst v13;
	v8 =	vld [tilespmem:s13+$0xFFFFFFF0]  }
0x113: {  	v13 =	vld [tilespmem:s13+$0xFFFFFE70];
	[tilespmem:s2+$0x10] =	vst v9  }
0x114: {  	v9 =	vld [tilespmem:s13+$0xFFFFFEB0];
	[tilespmem:s2+$0xFFFFFEF0] =	vst v10  }
0x115: {  	[tilespmem:s2+$0x58] =	vst v11;
	v11 =	vld [tilespmem:s13+$0xFFFFFEF0]  }
0x116: {  	[tilespmem:s2+$0xA0] =	vst v12;
	v10 =	vld [tilespmem:s13+$0xFFFFFE30]  }
0x117: {  	v12 =	vld [tilespmem:s13+$0xFFFFFF30];
	[tilespmem:s2+$0xF8] =	vst v8  }
0x118: {  	[tilespmem:s2+$0xFFFFFF48] =	vst v13;
	v13 =	vld [tilespmem:s13+$0xFFFFFF70]  }
0x119: {  	v8 =	vld [tilespmem:s13+$0x0];
	[tilespmem:s2+$0xFFFFFF90] =	vst v9  }
0x11a: {  	v14 =	vld [tilespmem:s13+$0xFFFFFFB0];
	[tilespmem:s2+$0xFFFFFFD8] =	vst v11  }
0x11b: {  	[tilespmem:s2+$0xFFFFFF00] =	vst v10;
	v10 =	vld [tilespmem:s13+$0xFFFFFE80]  }
0x11c: {  	[tilespmem:s2+$0x20] =	vst v12;
	v15 =	vld [tilespmem:s13+$0xFFFFFE40]  }
0x11d: {  	v11 =	vld [tilespmem:s13+$0xFFFFFEC0];
	[tilespmem:s2+$0x68] =	vst v13  }
0x11e: {  	[tilespmem:s2+$0x108] =	vst v8;
	v8 =	vld [tilespmem:s13+$0xFFFFFF00]  }
0x11f: {  	v9 =	vld [tilespmem:s13+$0xFFFFFF40];
	[tilespmem:s2+$0xB0] =	vst v14  }
0x120: {  	[tilespmem:s2+$0xFFFFFF58] =	vst v10;
	v10 =	vld [tilespmem:s13+$0xFFFFFF80]  }
0x121: {  	s11 =	simm.s32 $0x0;
	s10 =	simm.s32 $0x12870;
	v14 =	vld [tilespmem:s13+$0xFFFFFFC0];
	s13 =	simm.s32 $0x87F0;
	[tilespmem:s2+$0xFFFFFF10] =	vst v15  }
.LBB2_11:
0x122: {  	v12 =	vld [tilespmem:s13+$0xFFFFFFD0];
	s11 =	sadd.s32 $0x8, s11;
	[tilespmem:s2+$0xFFFFFFA0] =	vst v11  }
0x123: {  	v11 =	vld [tilespmem:s13+$0xFFFFFE50];
	p2 =	slt.u32 s11, $0x78;
	[tilespmem:s2+$0xFFFFFFE8] =	vst v8  }
0x124: {  	v8 =	vld [tilespmem:s13+$0xFFFFFE90];
	[tilespmem:s2+$0x30] =	vst v9  }
0x125: {  	v9 =	vld [tilespmem:s13+$0xFFFFFED0];
	[tilespmem:s2+$0x78] =	vst v10  }
0x126: {  	v10 =	vld [tilespmem:s13+$0xFFFFFF10];
	[tilespmem:s2+$0xC0] =	vst v14;
	s2 =	sadd.s32 $0x240, s2  }
0x127: {  	v13 =	vld [tilespmem:s13+$0xFFFFFF50];
	[tilespmem:s2+$0xD8] =	vst v12  }
0x128: {  	[tilespmem:s2+$0xFFFFFF28] =	vst v11;
	v11 =	vld [tilespmem:s13+$0xFFFFFFE0]  }
0x129: {  	[tilespmem:s2+$0xFFFFFF70] =	vst v8;
	v8 =	vld [tilespmem:s13+$0xFFFFFF90]  }
0x12a: {  	v12 =	vld [tilespmem:s13+$0xFFFFFE10];
	[tilespmem:s2+$0xFFFFFFB8] =	vst v9  }
0x12b: {  	v9 =	vld [tilespmem:s13+$0xFFFFFE60];
	[tilespmem:s2+$0x0] =	vst v10  }
0x12c: {  	v10 =	vld [tilespmem:s13+$0xFFFFFEA0];
	[tilespmem:s2+$0x48] =	vst v13  }
0x12d: {  	v13 =	vld [tilespmem:s13+$0xFFFFFEE0];
	[tilespmem:s2+$0xE8] =	vst v11  }
0x12e: {  	[tilespmem:s2+$0x90] =	vst v8;
	v8 =	vld [tilespmem:s13+$0xFFFFFFF0]  }
0x12f: {  	[tilespmem:s2+$0xFFFFFEE0] =	vst v12;
	v11 =	vld [tilespmem:s13+$0xFFFFFF20]  }
0x130: {  	v12 =	vld [tilespmem:s13+$0xFFFFFE20];
	[tilespmem:s2+$0xFFFFFF38] =	vst v9  }
0x131: {  	[tilespmem:s2+$0xFFFFFF80] =	vst v10;
	v9 =	vld [tilespmem:s13+$0xFFFFFF60]  }
0x132: {  	[tilespmem:s2+$0xFFFFFFC8] =	vst v13;
	v10 =	vld [tilespmem:s13+$0xFFFFFFA0]  }
0x133: {  	v13 =	vld [tilespmem:s13+$0xFFFFFE70];
	[tilespmem:s2+$0xF8] =	vst v8  }
0x134: {  	[tilespmem:s2+$0x10] =	vst v11;
	v8 =	vld [tilespmem:s13+$0x0]  }
0x135: {  	[tilespmem:s2+$0xFFFFFEF0] =	vst v12;
	v11 =	vld [tilespmem:s13+$0xFFFFFEB0]  }
0x136: {  	v12 =	vld [tilespmem:s13+$0xFFFFFE30];
	[tilespmem:s2+$0x58] =	vst v9  }
0x137: {  	v9 =	vld [tilespmem:s13+$0xFFFFFEF0];
	[tilespmem:s2+$0xA0] =	vst v10  }
0x138: {  	[tilespmem:s2+$0xFFFFFF48] =	vst v13;
	v10 =	vld [tilespmem:s13+$0xFFFFFF30]  }
0x139: {  	s15 =	simm.s32 $0x0;
	s14 =	simm.s32 $0x180;
	v13 =	vld [tilespmem:s13+$0xFFFFFF70];
	[tilespmem:s2+$0x108] =	vst v8  }
0x13a: {  	[tilespmem:s2+$0xFFFFFF90] =	vst v11;
	v14 =	vld [tilespmem:s13+$0xFFFFFFB0]  }
0x13b: {  	[tilespmem:s2+$0xFFFFFF00] =	vst v12;
	v12 =	vld [tilespmem:s13+$0xFFFFFE80]  }
0x13c: {  	v15 =	vld [tilespmem:s13+$0xFFFFFE40];
	[tilespmem:s2+$0xFFFFFFD8] =	vst v9  }
.Ltmp7:
0x13d: {  	v11 =	vld [tilespmem:s13+$0xFFFFFEC0];
	[tilespmem:s2+$0x20] =	vst v10;
	(pc) =	sbr.rel @p2 .LBB2_11-.Ltmp7, $4  }
0x13e: {  	v8 =	vld [tilespmem:s13+$0xFFFFFF00];
	[tilespmem:s2+$0x68] =	vst v13  }
0x13f: {  	v9 =	vld [tilespmem:s13+$0xFFFFFF40];
	[tilespmem:s2+$0xB0] =	vst v14  }
0x140: {  	[tilespmem:s2+$0xFFFFFF58] =	vst v12;
	v10 =	vld [tilespmem:s13+$0xFFFFFF80]  }
0x141: {  	[tilespmem:s2+$0xFFFFFF10] =	vst v15;
	v14 =	vld [tilespmem:s13+$0xFFFFFFC0];
	s13 =	sadd.s32 $0x200, s13  }
0x142: {  	s11 =	simm.s32 $0x1  }
0x143: {  	s17 =	simm.s32 $0x2;
	v12 =	vmov s11  }
0x144: {  	v13 =	vmov s17;
	v12 =	vand.u32 $0x3D, v12  }
0x145: {  	[tilespmem:s2+$0xFFFFFFA0] =	vst v11;
	v15 =	vand.u32 $0x3E, v13;
	v11 =	vadd.s32 v0, v12  }
0x146: {  	[tilespmem:s2+$0xFFFFFFE8] =	vst v8;
	v8 =	vadd.s32 v0, v15  }
0x147: {  	s18 =	simm.s32 $0x3;
	[tilespmem:s2+$0x30] =	vst v9;
	v9 =	vmov s15  }
0x148: {  	[tilespmem:s2+$0x78] =	vst v10;
	v13 =	vand.u32 $0x3C, v9;
	v9 =	vmov s18  }
0x149: {  	[tilespmem:s2+$0xC0] =	vst v14;
	v10 =	vadd.s32 v0, v13;
	v14 =	vand.u32 $0x3F, v9  }
0x14a: {  	v9 =	vadd.s32 v0, v14;
	v11 =	vld.idx.msk [tilespmem:v11+s20+$0x0], $0xffff  }
0x14b: {  	s23 =	simm.s32 $0x0;
	v16 =	vadd.s32 v1, v12;
	v8 =	vld.idx.msk [tilespmem:v8+s20+$0x0], $0xffff  }
0x14c: {  	s26 =	simm.s32 $0x80;
	v17 =	vadd.s32 v1, v15;
	s2 =	sand.u32 $0x1C00, s23  }
0x14d: {  	s13 =	simm.s32 $0x100;
	s11 =	sand.u32 $0x280, s26;
	s2 =	sadd.s32 $0x10800, s2  }
0x14e: {  	s13 =	sand.u32 $0x300, s13;
	s11 =	sor.u32 s11, s2;
	v10 =	vld.idx.msk [tilespmem:v10+s20+$0x0], $0xffff  }
0x14f: {  	v18 =	vadd.s32 v1, v13;
	s17 =	sor.u32 s13, s2;
	v9 =	vld.idx.msk [tilespmem:v9+s20+$0x0], $0xffff;
	[tilespmem:s11+$0x2000] =	vst v11  }
0x150: {  	[tilespmem:s17+$0x2000] =	vst v8;
	v11 =	vadd.s32 v1, v14;
	v8 =	vld.idx.msk [tilespmem:v16+s20+$0x0], $0xffff  }
0x151: {  	v16 =	vld.idx.msk [tilespmem:v17+s20+$0x0], $0xffff;
	v17 =	vadd.s32 v2, v12  }
0x152: {  	s30 =	sand.u32 $0x380, s14;
	v19 =	vadd.s32 v2, v15  }
0x153: {  	s15 =	sor.u32 s30, s2;
	[tilespmem:s10+$0xFFFFFF90] =	vst v10  }
0x154: {  	v10 =	vld.idx.msk [tilespmem:v18+s20+$0x0], $0xffff;
	[tilespmem:s15+$0x2000] =	vst v9  }
0x155: {  	v9 =	vadd.s32 v2, v13;
	v11 =	vld.idx.msk [tilespmem:v11+s20+$0x0], $0xffff;
	[tilespmem:s11+$0x2010] =	vst v8  }
0x156: {  	[tilespmem:s17+$0x2010] =	vst v16;
	v16 =	vadd.s32 v2, v14;
	v8 =	vld.idx.msk [tilespmem:v17+s20+$0x0], $0xffff  }
0x157: {  	v18 =	vadd.s32 v3, v12;
	v17 =	vld.idx.msk [tilespmem:v19+s20+$0x0], $0xffff  }
0x158: {  	v19 =	vadd.s32 v3, v15  }
0x159: {  	[tilespmem:s10+$0xFFFFFFA0] =	vst v10  }
0x15a: {  	v9 =	vld.idx.msk [tilespmem:v9+s20+$0x0], $0xffff;
	[tilespmem:s15+$0x2010] =	vst v11  }
0x15b: {  	v10 =	vadd.s32 v3, v13;
	v11 =	vld.idx.msk [tilespmem:v16+s20+$0x0], $0xffff;
	[tilespmem:s11+$0x2020] =	vst v8  }
0x15c: {  	s13 =	simm.s32 $0x4;
	[tilespmem:s17+$0x2020] =	vst v17;
	v17 =	vadd.s32 v3, v14;
	v16 =	vld.idx.msk [tilespmem:v18+s20+$0x0], $0xffff  }
0x15d: {  	s14 =	simm.s32 $0x5;
	v8 =	vmov s13;
	v18 =	vadd.s32 v4, v12;
	v19 =	vld.idx.msk [tilespmem:v19+s20+$0x0], $0xffff  }
0x15e: {  	v20 =	vmov s14;
	v21 =	vadd.s32 v4, v15;
	v8 =	vand.u32 $0x3C, v8  }
0x15f: {  	s16 =	simm.s32 $0x6;
	[tilespmem:s10+$0xFFFFFFB0] =	vst v9;
	v9 =	vand.u32 $0x3D, v20;
	v22 =	vadd.s32 v0, v8  }
0x160: {  	v20 =	vmov s16;
	v23 =	vld.idx.msk [tilespmem:v10+s20+$0x0], $0xffff;
	v24 =	vadd.s32 v0, v9;
	[tilespmem:s15+$0x2020] =	vst v11  }
0x161: {  	s18 =	simm.s32 $0x7;
	v25 =	vadd.s32 v4, v13;
	v10 =	vand.u32 $0x3E, v20;
	[tilespmem:s11+$0x2030] =	vst v16;
	v16 =	vld.idx.msk [tilespmem:v17+s20+$0x0], $0xffff  }
0x162: {  	v11 =	vmov s18;
	v17 =	vadd.s32 v0, v10;
	[tilespmem:s17+$0x2030] =	vst v19;
	v18 =	vld.idx.msk [tilespmem:v18+s20+$0x0], $0xffff  }
0x163: {  	v20 =	vadd.s32 v4, v14;
	v11 =	vand.u32 $0x3F, v11;
	v19 =	vld.idx.msk [tilespmem:v21+s20+$0x0], $0xffff  }
0x164: {  	v26 =	vadd.s32 v0, v11;
	v21 =	vld.idx.msk [tilespmem:v22+s20+$0x0], $0xffff  }
0x165: {  	v22 =	vadd.s32 v5, v12;
	v24 =	vld.idx.msk [tilespmem:v24+s20+$0x0], $0xffff;
	[tilespmem:s10+$0xFFFFFFC0] =	vst v23  }
0x166: {  	v55 =	vadd.s32 v5, v15;
	v23 =	vld.idx.msk [tilespmem:v25+s20+$0x0], $0xffff  }
0x167: {  	s23 =	simm.s32 $0x200;
	v27 =	vadd.s32 v1, v8;
	v17 =	vld.idx.msk [tilespmem:v17+s20+$0x0], $0xffff;
	[tilespmem:s15+$0x2030] =	vst v16  }
0x168: {  	s26 =	simm.s32 $0x280;
	s2 =	sand.u32 $0x1C00, s23;
	s13 =	simm.s32 $0x12A70;
	v16 =	vadd.s32 v5, v13;
	[tilespmem:s11+$0x2040] =	vst v18;
	v18 =	vld.idx.msk [tilespmem:v20+s20+$0x0], $0xffff  }
0x169: {  	s30 =	sand.u32 $0x280, s26;
	s2 =	sadd.s32 $0x10800, s2;
	v20 =	vadd.s32 v1, v9;
	[tilespmem:s13+$0xFFFFFF90] =	vst v21;
	v21 =	vld.idx.msk [tilespmem:v26+s20+$0x0], $0xffff  }
0x16a: {  	s14 =	sor.u32 s30, s2;
	s16 =	simm.s32 $0x300;
	[tilespmem:s17+$0x2040] =	vst v19;
	v19 =	vadd.s32 v1, v10;
	v22 =	vld.idx.msk [tilespmem:v22+s20+$0x0], $0xffff  }
0x16b: {  	v57 =	vadd.s32 v5, v14;
	s16 =	sand.u32 $0x300, s16;
	[tilespmem:s14+$0x2000] =	vst v24;
	v56 =	vld.idx.msk [tilespmem:v55+s20+$0x0], $0xffff  }
0x16c: {  	s18 =	sor.u32 s16, s2;
	s16 =	simm.s32 $0x380;
	v59 =	vadd.s32 v1, v11;
	v58 =	vld.idx.msk [tilespmem:v27+s20+$0x0], $0xffff;
	[tilespmem:s10+$0xFFFFFFD0] =	vst v23  }
0x16d: {  	s23 =	sand.u32 $0x380, s16;
	v23 =	vadd.s32 v6, v12;
	[tilespmem:s18+$0x2000] =	vst v17;
	v16 =	vld.idx.msk [tilespmem:v16+s20+$0x0], $0xffff  }
0x16e: {  	s2 =	sor.u32 s23, s2;
	v17 =	vadd.s32 v6, v15;
	v20 =	vld.idx.msk [tilespmem:v20+s20+$0x0], $0xffff;
	[tilespmem:s15+$0x2040] =	vst v18  }
0x16f: {  	v18 =	vadd.s32 v2, v8;
	v19 =	vld.idx.msk [tilespmem:v19+s20+$0x0], $0xffff;
	[tilespmem:s2+$0x2000] =	vst v21  }
0x170: {  	v62 =	vadd.s32 v6, v13;
	[tilespmem:s11+$0x2050] =	vst v22;
	v21 =	vld.idx.msk [tilespmem:v57+s20+$0x0], $0xffff  }
0x171: {  	v22 =	vadd.s32 v2, v9;
	[tilespmem:s17+$0x2050] =	vst v56;
	v27 =	vld.idx.msk [tilespmem:v59+s20+$0x0], $0xffff  }
0x172: {  	v60 =	vadd.s32 v2, v10;
	[tilespmem:s13+$0xFFFFFFA0] =	vst v58;
	v23 =	vld.idx.msk [tilespmem:v23+s20+$0x0], $0xffff  }
0x173: {  	v61 =	vadd.s32 v6, v14;
	v17 =	vld.idx.msk [tilespmem:v17+s20+$0x0], $0xffff;
	[tilespmem:s10+$0xFFFFFFE0] =	vst v16  }
0x174: {  	v15 =	vadd.s32 v7, v15;
	v16 =	vld.idx.msk [tilespmem:v18+s20+$0x0], $0xffff;
	[tilespmem:s14+$0x2010] =	vst v20  }
0x175: {  	v12 =	vadd.s32 v7, v12;
	[tilespmem:s18+$0x2010] =	vst v19;
	v18 =	vld.idx.msk [tilespmem:v62+s20+$0x0], $0xffff  }
0x176: {  	v19 =	vadd.s32 v2, v11;
	v20 =	vld.idx.msk [tilespmem:v22+s20+$0x0], $0xffff;
	[tilespmem:s15+$0x2050] =	vst v21  }
0x177: {  	v63 =	vadd.s32 v3, v9;
	v22 =	vld.idx.msk [tilespmem:v60+s20+$0x0], $0xffff;
	[tilespmem:s2+$0x2010] =	vst v27  }
0x178: {  	v28 =	vadd.s32 v3, v10;
	v24 =	vld.idx.msk [tilespmem:v61+s20+$0x0], $0xffff;
	[tilespmem:s17+$0x2060] =	vst v17  }
0x179: {  	[tilespmem:s11+$0x2060] =	vst v23;
	v17 =	vld.idx.msk [tilespmem:v15+s20+$0x0], $0xffff  }
0x17a: {  	v14 =	vadd.s32 v7, v14;
	[tilespmem:s13+$0xFFFFFFB0] =	vst v16;
	v15 =	vld.idx.msk [tilespmem:v12+s20+$0x0], $0xffff  }
0x17b: {  	v21 =	vld.idx.msk [tilespmem:v19+s20+$0x0], $0xffff;
	v16 =	vadd.s32 v7, v13;
	[tilespmem:s14+$0x2020] =	vst v20  }
0x17c: {  	v23 =	vadd.s32 v3, v8;
	[tilespmem:s18+$0x2020] =	vst v22;
	v19 =	vld.idx.msk [tilespmem:v63+s20+$0x0], $0xffff  }
0x17d: {  	s23 =	simm.s32 $0x8;
	v12 =	vadd.s32 v4, v9;
	v22 =	vadd.s32 v3, v11;
	v20 =	vld.idx.msk [tilespmem:v28+s20+$0x0], $0xffff;
	[tilespmem:s15+$0x2060] =	vst v24  }
.LBB2_13:
0x17e: {  	s26 =	sadd.s32 $0x1, s23  }
0x17f: {  	v13 =	vmov s23;
	p2 =	slt.u32 s23, $0x3C;
	v24 =	vadd.s32 v4, v8;
	[tilespmem:s10+$0xFFFFFFF0] =	vst v18;
	v14 =	vld.idx.msk [tilespmem:v14+s20+$0x0], $0xffff;
	s30 =	smov.u32 s23;
	s23 =	sadd.s32 $0x4, s23  }
0x180: {  	v25 =	vadd.s32 v4, v10;
	v13 =	vand.u32 $0x3C, v13;
	v18 =	vmov s26;
	s26 =	sadd.s32 $0x2, s30;
	v16 =	vld.idx.msk [tilespmem:v16+s20+$0x0], $0xffff;
	[tilespmem:s17+$0x2070] =	vst v17;
	s17 =	smov.u32 s18  }
0x181: {  	s18 =	sadd.s32 $0x3, s30;
	v17 =	vadd.s32 v0, v13;
	v18 =	vand.u32 $0x3D, v18;
	v26 =	vmov s26;
	v23 =	vld.idx.msk [tilespmem:v23+s20+$0x0], $0xffff;
	[tilespmem:s11+$0x2070] =	vst v15;
	s11 =	smov.u32 s14  }
0x182: {  	v27 =	vmov s18;
	v15 =	vadd.s32 v0, v18;
	v26 =	vand.u32 $0x3E, v26;
	[tilespmem:s2+$0x2020] =	vst v21  }
0x183: {  	v21 =	vadd.s32 v4, v18;
	v27 =	vand.u32 $0x3F, v27;
	v28 =	vadd.s32 v0, v26;
	[tilespmem:s11+$0x2030] =	vst v19;
	v19 =	vld.idx.msk [tilespmem:v22+s20+$0x0], $0xffff  }
0x184: {  	v22 =	vadd.s32 v0, v27;
	v29 =	vld.idx.msk [tilespmem:v12+s20+$0x0], $0xffff;
	[tilespmem:s17+$0x2030] =	vst v20;
	v12 =	vmov v21  }
0x185: {  	v21 =	vadd.s32 v4, v11;
	v20 =	vld.idx.msk [tilespmem:v25+s20+$0x0], $0xffff;
	[tilespmem:s15+$0x2070] =	vst v14;
	s15 =	smov.u32 s2  }
0x186: {  	v14 =	vld.idx.msk [tilespmem:v17+s20+$0x0], $0xffff;
	v17 =	vadd.s32 v5, v9;
	[tilespmem:s10+$0x0] =	vst v16;
	s10 =	smov.u32 s13  }
0x187: {  	v15 =	vld.idx.msk [tilespmem:v15+s20+$0x0], $0xffff;
	[tilespmem:s13+$0xFFFFFFC0] =	vst v23  }
0x188: {  	s16 =	sadd.s32 $0x200, s16;
	v23 =	vadd.s32 v5, v10;
	v16 =	vld.idx.msk [tilespmem:v24+s20+$0x0], $0xffff  }
0x189: {  	s2 =	sadd.s32 $0xFFFFFE80, s16;
	v24 =	vadd.s32 v1, v13;
	v25 =	vld.idx.msk [tilespmem:v28+s20+$0x0], $0xffff;
	[tilespmem:s15+$0x2030] =	vst v19  }
0x18a: {  	s14 =	sadd.s32 $0xFFFFFF00, s16;
	s2 =	sand.u32 $0x1C00, s2;
	v19 =	vadd.s32 v5, v8;
	[tilespmem:s11+$0x2040] =	vst v29;
	v21 =	vld.idx.msk [tilespmem:v21+s20+$0x0], $0xffff  }
0x18b: {  	s14 =	sand.u32 $0x280, s14;
	s2 =	sadd.s32 $0x10800, s2;
	s13 =	sadd.s32 $0x200, s13;
	v28 =	vadd.s32 v1, v18;
	v17 =	vld.idx.msk [tilespmem:v17+s20+$0x0], $0xffff;
	[tilespmem:s17+$0x2040] =	vst v20  }
0x18c: {  	s18 =	sadd.s32 $0xFFFFFF80, s16;
	s14 =	sor.u32 s14, s2;
	[tilespmem:s13+$0xFFFFFF90] =	vst v14;
	v14 =	vadd.s32 v1, v26;
	v20 =	vld.idx.msk [tilespmem:v22+s20+$0x0], $0xffff  }
0x18d: {  	s18 =	sand.u32 $0x300, s18;
	v22 =	vadd.s32 v5, v11;
	[tilespmem:s14+$0x2000] =	vst v15;
	v15 =	vld.idx.msk [tilespmem:v23+s20+$0x0], $0xffff  }
0x18e: {  	s18 =	sor.u32 s18, s2;
	v23 =	vld.idx.msk [tilespmem:v24+s20+$0x0], $0xffff;
	[tilespmem:s10+$0xFFFFFFD0] =	vst v16;
	v16 =	vadd.s32 v6, v9  }
0x18f: {  	v24 =	vadd.s32 v6, v10;
	[tilespmem:s18+$0x2000] =	vst v25;
	v19 =	vld.idx.msk [tilespmem:v19+s20+$0x0], $0xffff  }
0x190: {  	s26 =	sand.u32 $0x380, s16;
	v25 =	vld.idx.msk [tilespmem:v28+s20+$0x0], $0xffff;
	v28 =	vadd.s32 v1, v27;
	[tilespmem:s15+$0x2040] =	vst v21  }
0x191: {  	s2 =	sor.u32 s26, s2;
	v21 =	vadd.s32 v2, v13;
	v14 =	vld.idx.msk [tilespmem:v14+s20+$0x0], $0xffff;
	[tilespmem:s11+$0x2050] =	vst v17  }
0x192: {  	v17 =	vadd.s32 v2, v18;
	[tilespmem:s2+$0x2000] =	vst v20;
	v20 =	vld.idx.msk [tilespmem:v22+s20+$0x0], $0xffff  }
0x193: {  	v22 =	vadd.s32 v2, v26;
	v16 =	vld.idx.msk [tilespmem:v16+s20+$0x0], $0xffff;
	[tilespmem:s17+$0x2050] =	vst v15  }
0x194: {  	v15 =	vadd.s32 v6, v8;
	[tilespmem:s13+$0xFFFFFFA0] =	vst v23;
	v23 =	vld.idx.msk [tilespmem:v24+s20+$0x0], $0xffff;
	v24 =	vadd.s32 v6, v11  }
0x195: {  	v28 =	vld.idx.msk [tilespmem:v28+s20+$0x0], $0xffff;
	[tilespmem:s10+$0xFFFFFFE0] =	vst v19  }
0x196: {  	v19 =	vld.idx.msk [tilespmem:v21+s20+$0x0], $0xffff;
	[tilespmem:s14+$0x2010] =	vst v25;
	v21 =	vadd.s32 v7, v10;
	v10 =	vmov v26  }
0x197: {  	v26 =	vadd.s32 v7, v9;
	v9 =	vmov v18;
	v25 =	vld.idx.msk [tilespmem:v17+s20+$0x0], $0xffff;
	[tilespmem:s18+$0x2010] =	vst v14  }
0x198: {  	v29 =	vadd.s32 v2, v27;
	v22 =	vld.idx.msk [tilespmem:v22+s20+$0x0], $0xffff;
	[tilespmem:s15+$0x2050] =	vst v20  }
0x199: {  	v20 =	vadd.s32 v3, v9;
	[tilespmem:s11+$0x2060] =	vst v16;
	v24 =	vld.idx.msk [tilespmem:v24+s20+$0x0], $0xffff  }
0x19a: {  	v30 =	vadd.s32 v3, v10;
	v18 =	vld.idx.msk [tilespmem:v15+s20+$0x0], $0xffff;
	[tilespmem:s17+$0x2060] =	vst v23  }
.Ltmp8:
0x19b: {  	v14 =	vadd.s32 v7, v11;
	v16 =	vadd.s32 v7, v8;
	v8 =	vmov v13;
	[tilespmem:s2+$0x2010] =	vst v28;
	v17 =	vld.idx.msk [tilespmem:v21+s20+$0x0], $0xffff;
	(pc) =	sbr.rel @p2 .LBB2_13-.Ltmp8, $4  }
0x19c: {  	v11 =	vmov v27;
	[tilespmem:s13+$0xFFFFFFB0] =	vst v19;
	v15 =	vld.idx.msk [tilespmem:v26+s20+$0x0], $0xffff  }
0x19d: {  	v23 =	vadd.s32 v3, v8;
	[tilespmem:s14+$0x2020] =	vst v25;
	v21 =	vld.idx.msk [tilespmem:v29+s20+$0x0], $0xffff  }
0x19e: {  	v19 =	vld.idx.msk [tilespmem:v20+s20+$0x0], $0xffff;
	[tilespmem:s18+$0x2020] =	vst v22  }
0x19f: {  	v22 =	vadd.s32 v3, v11;
	v20 =	vld.idx.msk [tilespmem:v30+s20+$0x0], $0xffff;
	[tilespmem:s15+$0x2060] =	vst v24  }
0x1a0: {  	_ =	sdelay $0x3  }
0x1a1: {  	v13 =	vadd.s32 v4, v10;
	v46 =	vld.idx.msk [tilespmem:v23+s20+$0x0], $0xffff;
	[tilespmem:s2+$0x2020] =	vst v21  }
0x1a2: {  	v24 =	vadd.s32 v4, v8;
	v21 =	vld.idx.msk [tilespmem:v22+s20+$0x0], $0xffff  }
0x1a3: {  	v47 =	vadd.s32 v4, v11  }
0x1a4: {  	[tilespmem:s14+$0x2030] =	vst v19  }
0x1a5: {  	[tilespmem:s18+$0x2030] =	vst v20;
	v12 =	vld.idx.msk [tilespmem:v12+s20+$0x0], $0xffff  }
0x1a6: {  	v49 =	vadd.s32 v5, v9;
	v13 =	vld.idx.msk [tilespmem:v13+s20+$0x0], $0xffff;
	[tilespmem:s13+$0xFFFFFFC0] =	vst v46  }
0x1a7: {  	v48 =	vadd.s32 v5, v10;
	v22 =	vld.idx.msk [tilespmem:v24+s20+$0x0], $0xffff;
	[tilespmem:s2+$0x2030] =	vst v21  }
0x1a8: {  	v51 =	vadd.s32 v5, v8;
	v21 =	vld.idx.msk [tilespmem:v47+s20+$0x0], $0xffff  }
0x1a9: {  	v50 =	vadd.s32 v5, v11  }
0x1aa: {  	[tilespmem:s14+$0x2040] =	vst v12  }
0x1ab: {  	[tilespmem:s18+$0x2040] =	vst v13;
	v53 =	vld.idx.msk [tilespmem:v49+s20+$0x0], $0xffff  }
0x1ac: {  	v55 =	vadd.s32 v6, v9;
	v52 =	vld.idx.msk [tilespmem:v48+s20+$0x0], $0xffff;
	[tilespmem:s13+$0xFFFFFFD0] =	vst v22  }
0x1ad: {  	v54 =	vadd.s32 v6, v10;
	v22 =	vld.idx.msk [tilespmem:v51+s20+$0x0], $0xffff;
	[tilespmem:s2+$0x2040] =	vst v21  }
0x1ae: {  	v57 =	vadd.s32 v6, v8;
	v21 =	vld.idx.msk [tilespmem:v50+s20+$0x0], $0xffff  }
0x1af: {  	v56 =	vadd.s32 v6, v11;
	[tilespmem:s10+$0xFFFFFFF0] =	vst v18  }
0x1b0: {  	[tilespmem:s14+$0x2050] =	vst v53  }
0x1b1: {  	[tilespmem:s18+$0x2050] =	vst v52;
	v13 =	vld.idx.msk [tilespmem:v55+s20+$0x0], $0xffff  }
0x1b2: {  	v59 =	vadd.s32 v7, v9;
	v12 =	vld.idx.msk [tilespmem:v54+s20+$0x0], $0xffff;
	[tilespmem:s13+$0xFFFFFFE0] =	vst v22  }
0x1b3: {  	v58 =	vadd.s32 v7, v10;
	v61 =	vld.idx.msk [tilespmem:v57+s20+$0x0], $0xffff;
	[tilespmem:s2+$0x2050] =	vst v21  }
0x1b4: {  	[tilespmem:s17+$0x2070] =	vst v17;
	v8 =	vadd.s32 v7, v8;
	v60 =	vld.idx.msk [tilespmem:v56+s20+$0x0], $0xffff  }
0x1b5: {  	v62 =	vadd.s32 v7, v11;
	v14 =	vld.idx.msk [tilespmem:v14+s20+$0x0], $0xffff;
	[tilespmem:s11+$0x2070] =	vst v15  }
0x1b6: {  	v63 =	vld.idx.msk [tilespmem:v16+s20+$0x0], $0xffff;
	[tilespmem:s14+$0x2060] =	vst v13  }
0x1b7: {  	[tilespmem:s18+$0x2060] =	vst v12;
	v9 =	vld.idx.msk [tilespmem:v59+s20+$0x0], $0xffff  }
0x1b8: {  	v10 =	vld.idx.msk [tilespmem:v58+s20+$0x0], $0xffff;
	[tilespmem:s13+$0xFFFFFFF0] =	vst v61  }
0x1b9: {  	v8 =	vld.idx.msk [tilespmem:v8+s20+$0x0], $0xffff;
	[tilespmem:s2+$0x2060] =	vst v60  }
0x1ba: {  	[tilespmem:s15+$0x2070] =	vst v14;
	v11 =	vld.idx.msk [tilespmem:v62+s20+$0x0], $0xffff  }
0x1bb: {  	[tilespmem:s10+$0x0] =	vst v63  }
.Ltmp9:
0x1bc: {  	[tilespmem:s14+$0x2070] =	vst v9;
	(pc) =	sbr.rel @p1 .LBB2_16-.Ltmp9, $4  }
0x1bd: {  	[tilespmem:s18+$0x2070] =	vst v10  }
0x1be: {  	[tilespmem:s13+$0x0] =	vst v8  }
0x1bf: {  	s26 =	sadd.s32 s5, s7;
	s30 =	simm.s32 $0x12800;
	[tilespmem:s2+$0x2070] =	vst v11  }
0x1c0: {  	[hbm4b:s26+s21] =	stream.strided.scatter [tilespmem:s30], [sflag:$0x6], $0x2000, s22, s21, $0x38;
	[tilespmem:$0x18800] =	vst v63  }
.Ltmp10:
0x1c1: {  	(pc) =	sbr.rel .LBB2_17-.Ltmp10, $4  }
0x1c2: {  	_ = 	snop  }
0x1c3: {  	_ =	swait.ge [sflag:s28], $0x2000  }
0x1c4: {  	[sflag:s28] =	ssyncset.done $0x0  }
0x1c5: {  	[sflag:s28] =	ssyncadd.s32 $0xFFFFE000  }
.LBB2_16:
0x1c6: {  	s2 =	sshll.u32 s3, $0x9  }
0x1c7: {  	s2 =	sand.u32 $0x3FFFFE00, s2  }
.Ltmp11:
0x1c8: {  	s10 =	simm.s32 $0x8400;
	s2 =	sadd.s32 $0x280, s2;
	(pc) =	sbr.rel @p0 .LBB2_18-.Ltmp11, $4  }
0x1c9: {  	[tilespmem:s10], [sflag:$0x2] =	stream.indirect.gather [hbm4b:s4+s12], $0x40, s2, s12, $0xb8;
	[tilespmem:$0x18800] =	vst v63  }
0x1ca: {  	_ =	swait.ge [sflag:s28], $0x2000  }
0x1cb: {  	[sflag:s28] =	ssyncset.done $0x0  }
0x1cc: {  	[sflag:s28] =	ssyncadd.s32 $0xFFFFE000  }
.LBB2_17:
0x1cd: {  	_ =	swait.ge [sflag:s29], $0x2000  }
0x1ce: {  	[sflag:s29] =	ssyncset.done $0x0  }
0x1cf: {  	[sflag:s29] =	ssyncadd.s32 $0xFFFFE000  }
.LBB2_18:
0x1d0: {  	s13 =	simm.s32 $0xA5F0  }
0x1d1: {  	v8 =	vld [tilespmem:s13+$0xFFFFFFD0]  }
0x1d2: {  	v9 =	vld [tilespmem:s13+$0xFFFFFE50]  }
0x1d3: {  	v10 =	vld [tilespmem:s13+$0xFFFFFE90]  }
0x1d4: {  	v11 =	vld [tilespmem:s13+$0xFFFFFED0]  }
0x1d5: {  	s2 =	simm.s32 $0xE520;
	v12 =	vld [tilespmem:s13+$0xFFFFFF10]  }
0x1d6: {  	v13 =	vld [tilespmem:s13+$0xFFFFFF50];
	[tilespmem:s2+$0xD8] =	vst v8  }
0x1d7: {  	[tilespmem:s2+$0xFFFFFF28] =	vst v9;
	v9 =	vld [tilespmem:s13+$0xFFFFFF90]  }
0x1d8: {  	[tilespmem:s2+$0xFFFFFF70] =	vst v10;
	v10 =	vld [tilespmem:s13+$0xFFFFFE10]  }
0x1d9: {  	[tilespmem:s2+$0xFFFFFFB8] =	vst v11;
	v8 =	vld [tilespmem:s13+$0xFFFFFFE0]  }
0x1da: {  	[tilespmem:s2+$0x0] =	vst v12;
	v11 =	vld [tilespmem:s13+$0xFFFFFE60]  }
0x1db: {  	[tilespmem:s2+$0x48] =	vst v13;
	v12 =	vld [tilespmem:s13+$0xFFFFFEA0]  }
0x1dc: {  	v13 =	vld [tilespmem:s13+$0xFFFFFEE0];
	[tilespmem:s2+$0x90] =	vst v9  }
0x1dd: {  	[tilespmem:s2+$0xFFFFFEE0] =	vst v10;
	v9 =	vld [tilespmem:s13+$0xFFFFFF20]  }
0x1de: {  	[tilespmem:s2+$0xE8] =	vst v8;
	v10 =	vld [tilespmem:s13+$0xFFFFFE20]  }
0x1df: {  	[tilespmem:s2+$0xFFFFFF38] =	vst v11;
	v11 =	vld [tilespmem:s13+$0xFFFFFF60]  }
0x1e0: {  	[tilespmem:s2+$0xFFFFFF80] =	vst v12;
	v12 =	vld [tilespmem:s13+$0xFFFFFFA0]  }
0x1e1: {  	[tilespmem:s2+$0xFFFFFFC8] =	vst v13;
	v8 =	vld [tilespmem:s13+$0xFFFFFFF0]  }
0x1e2: {  	v13 =	vld [tilespmem:s13+$0xFFFFFE70];
	[tilespmem:s2+$0x10] =	vst v9  }
0x1e3: {  	v9 =	vld [tilespmem:s13+$0xFFFFFEB0];
	[tilespmem:s2+$0xFFFFFEF0] =	vst v10  }
0x1e4: {  	[tilespmem:s2+$0x58] =	vst v11;
	v11 =	vld [tilespmem:s13+$0xFFFFFEF0]  }
0x1e5: {  	[tilespmem:s2+$0xA0] =	vst v12;
	v10 =	vld [tilespmem:s13+$0xFFFFFE30]  }
0x1e6: {  	v12 =	vld [tilespmem:s13+$0xFFFFFF30];
	[tilespmem:s2+$0xF8] =	vst v8  }
0x1e7: {  	[tilespmem:s2+$0xFFFFFF48] =	vst v13;
	v13 =	vld [tilespmem:s13+$0xFFFFFF70]  }
0x1e8: {  	v8 =	vld [tilespmem:s13+$0x0];
	[tilespmem:s2+$0xFFFFFF90] =	vst v9  }
0x1e9: {  	v14 =	vld [tilespmem:s13+$0xFFFFFFB0];
	[tilespmem:s2+$0xFFFFFFD8] =	vst v11  }
0x1ea: {  	[tilespmem:s2+$0xFFFFFF00] =	vst v10;
	v10 =	vld [tilespmem:s13+$0xFFFFFE80]  }
0x1eb: {  	[tilespmem:s2+$0x20] =	vst v12;
	v15 =	vld [tilespmem:s13+$0xFFFFFE40]  }
0x1ec: {  	v11 =	vld [tilespmem:s13+$0xFFFFFEC0];
	[tilespmem:s2+$0x68] =	vst v13  }
0x1ed: {  	[tilespmem:s2+$0x108] =	vst v8;
	v8 =	vld [tilespmem:s13+$0xFFFFFF00]  }
0x1ee: {  	v9 =	vld [tilespmem:s13+$0xFFFFFF40];
	[tilespmem:s2+$0xB0] =	vst v14  }
0x1ef: {  	[tilespmem:s2+$0xFFFFFF58] =	vst v10;
	v10 =	vld [tilespmem:s13+$0xFFFFFF80]  }
0x1f0: {  	s11 =	simm.s32 $0x0;
	s10 =	simm.s32 $0x14870;
	v14 =	vld [tilespmem:s13+$0xFFFFFFC0];
	s13 =	simm.s32 $0xA7F0;
	[tilespmem:s2+$0xFFFFFF10] =	vst v15  }
.LBB2_19:
0x1f1: {  	v12 =	vld [tilespmem:s13+$0xFFFFFFD0];
	s11 =	sadd.s32 $0x8, s11;
	[tilespmem:s2+$0xFFFFFFA0] =	vst v11  }
0x1f2: {  	v11 =	vld [tilespmem:s13+$0xFFFFFE50];
	p2 =	slt.u32 s11, $0x78;
	[tilespmem:s2+$0xFFFFFFE8] =	vst v8  }
0x1f3: {  	v8 =	vld [tilespmem:s13+$0xFFFFFE90];
	[tilespmem:s2+$0x30] =	vst v9  }
0x1f4: {  	v9 =	vld [tilespmem:s13+$0xFFFFFED0];
	[tilespmem:s2+$0x78] =	vst v10  }
0x1f5: {  	v10 =	vld [tilespmem:s13+$0xFFFFFF10];
	[tilespmem:s2+$0xC0] =	vst v14;
	s2 =	sadd.s32 $0x240, s2  }
0x1f6: {  	v13 =	vld [tilespmem:s13+$0xFFFFFF50];
	[tilespmem:s2+$0xD8] =	vst v12  }
0x1f7: {  	[tilespmem:s2+$0xFFFFFF28] =	vst v11;
	v11 =	vld [tilespmem:s13+$0xFFFFFFE0]  }
0x1f8: {  	[tilespmem:s2+$0xFFFFFF70] =	vst v8;
	v8 =	vld [tilespmem:s13+$0xFFFFFF90]  }
0x1f9: {  	v12 =	vld [tilespmem:s13+$0xFFFFFE10];
	[tilespmem:s2+$0xFFFFFFB8] =	vst v9  }
0x1fa: {  	v9 =	vld [tilespmem:s13+$0xFFFFFE60];
	[tilespmem:s2+$0x0] =	vst v10  }
0x1fb: {  	v10 =	vld [tilespmem:s13+$0xFFFFFEA0];
	[tilespmem:s2+$0x48] =	vst v13  }
0x1fc: {  	v13 =	vld [tilespmem:s13+$0xFFFFFEE0];
	[tilespmem:s2+$0xE8] =	vst v11  }
0x1fd: {  	[tilespmem:s2+$0x90] =	vst v8;
	v8 =	vld [tilespmem:s13+$0xFFFFFFF0]  }
0x1fe: {  	[tilespmem:s2+$0xFFFFFEE0] =	vst v12;
	v11 =	vld [tilespmem:s13+$0xFFFFFF20]  }
0x1ff: {  	v12 =	vld [tilespmem:s13+$0xFFFFFE20];
	[tilespmem:s2+$0xFFFFFF38] =	vst v9  }
0x200: {  	[tilespmem:s2+$0xFFFFFF80] =	vst v10;
	v9 =	vld [tilespmem:s13+$0xFFFFFF60]  }
0x201: {  	[tilespmem:s2+$0xFFFFFFC8] =	vst v13;
	v10 =	vld [tilespmem:s13+$0xFFFFFFA0]  }
0x202: {  	v13 =	vld [tilespmem:s13+$0xFFFFFE70];
	[tilespmem:s2+$0xF8] =	vst v8  }
0x203: {  	[tilespmem:s2+$0x10] =	vst v11;
	v8 =	vld [tilespmem:s13+$0x0]  }
0x204: {  	[tilespmem:s2+$0xFFFFFEF0] =	vst v12;
	v11 =	vld [tilespmem:s13+$0xFFFFFEB0]  }
0x205: {  	v12 =	vld [tilespmem:s13+$0xFFFFFE30];
	[tilespmem:s2+$0x58] =	vst v9  }
0x206: {  	v9 =	vld [tilespmem:s13+$0xFFFFFEF0];
	[tilespmem:s2+$0xA0] =	vst v10  }
0x207: {  	[tilespmem:s2+$0xFFFFFF48] =	vst v13;
	v10 =	vld [tilespmem:s13+$0xFFFFFF30]  }
0x208: {  	s15 =	simm.s32 $0x0;
	s14 =	simm.s32 $0x180;
	v13 =	vld [tilespmem:s13+$0xFFFFFF70];
	[tilespmem:s2+$0x108] =	vst v8  }
0x209: {  	[tilespmem:s2+$0xFFFFFF90] =	vst v11;
	v14 =	vld [tilespmem:s13+$0xFFFFFFB0]  }
0x20a: {  	[tilespmem:s2+$0xFFFFFF00] =	vst v12;
	v12 =	vld [tilespmem:s13+$0xFFFFFE80]  }
0x20b: {  	v15 =	vld [tilespmem:s13+$0xFFFFFE40];
	[tilespmem:s2+$0xFFFFFFD8] =	vst v9  }
.Ltmp12:
0x20c: {  	v11 =	vld [tilespmem:s13+$0xFFFFFEC0];
	[tilespmem:s2+$0x20] =	vst v10;
	(pc) =	sbr.rel @p2 .LBB2_19-.Ltmp12, $4  }
0x20d: {  	v8 =	vld [tilespmem:s13+$0xFFFFFF00];
	[tilespmem:s2+$0x68] =	vst v13  }
0x20e: {  	v9 =	vld [tilespmem:s13+$0xFFFFFF40];
	[tilespmem:s2+$0xB0] =	vst v14  }
0x20f: {  	[tilespmem:s2+$0xFFFFFF58] =	vst v12;
	v10 =	vld [tilespmem:s13+$0xFFFFFF80]  }
0x210: {  	[tilespmem:s2+$0xFFFFFF10] =	vst v15;
	v14 =	vld [tilespmem:s13+$0xFFFFFFC0];
	s13 =	sadd.s32 $0x200, s13  }
0x211: {  	s11 =	simm.s32 $0x1  }
0x212: {  	s17 =	simm.s32 $0x2;
	v12 =	vmov s11  }
0x213: {  	v13 =	vmov s17;
	v12 =	vand.u32 $0x3D, v12  }
0x214: {  	[tilespmem:s2+$0xFFFFFFA0] =	vst v11;
	v15 =	vand.u32 $0x3E, v13;
	v11 =	vadd.s32 v0, v12  }
0x215: {  	[tilespmem:s2+$0xFFFFFFE8] =	vst v8;
	v8 =	vadd.s32 v0, v15  }
0x216: {  	s18 =	simm.s32 $0x3;
	[tilespmem:s2+$0x30] =	vst v9;
	v9 =	vmov s15  }
0x217: {  	[tilespmem:s2+$0x78] =	vst v10;
	v13 =	vand.u32 $0x3C, v9;
	v9 =	vmov s18  }
0x218: {  	[tilespmem:s2+$0xC0] =	vst v14;
	v10 =	vadd.s32 v0, v13;
	v14 =	vand.u32 $0x3F, v9  }
0x219: {  	v9 =	vadd.s32 v0, v14;
	v11 =	vld.idx.msk [tilespmem:v11+s20+$0x0], $0xffff  }
0x21a: {  	s23 =	simm.s32 $0x0;
	v16 =	vadd.s32 v1, v12;
	v8 =	vld.idx.msk [tilespmem:v8+s20+$0x0], $0xffff  }
0x21b: {  	s26 =	simm.s32 $0x80;
	v17 =	vadd.s32 v1, v15;
	s2 =	sand.u32 $0x1C00, s23  }
0x21c: {  	s13 =	simm.s32 $0x100;
	s11 =	sand.u32 $0x280, s26;
	s2 =	sadd.s32 $0x10800, s2  }
0x21d: {  	s13 =	sand.u32 $0x300, s13;
	s11 =	sor.u32 s11, s2;
	v10 =	vld.idx.msk [tilespmem:v10+s20+$0x0], $0xffff  }
0x21e: {  	v18 =	vadd.s32 v1, v13;
	s17 =	sor.u32 s13, s2;
	v9 =	vld.idx.msk [tilespmem:v9+s20+$0x0], $0xffff;
	[tilespmem:s11+$0x4000] =	vst v11  }
0x21f: {  	[tilespmem:s17+$0x4000] =	vst v8;
	v11 =	vadd.s32 v1, v14;
	v8 =	vld.idx.msk [tilespmem:v16+s20+$0x0], $0xffff  }
0x220: {  	v16 =	vld.idx.msk [tilespmem:v17+s20+$0x0], $0xffff;
	v17 =	vadd.s32 v2, v12  }
0x221: {  	s30 =	sand.u32 $0x380, s14;
	v19 =	vadd.s32 v2, v15  }
0x222: {  	s15 =	sor.u32 s30, s2;
	[tilespmem:s10+$0xFFFFFF90] =	vst v10  }
0x223: {  	v10 =	vld.idx.msk [tilespmem:v18+s20+$0x0], $0xffff;
	[tilespmem:s15+$0x4000] =	vst v9  }
0x224: {  	v9 =	vadd.s32 v2, v13;
	v11 =	vld.idx.msk [tilespmem:v11+s20+$0x0], $0xffff;
	[tilespmem:s11+$0x4010] =	vst v8  }
0x225: {  	[tilespmem:s17+$0x4010] =	vst v16;
	v16 =	vadd.s32 v2, v14;
	v8 =	vld.idx.msk [tilespmem:v17+s20+$0x0], $0xffff  }
0x226: {  	v18 =	vadd.s32 v3, v12;
	v17 =	vld.idx.msk [tilespmem:v19+s20+$0x0], $0xffff  }
0x227: {  	v19 =	vadd.s32 v3, v15  }
0x228: {  	[tilespmem:s10+$0xFFFFFFA0] =	vst v10  }
0x229: {  	v9 =	vld.idx.msk [tilespmem:v9+s20+$0x0], $0xffff;
	[tilespmem:s15+$0x4010] =	vst v11  }
0x22a: {  	v10 =	vadd.s32 v3, v13;
	v11 =	vld.idx.msk [tilespmem:v16+s20+$0x0], $0xffff;
	[tilespmem:s11+$0x4020] =	vst v8  }
0x22b: {  	s13 =	simm.s32 $0x4;
	[tilespmem:s17+$0x4020] =	vst v17;
	v17 =	vadd.s32 v3, v14;
	v16 =	vld.idx.msk [tilespmem:v18+s20+$0x0], $0xffff  }
0x22c: {  	s14 =	simm.s32 $0x5;
	v8 =	vmov s13;
	v18 =	vadd.s32 v4, v12;
	v19 =	vld.idx.msk [tilespmem:v19+s20+$0x0], $0xffff  }
0x22d: {  	v20 =	vmov s14;
	v21 =	vadd.s32 v4, v15;
	v8 =	vand.u32 $0x3C, v8  }
0x22e: {  	s16 =	simm.s32 $0x6;
	[tilespmem:s10+$0xFFFFFFB0] =	vst v9;
	v9 =	vand.u32 $0x3D, v20;
	v22 =	vadd.s32 v0, v8  }
0x22f: {  	v20 =	vmov s16;
	v23 =	vld.idx.msk [tilespmem:v10+s20+$0x0], $0xffff;
	v24 =	vadd.s32 v0, v9;
	[tilespmem:s15+$0x4020] =	vst v11  }
0x230: {  	s18 =	simm.s32 $0x7;
	v25 =	vadd.s32 v4, v13;
	v10 =	vand.u32 $0x3E, v20;
	[tilespmem:s11+$0x4030] =	vst v16;
	v16 =	vld.idx.msk [tilespmem:v17+s20+$0x0], $0xffff  }
0x231: {  	v11 =	vmov s18;
	v17 =	vadd.s32 v0, v10;
	[tilespmem:s17+$0x4030] =	vst v19;
	v18 =	vld.idx.msk [tilespmem:v18+s20+$0x0], $0xffff  }
0x232: {  	v20 =	vadd.s32 v4, v14;
	v11 =	vand.u32 $0x3F, v11;
	v19 =	vld.idx.msk [tilespmem:v21+s20+$0x0], $0xffff  }
0x233: {  	v26 =	vadd.s32 v0, v11;
	v21 =	vld.idx.msk [tilespmem:v22+s20+$0x0], $0xffff  }
0x234: {  	v22 =	vadd.s32 v5, v12;
	v24 =	vld.idx.msk [tilespmem:v24+s20+$0x0], $0xffff;
	[tilespmem:s10+$0xFFFFFFC0] =	vst v23  }
0x235: {  	v55 =	vadd.s32 v5, v15;
	v23 =	vld.idx.msk [tilespmem:v25+s20+$0x0], $0xffff  }
0x236: {  	s23 =	simm.s32 $0x200;
	v27 =	vadd.s32 v1, v8;
	v17 =	vld.idx.msk [tilespmem:v17+s20+$0x0], $0xffff;
	[tilespmem:s15+$0x4030] =	vst v16  }
0x237: {  	s26 =	simm.s32 $0x280;
	s2 =	sand.u32 $0x1C00, s23;
	s13 =	simm.s32 $0x14A70;
	v16 =	vadd.s32 v5, v13;
	[tilespmem:s11+$0x4040] =	vst v18;
	v18 =	vld.idx.msk [tilespmem:v20+s20+$0x0], $0xffff  }
0x238: {  	s30 =	sand.u32 $0x280, s26;
	s2 =	sadd.s32 $0x10800, s2;
	v20 =	vadd.s32 v1, v9;
	[tilespmem:s13+$0xFFFFFF90] =	vst v21;
	v21 =	vld.idx.msk [tilespmem:v26+s20+$0x0], $0xffff  }
0x239: {  	s14 =	sor.u32 s30, s2;
	s16 =	simm.s32 $0x300;
	[tilespmem:s17+$0x4040] =	vst v19;
	v19 =	vadd.s32 v1, v10;
	v22 =	vld.idx.msk [tilespmem:v22+s20+$0x0], $0xffff  }
0x23a: {  	v57 =	vadd.s32 v5, v14;
	s16 =	sand.u32 $0x300, s16;
	[tilespmem:s14+$0x4000] =	vst v24;
	v56 =	vld.idx.msk [tilespmem:v55+s20+$0x0], $0xffff  }
0x23b: {  	s18 =	sor.u32 s16, s2;
	s16 =	simm.s32 $0x380;
	v59 =	vadd.s32 v1, v11;
	v58 =	vld.idx.msk [tilespmem:v27+s20+$0x0], $0xffff;
	[tilespmem:s10+$0xFFFFFFD0] =	vst v23  }
0x23c: {  	s23 =	sand.u32 $0x380, s16;
	v23 =	vadd.s32 v6, v12;
	[tilespmem:s18+$0x4000] =	vst v17;
	v16 =	vld.idx.msk [tilespmem:v16+s20+$0x0], $0xffff  }
0x23d: {  	s2 =	sor.u32 s23, s2;
	v17 =	vadd.s32 v6, v15;
	v20 =	vld.idx.msk [tilespmem:v20+s20+$0x0], $0xffff;
	[tilespmem:s15+$0x4040] =	vst v18  }
0x23e: {  	v18 =	vadd.s32 v2, v8;
	v19 =	vld.idx.msk [tilespmem:v19+s20+$0x0], $0xffff;
	[tilespmem:s2+$0x4000] =	vst v21  }
0x23f: {  	v62 =	vadd.s32 v6, v13;
	[tilespmem:s11+$0x4050] =	vst v22;
	v21 =	vld.idx.msk [tilespmem:v57+s20+$0x0], $0xffff  }
0x240: {  	v22 =	vadd.s32 v2, v9;
	[tilespmem:s17+$0x4050] =	vst v56;
	v27 =	vld.idx.msk [tilespmem:v59+s20+$0x0], $0xffff  }
0x241: {  	v60 =	vadd.s32 v2, v10;
	[tilespmem:s13+$0xFFFFFFA0] =	vst v58;
	v23 =	vld.idx.msk [tilespmem:v23+s20+$0x0], $0xffff  }
0x242: {  	v61 =	vadd.s32 v6, v14;
	v17 =	vld.idx.msk [tilespmem:v17+s20+$0x0], $0xffff;
	[tilespmem:s10+$0xFFFFFFE0] =	vst v16  }
0x243: {  	v15 =	vadd.s32 v7, v15;
	v16 =	vld.idx.msk [tilespmem:v18+s20+$0x0], $0xffff;
	[tilespmem:s14+$0x4010] =	vst v20  }
0x244: {  	v12 =	vadd.s32 v7, v12;
	[tilespmem:s18+$0x4010] =	vst v19;
	v18 =	vld.idx.msk [tilespmem:v62+s20+$0x0], $0xffff  }
0x245: {  	v19 =	vadd.s32 v2, v11;
	v20 =	vld.idx.msk [tilespmem:v22+s20+$0x0], $0xffff;
	[tilespmem:s15+$0x4050] =	vst v21  }
0x246: {  	v63 =	vadd.s32 v3, v9;
	v22 =	vld.idx.msk [tilespmem:v60+s20+$0x0], $0xffff;
	[tilespmem:s2+$0x4010] =	vst v27  }
0x247: {  	v28 =	vadd.s32 v3, v10;
	v24 =	vld.idx.msk [tilespmem:v61+s20+$0x0], $0xffff;
	[tilespmem:s17+$0x4060] =	vst v17  }
0x248: {  	[tilespmem:s11+$0x4060] =	vst v23;
	v17 =	vld.idx.msk [tilespmem:v15+s20+$0x0], $0xffff  }
0x249: {  	v14 =	vadd.s32 v7, v14;
	[tilespmem:s13+$0xFFFFFFB0] =	vst v16;
	v15 =	vld.idx.msk [tilespmem:v12+s20+$0x0], $0xffff  }
0x24a: {  	v21 =	vld.idx.msk [tilespmem:v19+s20+$0x0], $0xffff;
	v16 =	vadd.s32 v7, v13;
	[tilespmem:s14+$0x4020] =	vst v20  }
0x24b: {  	v23 =	vadd.s32 v3, v8;
	[tilespmem:s18+$0x4020] =	vst v22;
	v19 =	vld.idx.msk [tilespmem:v63+s20+$0x0], $0xffff  }
0x24c: {  	s23 =	simm.s32 $0x8;
	v12 =	vadd.s32 v4, v9;
	v22 =	vadd.s32 v3, v11;
	v20 =	vld.idx.msk [tilespmem:v28+s20+$0x0], $0xffff;
	[tilespmem:s15+$0x4060] =	vst v24  }
.LBB2_21:
0x24d: {  	s26 =	sadd.s32 $0x1, s23  }
0x24e: {  	v13 =	vmov s23;
	p2 =	slt.u32 s23, $0x3C;
	v24 =	vadd.s32 v4, v8;
	[tilespmem:s10+$0xFFFFFFF0] =	vst v18;
	v14 =	vld.idx.msk [tilespmem:v14+s20+$0x0], $0xffff;
	s30 =	smov.u32 s23;
	s23 =	sadd.s32 $0x4, s23  }
0x24f: {  	v25 =	vadd.s32 v4, v10;
	v13 =	vand.u32 $0x3C, v13;
	v18 =	vmov s26;
	s26 =	sadd.s32 $0x2, s30;
	v16 =	vld.idx.msk [tilespmem:v16+s20+$0x0], $0xffff;
	[tilespmem:s17+$0x4070] =	vst v17;
	s17 =	smov.u32 s18  }
0x250: {  	s18 =	sadd.s32 $0x3, s30;
	v17 =	vadd.s32 v0, v13;
	v18 =	vand.u32 $0x3D, v18;
	v26 =	vmov s26;
	v23 =	vld.idx.msk [tilespmem:v23+s20+$0x0], $0xffff;
	[tilespmem:s11+$0x4070] =	vst v15;
	s11 =	smov.u32 s14  }
0x251: {  	v27 =	vmov s18;
	v15 =	vadd.s32 v0, v18;
	v26 =	vand.u32 $0x3E, v26;
	[tilespmem:s2+$0x4020] =	vst v21  }
0x252: {  	v21 =	vadd.s32 v4, v18;
	v27 =	vand.u32 $0x3F, v27;
	v28 =	vadd.s32 v0, v26;
	[tilespmem:s11+$0x4030] =	vst v19;
	v19 =	vld.idx.msk [tilespmem:v22+s20+$0x0], $0xffff  }
0x253: {  	v22 =	vadd.s32 v0, v27;
	v29 =	vld.idx.msk [tilespmem:v12+s20+$0x0], $0xffff;
	[tilespmem:s17+$0x4030] =	vst v20;
	v12 =	vmov v21  }
0x254: {  	v21 =	vadd.s32 v4, v11;
	v20 =	vld.idx.msk [tilespmem:v25+s20+$0x0], $0xffff;
	[tilespmem:s15+$0x4070] =	vst v14;
	s15 =	smov.u32 s2  }
0x255: {  	v14 =	vld.idx.msk [tilespmem:v17+s20+$0x0], $0xffff;
	v17 =	vadd.s32 v5, v9;
	[tilespmem:s10+$0x0] =	vst v16;
	s10 =	smov.u32 s13  }
0x256: {  	v15 =	vld.idx.msk [tilespmem:v15+s20+$0x0], $0xffff;
	[tilespmem:s13+$0xFFFFFFC0] =	vst v23  }
0x257: {  	s16 =	sadd.s32 $0x200, s16;
	v23 =	vadd.s32 v5, v10;
	v16 =	vld.idx.msk [tilespmem:v24+s20+$0x0], $0xffff  }
0x258: {  	s2 =	sadd.s32 $0xFFFFFE80, s16;
	v24 =	vadd.s32 v1, v13;
	v25 =	vld.idx.msk [tilespmem:v28+s20+$0x0], $0xffff;
	[tilespmem:s15+$0x4030] =	vst v19  }
0x259: {  	s14 =	sadd.s32 $0xFFFFFF00, s16;
	s2 =	sand.u32 $0x1C00, s2;
	v19 =	vadd.s32 v5, v8;
	[tilespmem:s11+$0x4040] =	vst v29;
	v21 =	vld.idx.msk [tilespmem:v21+s20+$0x0], $0xffff  }
0x25a: {  	s14 =	sand.u32 $0x280, s14;
	s2 =	sadd.s32 $0x10800, s2;
	s13 =	sadd.s32 $0x200, s13;
	v28 =	vadd.s32 v1, v18;
	v17 =	vld.idx.msk [tilespmem:v17+s20+$0x0], $0xffff;
	[tilespmem:s17+$0x4040] =	vst v20  }
0x25b: {  	s18 =	sadd.s32 $0xFFFFFF80, s16;
	s14 =	sor.u32 s14, s2;
	[tilespmem:s13+$0xFFFFFF90] =	vst v14;
	v14 =	vadd.s32 v1, v26;
	v20 =	vld.idx.msk [tilespmem:v22+s20+$0x0], $0xffff  }
0x25c: {  	s18 =	sand.u32 $0x300, s18;
	v22 =	vadd.s32 v5, v11;
	[tilespmem:s14+$0x4000] =	vst v15;
	v15 =	vld.idx.msk [tilespmem:v23+s20+$0x0], $0xffff  }
0x25d: {  	s18 =	sor.u32 s18, s2;
	v23 =	vld.idx.msk [tilespmem:v24+s20+$0x0], $0xffff;
	[tilespmem:s10+$0xFFFFFFD0] =	vst v16;
	v16 =	vadd.s32 v6, v9  }
0x25e: {  	v24 =	vadd.s32 v6, v10;
	[tilespmem:s18+$0x4000] =	vst v25;
	v19 =	vld.idx.msk [tilespmem:v19+s20+$0x0], $0xffff  }
0x25f: {  	s26 =	sand.u32 $0x380, s16;
	v25 =	vld.idx.msk [tilespmem:v28+s20+$0x0], $0xffff;
	v28 =	vadd.s32 v1, v27;
	[tilespmem:s15+$0x4040] =	vst v21  }
0x260: {  	s2 =	sor.u32 s26, s2;
	v21 =	vadd.s32 v2, v13;
	v14 =	vld.idx.msk [tilespmem:v14+s20+$0x0], $0xffff;
	[tilespmem:s11+$0x4050] =	vst v17  }
0x261: {  	v17 =	vadd.s32 v2, v18;
	[tilespmem:s2+$0x4000] =	vst v20;
	v20 =	vld.idx.msk [tilespmem:v22+s20+$0x0], $0xffff  }
0x262: {  	v22 =	vadd.s32 v2, v26;
	v16 =	vld.idx.msk [tilespmem:v16+s20+$0x0], $0xffff;
	[tilespmem:s17+$0x4050] =	vst v15  }
0x263: {  	v15 =	vadd.s32 v6, v8;
	[tilespmem:s13+$0xFFFFFFA0] =	vst v23;
	v23 =	vld.idx.msk [tilespmem:v24+s20+$0x0], $0xffff;
	v24 =	vadd.s32 v6, v11  }
0x264: {  	v28 =	vld.idx.msk [tilespmem:v28+s20+$0x0], $0xffff;
	[tilespmem:s10+$0xFFFFFFE0] =	vst v19  }
0x265: {  	v19 =	vld.idx.msk [tilespmem:v21+s20+$0x0], $0xffff;
	[tilespmem:s14+$0x4010] =	vst v25;
	v21 =	vadd.s32 v7, v10;
	v10 =	vmov v26  }
0x266: {  	v26 =	vadd.s32 v7, v9;
	v9 =	vmov v18;
	v25 =	vld.idx.msk [tilespmem:v17+s20+$0x0], $0xffff;
	[tilespmem:s18+$0x4010] =	vst v14  }
0x267: {  	v29 =	vadd.s32 v2, v27;
	v22 =	vld.idx.msk [tilespmem:v22+s20+$0x0], $0xffff;
	[tilespmem:s15+$0x4050] =	vst v20  }
0x268: {  	v20 =	vadd.s32 v3, v9;
	[tilespmem:s11+$0x4060] =	vst v16;
	v24 =	vld.idx.msk [tilespmem:v24+s20+$0x0], $0xffff  }
0x269: {  	v30 =	vadd.s32 v3, v10;
	v18 =	vld.idx.msk [tilespmem:v15+s20+$0x0], $0xffff;
	[tilespmem:s17+$0x4060] =	vst v23  }
.Ltmp13:
0x26a: {  	v14 =	vadd.s32 v7, v11;
	v16 =	vadd.s32 v7, v8;
	v8 =	vmov v13;
	[tilespmem:s2+$0x4010] =	vst v28;
	v17 =	vld.idx.msk [tilespmem:v21+s20+$0x0], $0xffff;
	(pc) =	sbr.rel @p2 .LBB2_21-.Ltmp13, $4  }
0x26b: {  	v11 =	vmov v27;
	[tilespmem:s13+$0xFFFFFFB0] =	vst v19;
	v15 =	vld.idx.msk [tilespmem:v26+s20+$0x0], $0xffff  }
0x26c: {  	v23 =	vadd.s32 v3, v8;
	[tilespmem:s14+$0x4020] =	vst v25;
	v21 =	vld.idx.msk [tilespmem:v29+s20+$0x0], $0xffff  }
0x26d: {  	v19 =	vld.idx.msk [tilespmem:v20+s20+$0x0], $0xffff;
	[tilespmem:s18+$0x4020] =	vst v22  }
0x26e: {  	v22 =	vadd.s32 v3, v11;
	v20 =	vld.idx.msk [tilespmem:v30+s20+$0x0], $0xffff;
	[tilespmem:s15+$0x4060] =	vst v24  }
0x26f: {  	_ =	sdelay $0x3  }
0x270: {  	v13 =	vadd.s32 v4, v10;
	v46 =	vld.idx.msk [tilespmem:v23+s20+$0x0], $0xffff;
	[tilespmem:s2+$0x4020] =	vst v21  }
0x271: {  	v24 =	vadd.s32 v4, v8;
	v21 =	vld.idx.msk [tilespmem:v22+s20+$0x0], $0xffff  }
0x272: {  	v47 =	vadd.s32 v4, v11  }
0x273: {  	[tilespmem:s14+$0x4030] =	vst v19  }
0x274: {  	[tilespmem:s18+$0x4030] =	vst v20;
	v12 =	vld.idx.msk [tilespmem:v12+s20+$0x0], $0xffff  }
0x275: {  	v49 =	vadd.s32 v5, v9;
	v13 =	vld.idx.msk [tilespmem:v13+s20+$0x0], $0xffff;
	[tilespmem:s13+$0xFFFFFFC0] =	vst v46  }
0x276: {  	v48 =	vadd.s32 v5, v10;
	v22 =	vld.idx.msk [tilespmem:v24+s20+$0x0], $0xffff;
	[tilespmem:s2+$0x4030] =	vst v21  }
0x277: {  	v51 =	vadd.s32 v5, v8;
	v21 =	vld.idx.msk [tilespmem:v47+s20+$0x0], $0xffff  }
0x278: {  	v50 =	vadd.s32 v5, v11  }
0x279: {  	[tilespmem:s14+$0x4040] =	vst v12  }
0x27a: {  	[tilespmem:s18+$0x4040] =	vst v13;
	v53 =	vld.idx.msk [tilespmem:v49+s20+$0x0], $0xffff  }
0x27b: {  	v55 =	vadd.s32 v6, v9;
	v52 =	vld.idx.msk [tilespmem:v48+s20+$0x0], $0xffff;
	[tilespmem:s13+$0xFFFFFFD0] =	vst v22  }
0x27c: {  	v54 =	vadd.s32 v6, v10;
	v22 =	vld.idx.msk [tilespmem:v51+s20+$0x0], $0xffff;
	[tilespmem:s2+$0x4040] =	vst v21  }
0x27d: {  	v57 =	vadd.s32 v6, v8;
	v21 =	vld.idx.msk [tilespmem:v50+s20+$0x0], $0xffff  }
0x27e: {  	v56 =	vadd.s32 v6, v11;
	[tilespmem:s10+$0xFFFFFFF0] =	vst v18  }
0x27f: {  	[tilespmem:s14+$0x4050] =	vst v53  }
0x280: {  	[tilespmem:s18+$0x4050] =	vst v52;
	v13 =	vld.idx.msk [tilespmem:v55+s20+$0x0], $0xffff  }
0x281: {  	v59 =	vadd.s32 v7, v9;
	v12 =	vld.idx.msk [tilespmem:v54+s20+$0x0], $0xffff;
	[tilespmem:s13+$0xFFFFFFE0] =	vst v22  }
0x282: {  	v58 =	vadd.s32 v7, v10;
	v61 =	vld.idx.msk [tilespmem:v57+s20+$0x0], $0xffff;
	[tilespmem:s2+$0x4050] =	vst v21  }
0x283: {  	[tilespmem:s17+$0x4070] =	vst v17;
	v8 =	vadd.s32 v7, v8;
	v60 =	vld.idx.msk [tilespmem:v56+s20+$0x0], $0xffff  }
0x284: {  	v62 =	vadd.s32 v7, v11;
	v14 =	vld.idx.msk [tilespmem:v14+s20+$0x0], $0xffff;
	[tilespmem:s11+$0x4070] =	vst v15  }
0x285: {  	v63 =	vld.idx.msk [tilespmem:v16+s20+$0x0], $0xffff;
	[tilespmem:s14+$0x4060] =	vst v13  }
0x286: {  	[tilespmem:s18+$0x4060] =	vst v12;
	v9 =	vld.idx.msk [tilespmem:v59+s20+$0x0], $0xffff  }
0x287: {  	v10 =	vld.idx.msk [tilespmem:v58+s20+$0x0], $0xffff;
	[tilespmem:s13+$0xFFFFFFF0] =	vst v61  }
0x288: {  	v8 =	vld.idx.msk [tilespmem:v8+s20+$0x0], $0xffff;
	[tilespmem:s2+$0x4060] =	vst v60  }
0x289: {  	[tilespmem:s15+$0x4070] =	vst v14;
	v11 =	vld.idx.msk [tilespmem:v62+s20+$0x0], $0xffff  }
0x28a: {  	[tilespmem:s10+$0x0] =	vst v63  }
.Ltmp14:
0x28b: {  	[tilespmem:s14+$0x4070] =	vst v9;
	(pc) =	sbr.rel @p1 .LBB2_24-.Ltmp14, $4  }
0x28c: {  	[tilespmem:s18+$0x4070] =	vst v10  }
0x28d: {  	[tilespmem:s13+$0x0] =	vst v8  }
0x28e: {  	s26 =	sadd.s32 s5, s8;
	s30 =	simm.s32 $0x14800;
	[tilespmem:s2+$0x4070] =	vst v11  }
0x28f: {  	[hbm4b:s26+s21] =	stream.strided.scatter [tilespmem:s30], [sflag:$0x7], $0x2000, s22, s21, $0x38;
	[tilespmem:$0x18800] =	vst v63  }
.Ltmp15:
0x290: {  	(pc) =	sbr.rel .LBB2_25-.Ltmp15, $4  }
0x291: {  	_ = 	snop  }
0x292: {  	_ =	swait.ge [sflag:s31], $0x2000  }
0x293: {  	[sflag:s31] =	ssyncset.done $0x0  }
0x294: {  	[sflag:s31] =	ssyncadd.s32 $0xFFFFE000  }
.LBB2_24:
0x295: {  	s2 =	sshll.u32 s3, $0x9  }
0x296: {  	s2 =	sand.u32 $0x3FFFFE00, s2  }
.Ltmp16:
0x297: {  	s10 =	simm.s32 $0xA400;
	s2 =	sadd.s32 $0x300, s2;
	(pc) =	sbr.rel @p0 .LBB2_26-.Ltmp16, $4  }
0x298: {  	[tilespmem:s10], [sflag:$0x3] =	stream.indirect.gather [hbm4b:s4+s12], $0x40, s2, s12, $0xb8;
	[tilespmem:$0x18800] =	vst v63  }
0x299: {  	_ =	swait.ge [sflag:s31], $0x2000  }
0x29a: {  	[sflag:s31] =	ssyncset.done $0x0  }
0x29b: {  	[sflag:s31] =	ssyncadd.s32 $0xFFFFE000  }
.LBB2_25:
0x29c: {  	_ =	swait.ge [sflag:s1], $0x2000  }
0x29d: {  	[sflag:s1] =	ssyncset.done $0x0  }
0x29e: {  	[sflag:s1] =	ssyncadd.s32 $0xFFFFE000  }
.LBB2_26:
0x29f: {  	s13 =	simm.s32 $0xC5F0  }
0x2a0: {  	v8 =	vld [tilespmem:s13+$0xFFFFFFD0]  }
0x2a1: {  	v9 =	vld [tilespmem:s13+$0xFFFFFE50]  }
0x2a2: {  	v10 =	vld [tilespmem:s13+$0xFFFFFE90]  }
0x2a3: {  	v11 =	vld [tilespmem:s13+$0xFFFFFED0]  }
0x2a4: {  	s2 =	simm.s32 $0xE520;
	v12 =	vld [tilespmem:s13+$0xFFFFFF10]  }
0x2a5: {  	v13 =	vld [tilespmem:s13+$0xFFFFFF50];
	[tilespmem:s2+$0xD8] =	vst v8  }
0x2a6: {  	[tilespmem:s2+$0xFFFFFF28] =	vst v9;
	v9 =	vld [tilespmem:s13+$0xFFFFFF90]  }
0x2a7: {  	[tilespmem:s2+$0xFFFFFF70] =	vst v10;
	v10 =	vld [tilespmem:s13+$0xFFFFFE10]  }
0x2a8: {  	[tilespmem:s2+$0xFFFFFFB8] =	vst v11;
	v8 =	vld [tilespmem:s13+$0xFFFFFFE0]  }
0x2a9: {  	[tilespmem:s2+$0x0] =	vst v12;
	v11 =	vld [tilespmem:s13+$0xFFFFFE60]  }
0x2aa: {  	[tilespmem:s2+$0x48] =	vst v13;
	v12 =	vld [tilespmem:s13+$0xFFFFFEA0]  }
0x2ab: {  	v13 =	vld [tilespmem:s13+$0xFFFFFEE0];
	[tilespmem:s2+$0x90] =	vst v9  }
0x2ac: {  	[tilespmem:s2+$0xFFFFFEE0] =	vst v10;
	v9 =	vld [tilespmem:s13+$0xFFFFFF20]  }
0x2ad: {  	[tilespmem:s2+$0xE8] =	vst v8;
	v10 =	vld [tilespmem:s13+$0xFFFFFE20]  }
0x2ae: {  	[tilespmem:s2+$0xFFFFFF38] =	vst v11;
	v11 =	vld [tilespmem:s13+$0xFFFFFF60]  }
0x2af: {  	[tilespmem:s2+$0xFFFFFF80] =	vst v12;
	v12 =	vld [tilespmem:s13+$0xFFFFFFA0]  }
0x2b0: {  	[tilespmem:s2+$0xFFFFFFC8] =	vst v13;
	v8 =	vld [tilespmem:s13+$0xFFFFFFF0]  }
0x2b1: {  	v13 =	vld [tilespmem:s13+$0xFFFFFE70];
	[tilespmem:s2+$0x10] =	vst v9  }
0x2b2: {  	v9 =	vld [tilespmem:s13+$0xFFFFFEB0];
	[tilespmem:s2+$0xFFFFFEF0] =	vst v10  }
0x2b3: {  	[tilespmem:s2+$0x58] =	vst v11;
	v11 =	vld [tilespmem:s13+$0xFFFFFEF0]  }
0x2b4: {  	[tilespmem:s2+$0xA0] =	vst v12;
	v10 =	vld [tilespmem:s13+$0xFFFFFE30]  }
0x2b5: {  	v12 =	vld [tilespmem:s13+$0xFFFFFF30];
	[tilespmem:s2+$0xF8] =	vst v8  }
0x2b6: {  	[tilespmem:s2+$0xFFFFFF48] =	vst v13;
	v13 =	vld [tilespmem:s13+$0xFFFFFF70]  }
0x2b7: {  	v8 =	vld [tilespmem:s13+$0x0];
	[tilespmem:s2+$0xFFFFFF90] =	vst v9  }
0x2b8: {  	v14 =	vld [tilespmem:s13+$0xFFFFFFB0];
	[tilespmem:s2+$0xFFFFFFD8] =	vst v11  }
0x2b9: {  	[tilespmem:s2+$0xFFFFFF00] =	vst v10;
	v10 =	vld [tilespmem:s13+$0xFFFFFE80]  }
0x2ba: {  	[tilespmem:s2+$0x20] =	vst v12;
	v15 =	vld [tilespmem:s13+$0xFFFFFE40]  }
0x2bb: {  	v11 =	vld [tilespmem:s13+$0xFFFFFEC0];
	[tilespmem:s2+$0x68] =	vst v13  }
0x2bc: {  	[tilespmem:s2+$0x108] =	vst v8;
	v8 =	vld [tilespmem:s13+$0xFFFFFF00]  }
0x2bd: {  	v9 =	vld [tilespmem:s13+$0xFFFFFF40];
	[tilespmem:s2+$0xB0] =	vst v14  }
0x2be: {  	[tilespmem:s2+$0xFFFFFF58] =	vst v10;
	v10 =	vld [tilespmem:s13+$0xFFFFFF80]  }
0x2bf: {  	s11 =	simm.s32 $0x0;
	s10 =	simm.s32 $0x16870;
	v14 =	vld [tilespmem:s13+$0xFFFFFFC0];
	s13 =	simm.s32 $0xC7F0;
	[tilespmem:s2+$0xFFFFFF10] =	vst v15  }
.LBB2_27:
0x2c0: {  	v12 =	vld [tilespmem:s13+$0xFFFFFFD0];
	s11 =	sadd.s32 $0x8, s11;
	[tilespmem:s2+$0xFFFFFFA0] =	vst v11  }
0x2c1: {  	v11 =	vld [tilespmem:s13+$0xFFFFFE50];
	p0 =	slt.u32 s11, $0x78;
	[tilespmem:s2+$0xFFFFFFE8] =	vst v8  }
0x2c2: {  	v8 =	vld [tilespmem:s13+$0xFFFFFE90];
	[tilespmem:s2+$0x30] =	vst v9  }
0x2c3: {  	v9 =	vld [tilespmem:s13+$0xFFFFFED0];
	[tilespmem:s2+$0x78] =	vst v10  }
0x2c4: {  	v10 =	vld [tilespmem:s13+$0xFFFFFF10];
	[tilespmem:s2+$0xC0] =	vst v14;
	s2 =	sadd.s32 $0x240, s2  }
0x2c5: {  	v13 =	vld [tilespmem:s13+$0xFFFFFF50];
	[tilespmem:s2+$0xD8] =	vst v12  }
0x2c6: {  	[tilespmem:s2+$0xFFFFFF28] =	vst v11;
	v11 =	vld [tilespmem:s13+$0xFFFFFFE0]  }
0x2c7: {  	[tilespmem:s2+$0xFFFFFF70] =	vst v8;
	v8 =	vld [tilespmem:s13+$0xFFFFFF90]  }
0x2c8: {  	v12 =	vld [tilespmem:s13+$0xFFFFFE10];
	[tilespmem:s2+$0xFFFFFFB8] =	vst v9  }
0x2c9: {  	v9 =	vld [tilespmem:s13+$0xFFFFFE60];
	[tilespmem:s2+$0x0] =	vst v10  }
0x2ca: {  	v10 =	vld [tilespmem:s13+$0xFFFFFEA0];
	[tilespmem:s2+$0x48] =	vst v13  }
0x2cb: {  	v13 =	vld [tilespmem:s13+$0xFFFFFEE0];
	[tilespmem:s2+$0xE8] =	vst v11  }
0x2cc: {  	[tilespmem:s2+$0x90] =	vst v8;
	v8 =	vld [tilespmem:s13+$0xFFFFFFF0]  }
0x2cd: {  	[tilespmem:s2+$0xFFFFFEE0] =	vst v12;
	v11 =	vld [tilespmem:s13+$0xFFFFFF20]  }
0x2ce: {  	v12 =	vld [tilespmem:s13+$0xFFFFFE20];
	[tilespmem:s2+$0xFFFFFF38] =	vst v9  }
0x2cf: {  	[tilespmem:s2+$0xFFFFFF80] =	vst v10;
	v9 =	vld [tilespmem:s13+$0xFFFFFF60]  }
0x2d0: {  	[tilespmem:s2+$0xFFFFFFC8] =	vst v13;
	v10 =	vld [tilespmem:s13+$0xFFFFFFA0]  }
0x2d1: {  	v13 =	vld [tilespmem:s13+$0xFFFFFE70];
	[tilespmem:s2+$0xF8] =	vst v8  }
0x2d2: {  	[tilespmem:s2+$0x10] =	vst v11;
	v8 =	vld [tilespmem:s13+$0x0]  }
0x2d3: {  	[tilespmem:s2+$0xFFFFFEF0] =	vst v12;
	v11 =	vld [tilespmem:s13+$0xFFFFFEB0]  }
0x2d4: {  	v12 =	vld [tilespmem:s13+$0xFFFFFE30];
	[tilespmem:s2+$0x58] =	vst v9  }
0x2d5: {  	v9 =	vld [tilespmem:s13+$0xFFFFFEF0];
	[tilespmem:s2+$0xA0] =	vst v10  }
0x2d6: {  	[tilespmem:s2+$0xFFFFFF48] =	vst v13;
	v10 =	vld [tilespmem:s13+$0xFFFFFF30]  }
0x2d7: {  	s15 =	simm.s32 $0x0;
	s14 =	simm.s32 $0x180;
	v13 =	vld [tilespmem:s13+$0xFFFFFF70];
	[tilespmem:s2+$0x108] =	vst v8  }
0x2d8: {  	[tilespmem:s2+$0xFFFFFF90] =	vst v11;
	v14 =	vld [tilespmem:s13+$0xFFFFFFB0]  }
0x2d9: {  	[tilespmem:s2+$0xFFFFFF00] =	vst v12;
	v12 =	vld [tilespmem:s13+$0xFFFFFE80]  }
0x2da: {  	v15 =	vld [tilespmem:s13+$0xFFFFFE40];
	[tilespmem:s2+$0xFFFFFFD8] =	vst v9  }
.Ltmp17:
0x2db: {  	v11 =	vld [tilespmem:s13+$0xFFFFFEC0];
	[tilespmem:s2+$0x20] =	vst v10;
	(pc) =	sbr.rel @p0 .LBB2_27-.Ltmp17, $4  }
0x2dc: {  	v8 =	vld [tilespmem:s13+$0xFFFFFF00];
	[tilespmem:s2+$0x68] =	vst v13  }
0x2dd: {  	v9 =	vld [tilespmem:s13+$0xFFFFFF40];
	[tilespmem:s2+$0xB0] =	vst v14  }
0x2de: {  	[tilespmem:s2+$0xFFFFFF58] =	vst v12;
	v10 =	vld [tilespmem:s13+$0xFFFFFF80]  }
0x2df: {  	[tilespmem:s2+$0xFFFFFF10] =	vst v15;
	v14 =	vld [tilespmem:s13+$0xFFFFFFC0];
	s13 =	sadd.s32 $0x200, s13  }
0x2e0: {  	s11 =	simm.s32 $0x1  }
0x2e1: {  	s17 =	simm.s32 $0x2;
	v12 =	vmov s11  }
0x2e2: {  	v13 =	vmov s17;
	v12 =	vand.u32 $0x3D, v12  }
0x2e3: {  	[tilespmem:s2+$0xFFFFFFA0] =	vst v11;
	v15 =	vand.u32 $0x3E, v13;
	v11 =	vadd.s32 v0, v12  }
0x2e4: {  	[tilespmem:s2+$0xFFFFFFE8] =	vst v8;
	v8 =	vadd.s32 v0, v15  }
0x2e5: {  	s18 =	simm.s32 $0x3;
	[tilespmem:s2+$0x30] =	vst v9;
	v9 =	vmov s15  }
0x2e6: {  	[tilespmem:s2+$0x78] =	vst v10;
	v13 =	vand.u32 $0x3C, v9;
	v9 =	vmov s18  }
0x2e7: {  	[tilespmem:s2+$0xC0] =	vst v14;
	v10 =	vadd.s32 v0, v13;
	v14 =	vand.u32 $0x3F, v9  }
0x2e8: {  	v9 =	vadd.s32 v0, v14;
	v11 =	vld.idx.msk [tilespmem:v11+s20+$0x0], $0xffff  }
0x2e9: {  	s23 =	simm.s32 $0x0;
	v16 =	vadd.s32 v1, v12;
	v8 =	vld.idx.msk [tilespmem:v8+s20+$0x0], $0xffff  }
0x2ea: {  	s26 =	simm.s32 $0x80;
	v17 =	vadd.s32 v1, v15;
	s2 =	sand.u32 $0x1C00, s23  }
0x2eb: {  	s13 =	simm.s32 $0x100;
	s11 =	sand.u32 $0x280, s26;
	s2 =	sadd.s32 $0x10800, s2  }
0x2ec: {  	s13 =	sand.u32 $0x300, s13;
	s11 =	sor.u32 s11, s2;
	v10 =	vld.idx.msk [tilespmem:v10+s20+$0x0], $0xffff  }
0x2ed: {  	v18 =	vadd.s32 v1, v13;
	s17 =	sor.u32 s13, s2;
	v9 =	vld.idx.msk [tilespmem:v9+s20+$0x0], $0xffff;
	[tilespmem:s11+$0x6000] =	vst v11  }
0x2ee: {  	[tilespmem:s17+$0x6000] =	vst v8;
	v11 =	vadd.s32 v1, v14;
	v8 =	vld.idx.msk [tilespmem:v16+s20+$0x0], $0xffff  }
0x2ef: {  	v16 =	vld.idx.msk [tilespmem:v17+s20+$0x0], $0xffff;
	v17 =	vadd.s32 v2, v12  }
0x2f0: {  	s30 =	sand.u32 $0x380, s14;
	v19 =	vadd.s32 v2, v15  }
0x2f1: {  	s15 =	sor.u32 s30, s2;
	[tilespmem:s10+$0xFFFFFF90] =	vst v10  }
0x2f2: {  	v10 =	vld.idx.msk [tilespmem:v18+s20+$0x0], $0xffff;
	[tilespmem:s15+$0x6000] =	vst v9  }
0x2f3: {  	v9 =	vadd.s32 v2, v13;
	v11 =	vld.idx.msk [tilespmem:v11+s20+$0x0], $0xffff;
	[tilespmem:s11+$0x6010] =	vst v8  }
0x2f4: {  	[tilespmem:s17+$0x6010] =	vst v16;
	v16 =	vadd.s32 v2, v14;
	v8 =	vld.idx.msk [tilespmem:v17+s20+$0x0], $0xffff  }
0x2f5: {  	v18 =	vadd.s32 v3, v12;
	v17 =	vld.idx.msk [tilespmem:v19+s20+$0x0], $0xffff  }
0x2f6: {  	v19 =	vadd.s32 v3, v15  }
0x2f7: {  	[tilespmem:s10+$0xFFFFFFA0] =	vst v10  }
0x2f8: {  	v9 =	vld.idx.msk [tilespmem:v9+s20+$0x0], $0xffff;
	[tilespmem:s15+$0x6010] =	vst v11  }
0x2f9: {  	v10 =	vadd.s32 v3, v13;
	v11 =	vld.idx.msk [tilespmem:v16+s20+$0x0], $0xffff;
	[tilespmem:s11+$0x6020] =	vst v8  }
0x2fa: {  	s13 =	simm.s32 $0x4;
	[tilespmem:s17+$0x6020] =	vst v17;
	v17 =	vadd.s32 v3, v14;
	v16 =	vld.idx.msk [tilespmem:v18+s20+$0x0], $0xffff  }
0x2fb: {  	s14 =	simm.s32 $0x5;
	v8 =	vmov s13;
	v18 =	vadd.s32 v4, v12;
	v19 =	vld.idx.msk [tilespmem:v19+s20+$0x0], $0xffff  }
0x2fc: {  	v20 =	vmov s14;
	v21 =	vadd.s32 v4, v15;
	v8 =	vand.u32 $0x3C, v8  }
0x2fd: {  	s16 =	simm.s32 $0x6;
	[tilespmem:s10+$0xFFFFFFB0] =	vst v9;
	v9 =	vand.u32 $0x3D, v20;
	v22 =	vadd.s32 v0, v8  }
0x2fe: {  	v20 =	vmov s16;
	v23 =	vld.idx.msk [tilespmem:v10+s20+$0x0], $0xffff;
	v24 =	vadd.s32 v0, v9;
	[tilespmem:s15+$0x6020] =	vst v11  }
0x2ff: {  	s18 =	simm.s32 $0x7;
	v25 =	vadd.s32 v4, v13;
	v10 =	vand.u32 $0x3E, v20;
	[tilespmem:s11+$0x6030] =	vst v16;
	v16 =	vld.idx.msk [tilespmem:v17+s20+$0x0], $0xffff  }
0x300: {  	v11 =	vmov s18;
	v17 =	vadd.s32 v0, v10;
	[tilespmem:s17+$0x6030] =	vst v19;
	v18 =	vld.idx.msk [tilespmem:v18+s20+$0x0], $0xffff  }
0x301: {  	v20 =	vadd.s32 v4, v14;
	v11 =	vand.u32 $0x3F, v11;
	v19 =	vld.idx.msk [tilespmem:v21+s20+$0x0], $0xffff  }
0x302: {  	v26 =	vadd.s32 v0, v11;
	v21 =	vld.idx.msk [tilespmem:v22+s20+$0x0], $0xffff  }
0x303: {  	v22 =	vadd.s32 v5, v12;
	v24 =	vld.idx.msk [tilespmem:v24+s20+$0x0], $0xffff;
	[tilespmem:s10+$0xFFFFFFC0] =	vst v23  }
0x304: {  	v55 =	vadd.s32 v5, v15;
	v23 =	vld.idx.msk [tilespmem:v25+s20+$0x0], $0xffff  }
0x305: {  	s23 =	simm.s32 $0x200;
	v27 =	vadd.s32 v1, v8;
	v17 =	vld.idx.msk [tilespmem:v17+s20+$0x0], $0xffff;
	[tilespmem:s15+$0x6030] =	vst v16  }
0x306: {  	s26 =	simm.s32 $0x280;
	s2 =	sand.u32 $0x1C00, s23;
	s13 =	simm.s32 $0x16A70;
	v16 =	vadd.s32 v5, v13;
	[tilespmem:s11+$0x6040] =	vst v18;
	v18 =	vld.idx.msk [tilespmem:v20+s20+$0x0], $0xffff  }
0x307: {  	s30 =	sand.u32 $0x280, s26;
	s2 =	sadd.s32 $0x10800, s2;
	v20 =	vadd.s32 v1, v9;
	[tilespmem:s13+$0xFFFFFF90] =	vst v21;
	v21 =	vld.idx.msk [tilespmem:v26+s20+$0x0], $0xffff  }
0x308: {  	s14 =	sor.u32 s30, s2;
	s16 =	simm.s32 $0x300;
	[tilespmem:s17+$0x6040] =	vst v19;
	v19 =	vadd.s32 v1, v10;
	v22 =	vld.idx.msk [tilespmem:v22+s20+$0x0], $0xffff  }
0x309: {  	v57 =	vadd.s32 v5, v14;
	s16 =	sand.u32 $0x300, s16;
	[tilespmem:s14+$0x6000] =	vst v24;
	v56 =	vld.idx.msk [tilespmem:v55+s20+$0x0], $0xffff  }
0x30a: {  	s18 =	sor.u32 s16, s2;
	s16 =	simm.s32 $0x380;
	v59 =	vadd.s32 v1, v11;
	v58 =	vld.idx.msk [tilespmem:v27+s20+$0x0], $0xffff;
	[tilespmem:s10+$0xFFFFFFD0] =	vst v23  }
0x30b: {  	s23 =	sand.u32 $0x380, s16;
	v23 =	vadd.s32 v6, v12;
	[tilespmem:s18+$0x6000] =	vst v17;
	v16 =	vld.idx.msk [tilespmem:v16+s20+$0x0], $0xffff  }
0x30c: {  	s2 =	sor.u32 s23, s2;
	v17 =	vadd.s32 v6, v15;
	v20 =	vld.idx.msk [tilespmem:v20+s20+$0x0], $0xffff;
	[tilespmem:s15+$0x6040] =	vst v18  }
0x30d: {  	v18 =	vadd.s32 v2, v8;
	v19 =	vld.idx.msk [tilespmem:v19+s20+$0x0], $0xffff;
	[tilespmem:s2+$0x6000] =	vst v21  }
0x30e: {  	v62 =	vadd.s32 v6, v13;
	[tilespmem:s11+$0x6050] =	vst v22;
	v21 =	vld.idx.msk [tilespmem:v57+s20+$0x0], $0xffff  }
0x30f: {  	v22 =	vadd.s32 v2, v9;
	[tilespmem:s17+$0x6050] =	vst v56;
	v27 =	vld.idx.msk [tilespmem:v59+s20+$0x0], $0xffff  }
0x310: {  	v60 =	vadd.s32 v2, v10;
	[tilespmem:s13+$0xFFFFFFA0] =	vst v58;
	v23 =	vld.idx.msk [tilespmem:v23+s20+$0x0], $0xffff  }
0x311: {  	v61 =	vadd.s32 v6, v14;
	v17 =	vld.idx.msk [tilespmem:v17+s20+$0x0], $0xffff;
	[tilespmem:s10+$0xFFFFFFE0] =	vst v16  }
0x312: {  	v15 =	vadd.s32 v7, v15;
	v16 =	vld.idx.msk [tilespmem:v18+s20+$0x0], $0xffff;
	[tilespmem:s14+$0x6010] =	vst v20  }
0x313: {  	v12 =	vadd.s32 v7, v12;
	[tilespmem:s18+$0x6010] =	vst v19;
	v18 =	vld.idx.msk [tilespmem:v62+s20+$0x0], $0xffff  }
0x314: {  	v19 =	vadd.s32 v2, v11;
	v20 =	vld.idx.msk [tilespmem:v22+s20+$0x0], $0xffff;
	[tilespmem:s15+$0x6050] =	vst v21  }
0x315: {  	v63 =	vadd.s32 v3, v9;
	v22 =	vld.idx.msk [tilespmem:v60+s20+$0x0], $0xffff;
	[tilespmem:s2+$0x6010] =	vst v27  }
0x316: {  	v28 =	vadd.s32 v3, v10;
	v24 =	vld.idx.msk [tilespmem:v61+s20+$0x0], $0xffff;
	[tilespmem:s17+$0x6060] =	vst v17  }
0x317: {  	[tilespmem:s11+$0x6060] =	vst v23;
	v17 =	vld.idx.msk [tilespmem:v15+s20+$0x0], $0xffff  }
0x318: {  	v14 =	vadd.s32 v7, v14;
	[tilespmem:s13+$0xFFFFFFB0] =	vst v16;
	v15 =	vld.idx.msk [tilespmem:v12+s20+$0x0], $0xffff  }
0x319: {  	v21 =	vld.idx.msk [tilespmem:v19+s20+$0x0], $0xffff;
	v16 =	vadd.s32 v7, v13;
	[tilespmem:s14+$0x6020] =	vst v20  }
0x31a: {  	v23 =	vadd.s32 v3, v8;
	[tilespmem:s18+$0x6020] =	vst v22;
	v19 =	vld.idx.msk [tilespmem:v63+s20+$0x0], $0xffff  }
0x31b: {  	s23 =	simm.s32 $0x8;
	v12 =	vadd.s32 v4, v9;
	v22 =	vadd.s32 v3, v11;
	v20 =	vld.idx.msk [tilespmem:v28+s20+$0x0], $0xffff;
	[tilespmem:s15+$0x6060] =	vst v24  }
.LBB2_29:
0x31c: {  	s26 =	sadd.s32 $0x1, s23  }
0x31d: {  	v13 =	vmov s23;
	p0 =	slt.u32 s23, $0x3C;
	v24 =	vadd.s32 v4, v8;
	[tilespmem:s10+$0xFFFFFFF0] =	vst v18;
	v14 =	vld.idx.msk [tilespmem:v14+s20+$0x0], $0xffff;
	s30 =	smov.u32 s23;
	s23 =	sadd.s32 $0x4, s23  }
0x31e: {  	v25 =	vadd.s32 v4, v10;
	v13 =	vand.u32 $0x3C, v13;
	v18 =	vmov s26;
	s26 =	sadd.s32 $0x2, s30;
	v16 =	vld.idx.msk [tilespmem:v16+s20+$0x0], $0xffff;
	[tilespmem:s17+$0x6070] =	vst v17;
	s17 =	smov.u32 s18  }
0x31f: {  	s18 =	sadd.s32 $0x3, s30;
	v17 =	vadd.s32 v0, v13;
	v18 =	vand.u32 $0x3D, v18;
	v26 =	vmov s26;
	v23 =	vld.idx.msk [tilespmem:v23+s20+$0x0], $0xffff;
	[tilespmem:s11+$0x6070] =	vst v15;
	s11 =	smov.u32 s14  }
0x320: {  	v27 =	vmov s18;
	v15 =	vadd.s32 v0, v18;
	v26 =	vand.u32 $0x3E, v26;
	[tilespmem:s2+$0x6020] =	vst v21  }
0x321: {  	v21 =	vadd.s32 v4, v18;
	v27 =	vand.u32 $0x3F, v27;
	v28 =	vadd.s32 v0, v26;
	[tilespmem:s11+$0x6030] =	vst v19;
	v19 =	vld.idx.msk [tilespmem:v22+s20+$0x0], $0xffff  }
0x322: {  	v22 =	vadd.s32 v0, v27;
	v29 =	vld.idx.msk [tilespmem:v12+s20+$0x0], $0xffff;
	[tilespmem:s17+$0x6030] =	vst v20;
	v12 =	vmov v21  }
0x323: {  	v21 =	vadd.s32 v4, v11;
	v20 =	vld.idx.msk [tilespmem:v25+s20+$0x0], $0xffff;
	[tilespmem:s15+$0x6070] =	vst v14;
	s15 =	smov.u32 s2  }
0x324: {  	v14 =	vld.idx.msk [tilespmem:v17+s20+$0x0], $0xffff;
	v17 =	vadd.s32 v5, v9;
	[tilespmem:s10+$0x0] =	vst v16;
	s10 =	smov.u32 s13  }
0x325: {  	v15 =	vld.idx.msk [tilespmem:v15+s20+$0x0], $0xffff;
	[tilespmem:s13+$0xFFFFFFC0] =	vst v23  }
0x326: {  	s16 =	sadd.s32 $0x200, s16;
	v23 =	vadd.s32 v5, v10;
	v16 =	vld.idx.msk [tilespmem:v24+s20+$0x0], $0xffff  }
0x327: {  	s2 =	sadd.s32 $0xFFFFFE80, s16;
	v24 =	vadd.s32 v1, v13;
	v25 =	vld.idx.msk [tilespmem:v28+s20+$0x0], $0xffff;
	[tilespmem:s15+$0x6030] =	vst v19  }
0x328: {  	s14 =	sadd.s32 $0xFFFFFF00, s16;
	s2 =	sand.u32 $0x1C00, s2;
	v19 =	vadd.s32 v5, v8;
	[tilespmem:s11+$0x6040] =	vst v29;
	v21 =	vld.idx.msk [tilespmem:v21+s20+$0x0], $0xffff  }
0x329: {  	s14 =	sand.u32 $0x280, s14;
	s2 =	sadd.s32 $0x10800, s2;
	s13 =	sadd.s32 $0x200, s13;
	v28 =	vadd.s32 v1, v18;
	v17 =	vld.idx.msk [tilespmem:v17+s20+$0x0], $0xffff;
	[tilespmem:s17+$0x6040] =	vst v20  }
0x32a: {  	s18 =	sadd.s32 $0xFFFFFF80, s16;
	s14 =	sor.u32 s14, s2;
	[tilespmem:s13+$0xFFFFFF90] =	vst v14;
	v14 =	vadd.s32 v1, v26;
	v20 =	vld.idx.msk [tilespmem:v22+s20+$0x0], $0xffff  }
0x32b: {  	s18 =	sand.u32 $0x300, s18;
	v22 =	vadd.s32 v5, v11;
	[tilespmem:s14+$0x6000] =	vst v15;
	v15 =	vld.idx.msk [tilespmem:v23+s20+$0x0], $0xffff  }
0x32c: {  	s18 =	sor.u32 s18, s2;
	v23 =	vld.idx.msk [tilespmem:v24+s20+$0x0], $0xffff;
	[tilespmem:s10+$0xFFFFFFD0] =	vst v16;
	v16 =	vadd.s32 v6, v9  }
0x32d: {  	v24 =	vadd.s32 v6, v10;
	[tilespmem:s18+$0x6000] =	vst v25;
	v19 =	vld.idx.msk [tilespmem:v19+s20+$0x0], $0xffff  }
0x32e: {  	s26 =	sand.u32 $0x380, s16;
	v25 =	vld.idx.msk [tilespmem:v28+s20+$0x0], $0xffff;
	v28 =	vadd.s32 v1, v27;
	[tilespmem:s15+$0x6040] =	vst v21  }
0x32f: {  	s2 =	sor.u32 s26, s2;
	v21 =	vadd.s32 v2, v13;
	v14 =	vld.idx.msk [tilespmem:v14+s20+$0x0], $0xffff;
	[tilespmem:s11+$0x6050] =	vst v17  }
0x330: {  	v17 =	vadd.s32 v2, v18;
	[tilespmem:s2+$0x6000] =	vst v20;
	v20 =	vld.idx.msk [tilespmem:v22+s20+$0x0], $0xffff  }
0x331: {  	v22 =	vadd.s32 v2, v26;
	v16 =	vld.idx.msk [tilespmem:v16+s20+$0x0], $0xffff;
	[tilespmem:s17+$0x6050] =	vst v15  }
0x332: {  	v15 =	vadd.s32 v6, v8;
	[tilespmem:s13+$0xFFFFFFA0] =	vst v23;
	v23 =	vld.idx.msk [tilespmem:v24+s20+$0x0], $0xffff;
	v24 =	vadd.s32 v6, v11  }
0x333: {  	v28 =	vld.idx.msk [tilespmem:v28+s20+$0x0], $0xffff;
	[tilespmem:s10+$0xFFFFFFE0] =	vst v19  }
0x334: {  	v19 =	vld.idx.msk [tilespmem:v21+s20+$0x0], $0xffff;
	[tilespmem:s14+$0x6010] =	vst v25;
	v21 =	vadd.s32 v7, v10;
	v10 =	vmov v26  }
0x335: {  	v26 =	vadd.s32 v7, v9;
	v9 =	vmov v18;
	v25 =	vld.idx.msk [tilespmem:v17+s20+$0x0], $0xffff;
	[tilespmem:s18+$0x6010] =	vst v14  }
0x336: {  	v29 =	vadd.s32 v2, v27;
	v22 =	vld.idx.msk [tilespmem:v22+s20+$0x0], $0xffff;
	[tilespmem:s15+$0x6050] =	vst v20  }
0x337: {  	v20 =	vadd.s32 v3, v9;
	[tilespmem:s11+$0x6060] =	vst v16;
	v24 =	vld.idx.msk [tilespmem:v24+s20+$0x0], $0xffff  }
0x338: {  	v30 =	vadd.s32 v3, v10;
	v18 =	vld.idx.msk [tilespmem:v15+s20+$0x0], $0xffff;
	[tilespmem:s17+$0x6060] =	vst v23  }
.Ltmp18:
0x339: {  	v14 =	vadd.s32 v7, v11;
	v16 =	vadd.s32 v7, v8;
	v8 =	vmov v13;
	[tilespmem:s2+$0x6010] =	vst v28;
	v17 =	vld.idx.msk [tilespmem:v21+s20+$0x0], $0xffff;
	(pc) =	sbr.rel @p0 .LBB2_29-.Ltmp18, $4  }
0x33a: {  	v11 =	vmov v27;
	[tilespmem:s13+$0xFFFFFFB0] =	vst v19;
	v15 =	vld.idx.msk [tilespmem:v26+s20+$0x0], $0xffff  }
0x33b: {  	v23 =	vadd.s32 v3, v8;
	[tilespmem:s14+$0x6020] =	vst v25;
	v21 =	vld.idx.msk [tilespmem:v29+s20+$0x0], $0xffff  }
0x33c: {  	v19 =	vld.idx.msk [tilespmem:v20+s20+$0x0], $0xffff;
	[tilespmem:s18+$0x6020] =	vst v22  }
0x33d: {  	v22 =	vadd.s32 v3, v11;
	v20 =	vld.idx.msk [tilespmem:v30+s20+$0x0], $0xffff;
	[tilespmem:s15+$0x6060] =	vst v24  }
0x33e: {  	_ =	sdelay $0x3  }
0x33f: {  	v13 =	vadd.s32 v4, v10;
	v46 =	vld.idx.msk [tilespmem:v23+s20+$0x0], $0xffff;
	[tilespmem:s2+$0x6020] =	vst v21  }
0x340: {  	v24 =	vadd.s32 v4, v8;
	v21 =	vld.idx.msk [tilespmem:v22+s20+$0x0], $0xffff  }
0x341: {  	v47 =	vadd.s32 v4, v11  }
0x342: {  	[tilespmem:s14+$0x6030] =	vst v19  }
0x343: {  	[tilespmem:s18+$0x6030] =	vst v20;
	v12 =	vld.idx.msk [tilespmem:v12+s20+$0x0], $0xffff  }
0x344: {  	v49 =	vadd.s32 v5, v9;
	v13 =	vld.idx.msk [tilespmem:v13+s20+$0x0], $0xffff;
	[tilespmem:s13+$0xFFFFFFC0] =	vst v46  }
0x345: {  	v48 =	vadd.s32 v5, v10;
	v22 =	vld.idx.msk [tilespmem:v24+s20+$0x0], $0xffff;
	[tilespmem:s2+$0x6030] =	vst v21  }
0x346: {  	v51 =	vadd.s32 v5, v8;
	v21 =	vld.idx.msk [tilespmem:v47+s20+$0x0], $0xffff  }
0x347: {  	v50 =	vadd.s32 v5, v11  }
0x348: {  	[tilespmem:s14+$0x6040] =	vst v12  }
0x349: {  	[tilespmem:s18+$0x6040] =	vst v13;
	v53 =	vld.idx.msk [tilespmem:v49+s20+$0x0], $0xffff  }
0x34a: {  	v55 =	vadd.s32 v6, v9;
	v52 =	vld.idx.msk [tilespmem:v48+s20+$0x0], $0xffff;
	[tilespmem:s13+$0xFFFFFFD0] =	vst v22  }
0x34b: {  	v54 =	vadd.s32 v6, v10;
	v22 =	vld.idx.msk [tilespmem:v51+s20+$0x0], $0xffff;
	[tilespmem:s2+$0x6040] =	vst v21  }
0x34c: {  	v57 =	vadd.s32 v6, v8;
	v21 =	vld.idx.msk [tilespmem:v50+s20+$0x0], $0xffff  }
0x34d: {  	v56 =	vadd.s32 v6, v11;
	[tilespmem:s10+$0xFFFFFFF0] =	vst v18  }
0x34e: {  	[tilespmem:s14+$0x6050] =	vst v53  }
0x34f: {  	[tilespmem:s18+$0x6050] =	vst v52;
	v13 =	vld.idx.msk [tilespmem:v55+s20+$0x0], $0xffff  }
0x350: {  	v59 =	vadd.s32 v7, v9;
	v12 =	vld.idx.msk [tilespmem:v54+s20+$0x0], $0xffff;
	[tilespmem:s13+$0xFFFFFFE0] =	vst v22  }
0x351: {  	v58 =	vadd.s32 v7, v10;
	v61 =	vld.idx.msk [tilespmem:v57+s20+$0x0], $0xffff;
	[tilespmem:s2+$0x6050] =	vst v21  }
0x352: {  	[tilespmem:s17+$0x6070] =	vst v17;
	v8 =	vadd.s32 v7, v8;
	v60 =	vld.idx.msk [tilespmem:v56+s20+$0x0], $0xffff  }
0x353: {  	v62 =	vadd.s32 v7, v11;
	v14 =	vld.idx.msk [tilespmem:v14+s20+$0x0], $0xffff;
	[tilespmem:s11+$0x6070] =	vst v15  }
0x354: {  	v63 =	vld.idx.msk [tilespmem:v16+s20+$0x0], $0xffff;
	[tilespmem:s14+$0x6060] =	vst v13  }
0x355: {  	[tilespmem:s18+$0x6060] =	vst v12;
	v9 =	vld.idx.msk [tilespmem:v59+s20+$0x0], $0xffff  }
0x356: {  	v10 =	vld.idx.msk [tilespmem:v58+s20+$0x0], $0xffff;
	[tilespmem:s13+$0xFFFFFFF0] =	vst v61  }
0x357: {  	v8 =	vld.idx.msk [tilespmem:v8+s20+$0x0], $0xffff;
	[tilespmem:s2+$0x6060] =	vst v60  }
0x358: {  	[tilespmem:s15+$0x6070] =	vst v14;
	v11 =	vld.idx.msk [tilespmem:v62+s20+$0x0], $0xffff  }
0x359: {  	p0 =	seq.s32 s3, $0x31;
	[tilespmem:s10+$0x0] =	vst v63  }
.Ltmp19:
0x35a: {  	[tilespmem:s14+$0x6070] =	vst v9;
	(pc) =	sbr.rel @p0 .LBB2_32-.Ltmp19, $4  }
0x35b: {  	[tilespmem:s18+$0x6070] =	vst v10  }
0x35c: {  	[tilespmem:s13+$0x0] =	vst v8  }
0x35d: {  	s30 =	sadd.s32 s5, s9;
	[tilespmem:s2+$0x6070] =	vst v11  }
0x35e: {  	[hbm4b:s30+s21] =	stream.strided.scatter [tilespmem:s0], [sflag:$0x8], $0x2000, s22, s21, $0x38;
	[tilespmem:$0x18800] =	vst v63  }
.Ltmp20:
0x35f: {  	(pc) =	sbr.rel .LBB2_2-.Ltmp20, $4  }
0x360: {  	s2 =	sshll.u32 s3, $0x9  }
0x361: {  	s2 =	sand.u32 $0x3FFFFE00, s2  }
0x362: {  	s5 =	simm.s32 $0xC400;
	s3 =	sadd.s32 $0x1, s3;
	s2 =	sadd.s32 $0x380, s2  }
0x363: {  	[tilespmem:s5], [sflag:$0x4] =	stream.indirect.gather [hbm4b:s4+s12], $0x40, s2, s12, $0xb8;
	[tilespmem:$0x18800] =	vst v63  }
.LBB2_33:
0x364: {  	_ =	sfence.sel $0x180000  }
0x365: {  	[bflag:$0x0] =	sbarrier.arrive $0xFFFF  }
0x366: {  	_ =	strace $0x90000047  }
0x367: {  	s0 =	stileid.u32;
	[bflag:$0x2] =	sbarrier.arrive $0xFFFF  }
0x368: {  	p0 =	sne.s32 s0, $0x0;
	s0 =	rddreg [dreg:$0x2]  }
0x369: {  	s0 =	sadd.s32 @!p0 $0x100000, s0  }
0x36a: {  	[sflag:s0] =	ssyncadd.tile.s32 @!p0 $0x1;
	_ =	shalt  }
.Lfunc_end2:
_tile_overlayer_lowered:
.L_overlay_start_2:
0x36b: {  	(tag) =	ssettag $0x2  }
0x36c: {  	s0 =	rddreg [dreg:$0x0];
	s2 =	stileid.u32  }
0x36d: {  	s1 =	rddreg [dreg:$0x1];
	p0 =	sne.s32 s2, $0x0  }
0x36e: {  	s3 =	rddreg [dreg:$0x2];
	[bflag:$0x3] =	sbarrier.arrive $0xFFFF;
	s2 =	simm.s32 @!p0 $0x1C09  }
0x36f: {  	[timem:s3], [sflag:s2] =	dma.local @!p0 [hbm:s0], s1  }
0x370: {  	s0 =	simm.s32 @!p0 $0x9  }
0x371: {  	_ =	swait.ge @!p0 [sflag:s0], s1  }
0x372: {  	s1 =	ssub.s32 @!p0 $0x0, s1;
	[sflag:s0] =	ssyncset.done @!p0 $0x0  }
0x373: {  	[sflag:s0] =	ssyncadd.s32 @!p0 s1  }
0x374: {  	[bflag:$0x3] =	sbarrier.arrive $0xFFFF  }
0x375: {  	_ =	shalt  }

</sc_bundles>
